<compile_context>
chip_gen: v7x
topology: tpu7x:2x2x1
jax: 0.10.2.dev20260603
libtpu: 0.0.44.dev20260713+nightly
codegen_flags: <defaults>
</compile_context>

<pallas_src>
import jax
import jax.numpy as jnp
from jax import lax
from jax.experimental import pallas as pl
from jax.experimental.pallas import tpu as pltpu
from jax.experimental.pallas import tpu_sc as plsc

_B = 16
_N = 16384
_H = _N // 2
_NOUT = 1360
_L = 16
_ROW = 2 * _L


def _fps_body(xs, ys, zs, out, shared, xv, yv, zv, dist,
              exw, exr, s2x, s2y, s2z, s3x, s3y, s3z, s4x, s4y, s4z, outv):
    c = lax.axis_index("c")
    s = lax.axis_index("s")
    cloud = c * 8 + s // 2
    half = s % 2

    pltpu.sync_copy(xs.at[cloud], xv)
    pltpu.sync_copy(ys.at[cloud], yv)
    pltpu.sync_copy(zs.at[cloud], zv)

    lane = lax.iota(jnp.int32, _L)
    lane0 = lane == 0
    big = jnp.full((_L,), 1e10, jnp.float32)

    def scan_half(px, py, pz, pt_base, n_local, cx, cy, cz):
        nacc = 4 if n_local >= 64 else 1
        carry0 = (
            tuple(jnp.full((_L,), -1.0, jnp.float32) for _ in range(nacc)),
            tuple(jnp.zeros((_L,), jnp.int32) for _ in range(nacc)),
        )

        def scan(j, carry):
            avs, ais = carry
            navs, nais = [], []
            for k in range(nacc):
                b0 = j + k * _L
                dx = px[pl.ds(pt_base + b0, _L)] - cx
                dy = py[pl.ds(pt_base + b0, _L)] - cy
                dz = pz[pl.ds(pt_base + b0, _L)] - cz
                d = dx * dx + dy * dy + dz * dz
                dn = jnp.minimum(dist[pl.ds(b0, _L)], d)
                dist[pl.ds(b0, _L)] = dn
                m = dn > avs[k]
                navs.append(jnp.where(m, dn, avs[k]))
                nais.append(jnp.where(m, lane + (pt_base + b0), ais[k]))
            return tuple(navs), tuple(nais)

        avs, ais = plsc.parallel_loop(
            0, n_local, step=nacc * _L, unroll=4, carry=carry0)(scan)
        em = avs[0]
        for k in range(1, nacc):
            em = jnp.maximum(em, avs[k])
        mgv = jnp.full((_L,), jnp.max(em))
        cm = jnp.full((_L,), _N, jnp.int32)
        for k in range(nacc):
            cm = jnp.minimum(cm, jnp.where(avs[k] == mgv, ais[k], _N))
        nxtv = jnp.full((_L,), jnp.min(cm))
        return mgv, nxtv

    def init_dist(n_local):
        def init(j, carry):
            dist[pl.ds(j * _L, _L)] = big
            return carry
        lax.fori_loop(0, n_local // _L, init, 0, unroll=4)

    init_dist(_H)
    pt_base = half * _H
    myslot = s * 2 * _ROW
    pslot = (s ^ 1) * 2 * _ROW

    def stage1_iter(i, farv):
        cx = plsc.load_gather(xv, [farv])
        cy = plsc.load_gather(yv, [farv])
        cz = plsc.load_gather(zv, [farv])

        @pl.when(half == 0)
        def _():
            ivs = jnp.full((_L,), i, jnp.int32)
            plsc.store_scatter(outv, [ivs], farv, mask=lane0)
            plsc.store_scatter(s2x, [ivs], cx, mask=lane0)
            plsc.store_scatter(s2y, [ivs], cy, mask=lane0)
            plsc.store_scatter(s2z, [ivs], cz, mask=lane0)

        mgv, nxtv = scan_half(xv, yv, zv, pt_base, _H, cx, cy, cz)

        exw[pl.ds(0, _L)] = plsc.bitcast(mgv, jnp.int32)
        exw[pl.ds(_L, _L)] = nxtv
        parity = (i % 2) * _ROW
        pltpu.sync_copy(exw, shared.at[pl.ds(myslot + parity, _ROW)])
        plsc.subcore_barrier()
        pltpu.sync_copy(shared.at[pl.ds(pslot + parity, _ROW)], exr)
        pmv = plsc.bitcast(exr[pl.ds(0, _L)], jnp.float32)
        piv = exr[pl.ds(_L, _L)]
        take = (pmv > mgv) | ((pmv == mgv) & (piv < nxtv))
        return jnp.where(take, piv, nxtv)

    lax.fori_loop(0, 1024, stage1_iter, jnp.zeros((_L,), jnp.int32))

    @pl.when(half == 0)
    def _():
        def run_stage(px, py, pz, n, npoint, off, prev_off, sel):
            init_dist(n)

            def one_iter(i, farv):
                cx = plsc.load_gather(px, [farv])
                cy = plsc.load_gather(py, [farv])
                cz = plsc.load_gather(pz, [farv])
                iv = jnp.full((_L,), off + i, jnp.int32)
                val = plsc.load_gather(outv, [prev_off + farv])
                plsc.store_scatter(outv, [iv], val, mask=lane0)
                if sel is not None:
                    sx, sy, sz = sel
                    ivs = jnp.full((_L,), i, jnp.int32)
                    plsc.store_scatter(sx, [ivs], cx, mask=lane0)
                    plsc.store_scatter(sy, [ivs], cy, mask=lane0)
                    plsc.store_scatter(sz, [ivs], cz, mask=lane0)
                _, nxtv = scan_half(px, py, pz, 0, n, cx, cy, cz)
                return nxtv

            lax.fori_loop(0, npoint, one_iter, jnp.zeros((_L,), jnp.int32))

        run_stage(s2x, s2y, s2z, 1024, 256, 1024, 0, (s3x, s3y, s3z))
        run_stage(s3x, s3y, s3z, 256, 64, 1280, 1024, (s4x, s4y, s4z))
        run_stage(s4x, s4y, s4z, 64, 16, 1344, 1280, None)

        pltpu.sync_copy(outv, out.at[cloud])


@jax.jit
def kernel(x):
    xyz = x[..., :3]
    xs = xyz[..., 0]
    ys = xyz[..., 1]
    zs = xyz[..., 2]
    f = pl.kernel(
        _fps_body,
        out_type=jax.ShapeDtypeStruct((_B, _NOUT), jnp.int32),
        mesh=plsc.VectorSubcoreMesh(core_axis_name="c", subcore_axis_name="s"),
        compiler_params=pltpu.CompilerParams(needs_layout_passes=False),
        scratch_types=[
            pltpu.VMEM_SHARED((16 * 2 * _ROW,), jnp.int32),
            pltpu.VMEM((_N,), jnp.float32),
            pltpu.VMEM((_N,), jnp.float32),
            pltpu.VMEM((_N,), jnp.float32),
            pltpu.VMEM((_H,), jnp.float32),
            pltpu.VMEM((_ROW,), jnp.int32),
            pltpu.VMEM((_ROW,), jnp.int32),
            pltpu.VMEM((1024,), jnp.float32),
            pltpu.VMEM((1024,), jnp.float32),
            pltpu.VMEM((1024,), jnp.float32),
            pltpu.VMEM((256,), jnp.float32),
            pltpu.VMEM((256,), jnp.float32),
            pltpu.VMEM((256,), jnp.float32),
            pltpu.VMEM((64,), jnp.float32),
            pltpu.VMEM((64,), jnp.float32),
            pltpu.VMEM((64,), jnp.float32),
            pltpu.VMEM((_NOUT,), jnp.int32),
        ],
    )
    return f(xs, ys, zs)

# --- scband reference (transcript-rebuilt; emitter-appended) ---
"""Pipeline reference for scband-point-net2-4355096838383 (READ-ONLY COPY).

The authoritative reference and input builder live on the scoring server;
editing this copy changes nothing except your own understanding.
"""

import jax, jax.numpy as jnp
import numpy as np

NUM_POINTS = (1024, 256, 64, 16)


def _fps(xyz, npoint):
    # D-FPS farthest point sampling, identical to mmdet3d CUDA kernel semantics:
    # start from index 0, iteratively pick the point with max min-distance.
    B, N, _ = xyz.shape

    def body(i, state):
        dists, idxs, farthest = state
        centroid = jnp.take_along_axis(xyz, farthest[:, None, None], axis=1)  # [B,1,3]
        d = jnp.sum((xyz - centroid) ** 2, axis=-1)  # [B,N]
        dists = jnp.minimum(dists, d)
        idxs = idxs.at[:, i].set(farthest)
        nxt = jnp.argmax(dists, axis=-1).astype(jnp.int32)
        return dists, idxs, nxt

    dists = jnp.full((B, N), 1e10, dtype=xyz.dtype)
    idxs = jnp.zeros((B, npoint), dtype=jnp.int32)
    farthest = jnp.zeros((B,), dtype=jnp.int32)
    _, idxs, _ = jax.lax.fori_loop(0, npoint, body, (dists, idxs, farthest))
    return idxs


def setup_inputs(seed: int = 0) -> dict:
    key = jax.random.key(seed)
    x = jax.random.normal(key, (16, 16384, 3), dtype=jnp.float32)
    return {"x": x}


def reference(x):
    # PointNet2SAMSG backbone with in_channels=3: points are pure xyz, features=None.
    # The wrapper returns cat(sa_indices[1:], dim=1): the absolute FPS indices of
    # stages 1..4 (1024+256+64+16 = 1360 per cloud). With fps_mod='D-FPS' the
    # indices depend only on the xyz FPS chain (MLPs/ball-query never touch them).
    xyz = x[..., :3]
    B, N, _ = xyz.shape
    cur_idx = jnp.broadcast_to(jnp.arange(N, dtype=jnp.int32)[None, :], (B, N))
    cur_xyz = xyz
    out_indices = []
    for npoint in NUM_POINTS:
        fps_idx = _fps(cur_xyz, npoint)                                  # [B,npoint] local idx
        abs_idx = jnp.take_along_axis(cur_idx, fps_idx, axis=1)          # map to absolute idx
        cur_xyz = jnp.take_along_axis(cur_xyz, fps_idx[:, :, None], axis=1)
        cur_idx = abs_idx
        out_indices.append(abs_idx)
    sa_vector = jnp.concatenate(out_indices, axis=1)                     # [B, 1360]
    return sa_vector

if __name__ == "__main__":
    import jax
    _d = setup_inputs()
    print(jax.jit(kernel)(*tuple(_d.values())))

</pallas_src>

<mosaic_0001>
#map = affine_map<(d0, d1) -> (0, 0)>
module attributes {stable_mosaic.version = 14 : i64} {
  func.func @_fps_body(%arg0: i32, %arg1: i32, %arg2: memref<16x16384xf32, #tpu.memory_space<hbm>>, %arg3: memref<16x16384xf32, #tpu.memory_space<hbm>>, %arg4: memref<16x16384xf32, #tpu.memory_space<hbm>>, %arg5: memref<16x1360xi32, #tpu.memory_space<hbm>>, %arg6: memref<1024xi32, #tpu.memory_space<vmem_shared>>, %arg7: memref<16384xf32, #tpu.memory_space<vmem>>, %arg8: memref<16384xf32, #tpu.memory_space<vmem>>, %arg9: memref<16384xf32, #tpu.memory_space<vmem>>, %arg10: memref<8192xf32, #tpu.memory_space<vmem>>, %arg11: memref<32xi32, #tpu.memory_space<vmem>>, %arg12: memref<32xi32, #tpu.memory_space<vmem>>, %arg13: memref<1024xf32, #tpu.memory_space<vmem>>, %arg14: memref<1024xf32, #tpu.memory_space<vmem>>, %arg15: memref<1024xf32, #tpu.memory_space<vmem>>, %arg16: memref<256xf32, #tpu.memory_space<vmem>>, %arg17: memref<256xf32, #tpu.memory_space<vmem>>, %arg18: memref<256xf32, #tpu.memory_space<vmem>>, %arg19: memref<64xf32, #tpu.memory_space<vmem>>, %arg20: memref<64xf32, #tpu.memory_space<vmem>>, %arg21: memref<64xf32, #tpu.memory_space<vmem>>, %arg22: memref<1360xi32, #tpu.memory_space<vmem>>) attributes {dimension_semantics = [#tpu.dimension_semantics<core_parallel>, #tpu.dimension_semantics<subcore_parallel>], iteration_bounds = array<i64: 2, 16>, scalar_prefetch = 0 : i64, scratch_operands = 17 : i64, tpu.core_type = #tpu.core_type<sc_vector_subcore>, window_params = [{transform_indices = #map}, {transform_indices = #map}, {transform_indices = #map}, {transform_indices = #map}]} {
    %mul3A = arith.constant 8 : i32
    %mul3A_0 = arith.muli %arg0, %mul3A : i32
    %jit3A = arith.constant 2 : i32
    %div3A = arith.divsi %arg1, %jit3A : i32
    %sign3A = arith.constant 0 : i32
    %sign3A_1 = arith.cmpi sgt, %arg1, %sign3A : i32
    %sign3A_2 = arith.extui %sign3A_1 : i1 to i32
    %sign3A_3 = arith.constant 0 : i32
    %sign3A_4 = arith.cmpi slt, %arg1, %sign3A_3 : i32
    %sign3A_5 = arith.extui %sign3A_4 : i1 to i32
    %sign3A_6 = arith.subi %sign3A_2, %sign3A_5 : i32
    %sign3A_7 = arith.constant 0 : i32
    %sign3A_8 = arith.cmpi sgt, %jit3A, %sign3A_7 : i32
    %sign3A_9 = arith.extui %sign3A_8 : i1 to i32
    %sign3A_10 = arith.constant 0 : i32
    %sign3A_11 = arith.cmpi slt, %jit3A, %sign3A_10 : i32
    %sign3A_12 = arith.extui %sign3A_11 : i1 to i32
    %sign3A_13 = arith.subi %sign3A_9, %sign3A_12 : i32
    %ne3A = arith.cmpi ne, %sign3A_6, %sign3A_13 : i32
    %rem3A = arith.remsi %arg1, %jit3A : i32
    %ne3A_14 = arith.constant 0 : i32
    %ne3A_15 = arith.cmpi ne, %rem3A, %ne3A_14 : i32
    %and3A = arith.andi %ne3A, %ne3A_15 : i1
    %sub3A = arith.constant 1 : i32
    %sub3A_16 = arith.subi %div3A, %sub3A : i32
    %select_n3A = arith.select %and3A, %sub3A_16, %div3A : i32
    %add3A = arith.addi %mul3A_0, %select_n3A : i32
    %jit3A_17 = arith.constant 2 : i32
    %eq3A = arith.constant 0 : i32
    %eq3A_18 = arith.cmpi eq, %jit3A_17, %eq3A : i32
    %jit3A_19 = arith.constant 1 : i32
    %select_n3A_20 = arith.select %eq3A_18, %jit3A_19, %jit3A_17 : i32
    %rem3A_21 = arith.remsi %arg1, %select_n3A_20 : i32
    %ne3A_22 = arith.constant 0 : i32
    %ne3A_23 = arith.cmpi ne, %rem3A_21, %ne3A_22 : i32
    %lt3A = arith.constant 0 : i32
    %lt3A_24 = arith.cmpi slt, %rem3A_21, %lt3A : i32
    %lt3A_25 = arith.constant 0 : i32
    %lt3A_26 = arith.cmpi slt, %select_n3A_20, %lt3A_25 : i32
    %ne3A_27 = arith.xori %lt3A_24, %lt3A_26 : i1
    %and3A_28 = arith.andi %ne3A_27, %ne3A_23 : i1
    %add3A_29 = arith.addi %rem3A_21, %select_n3A_20 : i32
    %select_n3A_30 = arith.select %and3A_28, %add3A_29, %rem3A_21 : i32
    "tpu.region"() ({
      %run_scoped3A = tpu.sem_alloc : memref<!tpu.dma_semaphore, #tpu.memory_space<semaphore_mem>>
      %dma_start3A = arith.constant 0 : i32
      %dma_start3A_62 = tpu.memref_slice %arg2[%add3A, %dma_start3A] : memref<16x16384xf32, #tpu.memory_space<hbm>> -> memref<1x16384xf32, #tpu.memory_space<hbm>>
      %dma_start3A_63 = tpu.memref_squeeze %dma_start3A_62 : memref<1x16384xf32, #tpu.memory_space<hbm>> -> memref<16384xf32, #tpu.memory_space<hbm>>
      %dma_start3A_64 = arith.constant 0 : i32
      %dma_start3A_65 = tpu.memref_slice %arg2[%add3A, %dma_start3A_64] : memref<16x16384xf32, #tpu.memory_space<hbm>> -> memref<1x16384xf32, #tpu.memory_space<hbm>>
      %dma_start3A_66 = tpu.memref_squeeze %dma_start3A_65 : memref<1x16384xf32, #tpu.memory_space<hbm>> -> memref<16384xf32, #tpu.memory_space<hbm>>
      tpu.enqueue_dma source(%dma_start3A_66 : memref<16384xf32, #tpu.memory_space<hbm>>) target(%arg7 : memref<16384xf32, #tpu.memory_space<vmem>>) target_semaphore(%run_scoped3A : memref<!tpu.dma_semaphore, #tpu.memory_space<semaphore_mem>>)
      %dma_wait3A = arith.constant 0 : i32
      %dma_wait3A_67 = tpu.memref_slice %arg2[%add3A, %dma_wait3A] : memref<16x16384xf32, #tpu.memory_space<hbm>> -> memref<1x16384xf32, #tpu.memory_space<hbm>>
      %dma_wait3A_68 = tpu.memref_squeeze %dma_wait3A_67 : memref<1x16384xf32, #tpu.memory_space<hbm>> -> memref<16384xf32, #tpu.memory_space<hbm>>
      %dma_wait3A_69 = arith.constant 0 : i32
      %dma_wait3A_70 = tpu.memref_slice %arg2[%add3A, %dma_wait3A_69] : memref<16x16384xf32, #tpu.memory_space<hbm>> -> memref<1x16384xf32, #tpu.memory_space<hbm>>
      %dma_wait3A_71 = tpu.memref_squeeze %dma_wait3A_70 : memref<1x16384xf32, #tpu.memory_space<hbm>> -> memref<16384xf32, #tpu.memory_space<hbm>>
      tpu.wait_dma2 semaphore(%run_scoped3A : memref<!tpu.dma_semaphore, #tpu.memory_space<semaphore_mem>>) src(%dma_wait3A_71 : memref<16384xf32, #tpu.memory_space<hbm>>) dst(%arg7 : memref<16384xf32, #tpu.memory_space<vmem>>)
      tpu.yield
    }) : () -> ()
    "tpu.region"() ({
      %run_scoped3A = tpu.sem_alloc : memref<!tpu.dma_semaphore, #tpu.memory_space<semaphore_mem>>
      %dma_start3A = arith.constant 0 : i32
      %dma_start3A_62 = tpu.memref_slice %arg3[%add3A, %dma_start3A] : memref<16x16384xf32, #tpu.memory_space<hbm>> -> memref<1x16384xf32, #tpu.memory_space<hbm>>
      %dma_start3A_63 = tpu.memref_squeeze %dma_start3A_62 : memref<1x16384xf32, #tpu.memory_space<hbm>> -> memref<16384xf32, #tpu.memory_space<hbm>>
      %dma_start3A_64 = arith.constant 0 : i32
      %dma_start3A_65 = tpu.memref_slice %arg3[%add3A, %dma_start3A_64] : memref<16x16384xf32, #tpu.memory_space<hbm>> -> memref<1x16384xf32, #tpu.memory_space<hbm>>
      %dma_start3A_66 = tpu.memref_squeeze %dma_start3A_65 : memref<1x16384xf32, #tpu.memory_space<hbm>> -> memref<16384xf32, #tpu.memory_space<hbm>>
      tpu.enqueue_dma source(%dma_start3A_66 : memref<16384xf32, #tpu.memory_space<hbm>>) target(%arg8 : memref<16384xf32, #tpu.memory_space<vmem>>) target_semaphore(%run_scoped3A : memref<!tpu.dma_semaphore, #tpu.memory_space<semaphore_mem>>)
      %dma_wait3A = arith.constant 0 : i32
      %dma_wait3A_67 = tpu.memref_slice %arg3[%add3A, %dma_wait3A] : memref<16x16384xf32, #tpu.memory_space<hbm>> -> memref<1x16384xf32, #tpu.memory_space<hbm>>
      %dma_wait3A_68 = tpu.memref_squeeze %dma_wait3A_67 : memref<1x16384xf32, #tpu.memory_space<hbm>> -> memref<16384xf32, #tpu.memory_space<hbm>>
      %dma_wait3A_69 = arith.constant 0 : i32
      %dma_wait3A_70 = tpu.memref_slice %arg3[%add3A, %dma_wait3A_69] : memref<16x16384xf32, #tpu.memory_space<hbm>> -> memref<1x16384xf32, #tpu.memory_space<hbm>>
      %dma_wait3A_71 = tpu.memref_squeeze %dma_wait3A_70 : memref<1x16384xf32, #tpu.memory_space<hbm>> -> memref<16384xf32, #tpu.memory_space<hbm>>
      tpu.wait_dma2 semaphore(%run_scoped3A : memref<!tpu.dma_semaphore, #tpu.memory_space<semaphore_mem>>) src(%dma_wait3A_71 : memref<16384xf32, #tpu.memory_space<hbm>>) dst(%arg8 : memref<16384xf32, #tpu.memory_space<vmem>>)
      tpu.yield
    }) : () -> ()
    "tpu.region"() ({
      %run_scoped3A = tpu.sem_alloc : memref<!tpu.dma_semaphore, #tpu.memory_space<semaphore_mem>>
      %dma_start3A = arith.constant 0 : i32
      %dma_start3A_62 = tpu.memref_slice %arg4[%add3A, %dma_start3A] : memref<16x16384xf32, #tpu.memory_space<hbm>> -> memref<1x16384xf32, #tpu.memory_space<hbm>>
      %dma_start3A_63 = tpu.memref_squeeze %dma_start3A_62 : memref<1x16384xf32, #tpu.memory_space<hbm>> -> memref<16384xf32, #tpu.memory_space<hbm>>
      %dma_start3A_64 = arith.constant 0 : i32
      %dma_start3A_65 = tpu.memref_slice %arg4[%add3A, %dma_start3A_64] : memref<16x16384xf32, #tpu.memory_space<hbm>> -> memref<1x16384xf32, #tpu.memory_space<hbm>>
      %dma_start3A_66 = tpu.memref_squeeze %dma_start3A_65 : memref<1x16384xf32, #tpu.memory_space<hbm>> -> memref<16384xf32, #tpu.memory_space<hbm>>
      tpu.enqueue_dma source(%dma_start3A_66 : memref<16384xf32, #tpu.memory_space<hbm>>) target(%arg9 : memref<16384xf32, #tpu.memory_space<vmem>>) target_semaphore(%run_scoped3A : memref<!tpu.dma_semaphore, #tpu.memory_space<semaphore_mem>>)
      %dma_wait3A = arith.constant 0 : i32
      %dma_wait3A_67 = tpu.memref_slice %arg4[%add3A, %dma_wait3A] : memref<16x16384xf32, #tpu.memory_space<hbm>> -> memref<1x16384xf32, #tpu.memory_space<hbm>>
      %dma_wait3A_68 = tpu.memref_squeeze %dma_wait3A_67 : memref<1x16384xf32, #tpu.memory_space<hbm>> -> memref<16384xf32, #tpu.memory_space<hbm>>
      %dma_wait3A_69 = arith.constant 0 : i32
      %dma_wait3A_70 = tpu.memref_slice %arg4[%add3A, %dma_wait3A_69] : memref<16x16384xf32, #tpu.memory_space<hbm>> -> memref<1x16384xf32, #tpu.memory_space<hbm>>
      %dma_wait3A_71 = tpu.memref_squeeze %dma_wait3A_70 : memref<1x16384xf32, #tpu.memory_space<hbm>> -> memref<16384xf32, #tpu.memory_space<hbm>>
      tpu.wait_dma2 semaphore(%run_scoped3A : memref<!tpu.dma_semaphore, #tpu.memory_space<semaphore_mem>>) src(%dma_wait3A_71 : memref<16384xf32, #tpu.memory_space<hbm>>) dst(%arg9 : memref<16384xf32, #tpu.memory_space<vmem>>)
      tpu.yield
    }) : () -> ()
    %iota3A = tpu.iota {dimensions = array<i32: 0>} : vector<16xi32>
    %eq3A_31 = arith.constant 0 : i32
    %eq3A_32 = vector.broadcast %eq3A_31 : i32 to vector<16xi32>
    %eq3A_33 = arith.cmpi eq, %iota3A, %eq3A_32 : vector<16xi32>
    %broadcast_in_dim3A = arith.constant 1.000000e+10 : f32
    %broadcast_in_dim3A_34 = vector.broadcast %broadcast_in_dim3A : f32 to vector<16xf32>
    %scan3A = arith.constant 0 : i32
    %scan3A_35 = arith.constant 0 : i32
    %scan3A_36 = arith.constant 512 : i32
    %scan3A_37 = arith.addi %scan3A_35, %scan3A_36 : i32
    %scan3A_38 = arith.constant 4 : i32
    scf.for %scan3A_62 = %scan3A_35 to %scan3A_37 step %scan3A_38  : i32 {
      %mul3A_63 = arith.constant 16 : i32
      %mul3A_64 = arith.muli %scan3A_62, %mul3A_63 : i32
      %swap3A = arith.index_cast %mul3A_64 : i32 to index
      %swap3A_65 = tpu.vector_load %arg10[%swap3A] {strides = array<i32>} : memref<8192xf32, #tpu.memory_space<vmem>>, vector<16xf32>,
      tpu.vector_store %arg10[%swap3A], %broadcast_in_dim3A_34 {strides = array<i32>} : memref<8192xf32, #tpu.memory_space<vmem>>, vector<16xf32>,
      %scan3A_66 = arith.constant 1 : i32
      %scan3A_67 = arith.addi %scan3A_62, %scan3A_66 : i32
      %mul3A_68 = arith.constant 16 : i32
      %mul3A_69 = arith.muli %scan3A_67, %mul3A_68 : i32
      %swap3A_70 = arith.index_cast %mul3A_69 : i32 to index
      %swap3A_71 = tpu.vector_load %arg10[%swap3A_70] {strides = array<i32>} : memref<8192xf32, #tpu.memory_space<vmem>>, vector<16xf32>,
      tpu.vector_store %arg10[%swap3A_70], %broadcast_in_dim3A_34 {strides = array<i32>} : memref<8192xf32, #tpu.memory_space<vmem>>, vector<16xf32>,
      %scan3A_72 = arith.constant 2 : i32
      %scan3A_73 = arith.addi %scan3A_62, %scan3A_72 : i32
      %mul3A_74 = arith.constant 16 : i32
      %mul3A_75 = arith.muli %scan3A_73, %mul3A_74 : i32
      %swap3A_76 = arith.index_cast %mul3A_75 : i32 to index
      %swap3A_77 = tpu.vector_load %arg10[%swap3A_76] {strides = array<i32>} : memref<8192xf32, #tpu.memory_space<vmem>>, vector<16xf32>,
      tpu.vector_store %arg10[%swap3A_76], %broadcast_in_dim3A_34 {strides = array<i32>} : memref<8192xf32, #tpu.memory_space<vmem>>, vector<16xf32>,
      %scan3A_78 = arith.constant 3 : i32
      %scan3A_79 = arith.addi %scan3A_62, %scan3A_78 : i32
      %mul3A_80 = arith.constant 16 : i32
      %mul3A_81 = arith.muli %scan3A_79, %mul3A_80 : i32
      %swap3A_82 = arith.index_cast %mul3A_81 : i32 to index
      %swap3A_83 = tpu.vector_load %arg10[%swap3A_82] {strides = array<i32>} : memref<8192xf32, #tpu.memory_space<vmem>>, vector<16xf32>,
      tpu.vector_store %arg10[%swap3A_82], %broadcast_in_dim3A_34 {strides = array<i32>} : memref<8192xf32, #tpu.memory_space<vmem>>, vector<16xf32>,
    }
    %scan3A_39 = arith.constant 512 : i32
    %mul3A_40 = arith.constant 8192 : i32
    %mul3A_41 = arith.muli %select_n3A_30, %mul3A_40 : i32
    %mul3A_42 = arith.constant 2 : i32
    %mul3A_43 = arith.muli %arg1, %mul3A_42 : i32
    %mul3A_44 = arith.constant 32 : i32
    %mul3A_45 = arith.muli %mul3A_43, %mul3A_44 : i32
    %xor3A = arith.constant 1 : i32
    %xor3A_46 = arith.xori %arg1, %xor3A : i32
    %mul3A_47 = arith.constant 2 : i32
    %mul3A_48 = arith.muli %xor3A_46, %mul3A_47 : i32
    %mul3A_49 = arith.constant 32 : i32
    %mul3A_50 = arith.muli %mul3A_48, %mul3A_49 : i32
    %broadcast_in_dim3A_51 = arith.constant 0 : i32
    %broadcast_in_dim3A_52 = vector.broadcast %broadcast_in_dim3A_51 : i32 to vector<16xi32>
    %scan3A_53 = arith.constant 0 : i32
    %scan3A_54 = arith.constant 1024 : i32
    %scan3A_55 = arith.addi %scan3A_53, %scan3A_54 : i32
    %scan3A_56 = arith.constant 1 : i32
    %scan3A_57 = scf.for %scan3A_62 = %scan3A_53 to %scan3A_55 step %scan3A_56 iter_args(%scan3A_63 = %broadcast_in_dim3A_52) -> (vector<16xi32>)  : i32 {
      %gather3A = tpu.vector_load_idx %arg7[%scan3A_63] : memref<16384xf32, #tpu.memory_space<vmem>>[vector<16xi32>], vector<16xf32>,
      %gather3A_64 = tpu.vector_load_idx %arg8[%scan3A_63] : memref<16384xf32, #tpu.memory_space<vmem>>[vector<16xi32>], vector<16xf32>,
      %gather3A_65 = tpu.vector_load_idx %arg9[%scan3A_63] : memref<16384xf32, #tpu.memory_space<vmem>>[vector<16xi32>], vector<16xf32>,
      %eq3A_66 = arith.constant 0 : i32
      %eq3A_67 = arith.cmpi eq, %select_n3A_30, %eq3A_66 : i32
      %convert_element_type3A_68 = arith.extui %eq3A_67 : i1 to i32
      %cond3A_69 = arith.constant 0 : i32
      %cond3A_70 = arith.cmpi ne, %convert_element_type3A_68, %cond3A_69 : i32
      scf.if %cond3A_70 {
        %broadcast_in_dim3A_156 = vector.broadcast %scan3A_62 : i32 to vector<16xi32>
        tpu.vector_store_idx %arg22[%broadcast_in_dim3A_156], %scan3A_63 masked %eq3A_33 : memref<1360xi32, #tpu.memory_space<vmem>>[vector<16xi32>], vector<16xi32>, vector<16xi1>
        tpu.vector_store_idx %arg13[%broadcast_in_dim3A_156], %gather3A masked %eq3A_33 : memref<1024xf32, #tpu.memory_space<vmem>>[vector<16xi32>], vector<16xf32>, vector<16xi1>
        tpu.vector_store_idx %arg14[%broadcast_in_dim3A_156], %gather3A_64 masked %eq3A_33 : memref<1024xf32, #tpu.memory_space<vmem>>[vector<16xi32>], vector<16xf32>, vector<16xi1>
        tpu.vector_store_idx %arg15[%broadcast_in_dim3A_156], %gather3A_65 masked %eq3A_33 : memref<1024xf32, #tpu.memory_space<vmem>>[vector<16xi32>], vector<16xf32>, vector<16xi1>
      } else {
      }
      %broadcast_in_dim3A_71 = arith.constant -1.000000e+00 : f32
      %broadcast_in_dim3A_72 = vector.broadcast %broadcast_in_dim3A_71 : f32 to vector<16xf32>
      %broadcast_in_dim3A_73 = arith.constant -1.000000e+00 : f32
      %broadcast_in_dim3A_74 = vector.broadcast %broadcast_in_dim3A_73 : f32 to vector<16xf32>
      %broadcast_in_dim3A_75 = arith.constant -1.000000e+00 : f32
      %broadcast_in_dim3A_76 = vector.broadcast %broadcast_in_dim3A_75 : f32 to vector<16xf32>
      %broadcast_in_dim3A_77 = arith.constant -1.000000e+00 : f32
      %broadcast_in_dim3A_78 = vector.broadcast %broadcast_in_dim3A_77 : f32 to vector<16xf32>
      %broadcast_in_dim3A_79 = arith.constant 0 : i32
      %broadcast_in_dim3A_80 = vector.broadcast %broadcast_in_dim3A_79 : i32 to vector<16xi32>
      %broadcast_in_dim3A_81 = arith.constant 0 : i32
      %broadcast_in_dim3A_82 = vector.broadcast %broadcast_in_dim3A_81 : i32 to vector<16xi32>
      %broadcast_in_dim3A_83 = arith.constant 0 : i32
      %broadcast_in_dim3A_84 = vector.broadcast %broadcast_in_dim3A_83 : i32 to vector<16xi32>
      %broadcast_in_dim3A_85 = arith.constant 0 : i32
      %broadcast_in_dim3A_86 = vector.broadcast %broadcast_in_dim3A_85 : i32 to vector<16xi32>
      %parallel_loop3A = arith.constant 0 : i32
      %parallel_loop3A_87 = arith.constant 8192 : i32
      %parallel_loop3A_88 = arith.constant 64 : i32
      %parallel_loop3A_89:8 = scf.for %parallel_loop3A_156 = %parallel_loop3A to %parallel_loop3A_87 step %parallel_loop3A_88 iter_args(%parallel_loop3A_157 = %broadcast_in_dim3A_72, %parallel_loop3A_158 = %broadcast_in_dim3A_74, %parallel_loop3A_159 = %broadcast_in_dim3A_76, %parallel_loop3A_160 = %broadcast_in_dim3A_78, %parallel_loop3A_161 = %broadcast_in_dim3A_80, %parallel_loop3A_162 = %broadcast_in_dim3A_82, %parallel_loop3A_163 = %broadcast_in_dim3A_84, %parallel_loop3A_164 = %broadcast_in_dim3A_86) -> (vector<16xf32>, vector<16xf32>, vector<16xf32>, vector<16xf32>, vector<16xi32>, vector<16xi32>, vector<16xi32>, vector<16xi32>)  : i32 {
        %parallel_loop3A_165 = arith.constant 0 : i32
        %parallel_loop3A_166 = arith.addi %parallel_loop3A_156, %parallel_loop3A_165 : i32
        %parallel_loop3A_167 = arith.addi %mul3A_41, %parallel_loop3A_166 : i32
        %parallel_loop3A_168 = arith.index_cast %parallel_loop3A_167 : i32 to index
        %parallel_loop3A_169 = tpu.vector_load %arg7[%parallel_loop3A_168] {strides = array<i32>} : memref<16384xf32, #tpu.memory_space<vmem>>, vector<16xf32>,
        %parallel_loop3A_170 = arith.subf %parallel_loop3A_169, %gather3A : vector<16xf32>
        %parallel_loop3A_171 = arith.addi %mul3A_41, %parallel_loop3A_166 : i32
        %parallel_loop3A_172 = arith.index_cast %parallel_loop3A_171 : i32 to index
        %parallel_loop3A_173 = tpu.vector_load %arg8[%parallel_loop3A_172] {strides = array<i32>} : memref<16384xf32, #tpu.memory_space<vmem>>, vector<16xf32>,
        %parallel_loop3A_174 = arith.subf %parallel_loop3A_173, %gather3A_64 : vector<16xf32>
        %parallel_loop3A_175 = arith.addi %mul3A_41, %parallel_loop3A_166 : i32
        %parallel_loop3A_176 = arith.index_cast %parallel_loop3A_175 : i32 to index
        %parallel_loop3A_177 = tpu.vector_load %arg9[%parallel_loop3A_176] {strides = array<i32>} : memref<16384xf32, #tpu.memory_space<vmem>>, vector<16xf32>,
        %parallel_loop3A_178 = arith.subf %parallel_loop3A_177, %gather3A_65 : vector<16xf32>
        %parallel_loop3A_179 = arith.mulf %parallel_loop3A_170, %parallel_loop3A_170 : vector<16xf32>
        %parallel_loop3A_180 = arith.mulf %parallel_loop3A_174, %parallel_loop3A_174 : vector<16xf32>
        %parallel_loop3A_181 = arith.addf %parallel_loop3A_179, %parallel_loop3A_180 : vector<16xf32>
        %parallel_loop3A_182 = arith.mulf %parallel_loop3A_178, %parallel_loop3A_178 : vector<16xf32>
        %parallel_loop3A_183 = arith.addf %parallel_loop3A_181, %parallel_loop3A_182 : vector<16xf32>
        %parallel_loop3A_184 = arith.index_cast %parallel_loop3A_166 : i32 to index
        %parallel_loop3A_185 = tpu.vector_load %arg10[%parallel_loop3A_184] {strides = array<i32>} : memref<8192xf32, #tpu.memory_space<vmem>>, vector<16xf32>,
        %parallel_loop3A_186 = arith.minimumf %parallel_loop3A_185, %parallel_loop3A_183 : vector<16xf32>
        %parallel_loop3A_187 = arith.index_cast %parallel_loop3A_166 : i32 to index
        %parallel_loop3A_188 = tpu.vector_load %arg10[%parallel_loop3A_187] {strides = array<i32>} : memref<8192xf32, #tpu.memory_space<vmem>>, vector<16xf32>,
        tpu.vector_store %arg10[%parallel_loop3A_187], %parallel_loop3A_186 {strides = array<i32>} : memref<8192xf32, #tpu.memory_space<vmem>>, vector<16xf32>,
        %parallel_loop3A_189 = arith.cmpf ogt, %parallel_loop3A_186, %parallel_loop3A_157 : vector<16xf32>
        %parallel_loop3A_190 = arith.select %parallel_loop3A_189, %parallel_loop3A_186, %parallel_loop3A_157 : vector<16xi1>, vector<16xf32>
        %parallel_loop3A_191 = arith.addi %mul3A_41, %parallel_loop3A_166 : i32
        %parallel_loop3A_192 = vector.broadcast %parallel_loop3A_191 : i32 to vector<16xi32>
        %parallel_loop3A_193 = arith.addi %iota3A, %parallel_loop3A_192 : vector<16xi32>
        %parallel_loop3A_194 = arith.select %parallel_loop3A_189, %parallel_loop3A_193, %parallel_loop3A_161 : vector<16xi1>, vector<16xi32>
        %parallel_loop3A_195 = arith.constant 16 : i32
        %parallel_loop3A_196 = arith.addi %parallel_loop3A_156, %parallel_loop3A_195 : i32
        %parallel_loop3A_197 = arith.addi %mul3A_41, %parallel_loop3A_196 : i32
        %parallel_loop3A_198 = arith.index_cast %parallel_loop3A_197 : i32 to index
        %parallel_loop3A_199 = tpu.vector_load %arg7[%parallel_loop3A_198] {strides = array<i32>} : memref<16384xf32, #tpu.memory_space<vmem>>, vector<16xf32>,
        %parallel_loop3A_200 = arith.subf %parallel_loop3A_199, %gather3A : vector<16xf32>
        %parallel_loop3A_201 = arith.addi %mul3A_41, %parallel_loop3A_196 : i32
        %parallel_loop3A_202 = arith.index_cast %parallel_loop3A_201 : i32 to index
        %parallel_loop3A_203 = tpu.vector_load %arg8[%parallel_loop3A_202] {strides = array<i32>} : memref<16384xf32, #tpu.memory_space<vmem>>, vector<16xf32>,
        %parallel_loop3A_204 = arith.subf %parallel_loop3A_203, %gather3A_64 : vector<16xf32>
        %parallel_loop3A_205 = arith.addi %mul3A_41, %parallel_loop3A_196 : i32
        %parallel_loop3A_206 = arith.index_cast %parallel_loop3A_205 : i32 to index
        %parallel_loop3A_207 = tpu.vector_load %arg9[%parallel_loop3A_206] {strides = array<i32>} : memref<16384xf32, #tpu.memory_space<vmem>>, vector<16xf32>,
        %parallel_loop3A_208 = arith.subf %parallel_loop3A_207, %gather3A_65 : vector<16xf32>
        %parallel_loop3A_209 = arith.mulf %parallel_loop3A_200, %parallel_loop3A_200 : vector<16xf32>
        %parallel_loop3A_210 = arith.mulf %parallel_loop3A_204, %parallel_loop3A_204 : vector<16xf32>
        %parallel_loop3A_211 = arith.addf %parallel_loop3A_209, %parallel_loop3A_210 : vector<16xf32>
        %parallel_loop3A_212 = arith.mulf %parallel_loop3A_208, %parallel_loop3A_208 : vector<16xf32>
        %parallel_loop3A_213 = arith.addf %parallel_loop3A_211, %parallel_loop3A_212 : vector<16xf32>
        %parallel_loop3A_214 = arith.index_cast %parallel_loop3A_196 : i32 to index
        %parallel_loop3A_215 = tpu.vector_load %arg10[%parallel_loop3A_214] {strides = array<i32>} : memref<8192xf32, #tpu.memory_space<vmem>>, vector<16xf32>,
        %parallel_loop3A_216 = arith.minimumf %parallel_loop3A_215, %parallel_loop3A_213 : vector<16xf32>
        %parallel_loop3A_217 = arith.index_cast %parallel_loop3A_196 : i32 to index
        %parallel_loop3A_218 = tpu.vector_load %arg10[%parallel_loop3A_217] {strides = array<i32>} : memref<8192xf32, #tpu.memory_space<vmem>>, vector<16xf32>,
        tpu.vector_store %arg10[%parallel_loop3A_217], %parallel_loop3A_216 {strides = array<i32>} : memref<8192xf32, #tpu.memory_space<vmem>>, vector<16xf32>,
        %parallel_loop3A_219 = arith.cmpf ogt, %parallel_loop3A_216, %parallel_loop3A_158 : vector<16xf32>
        %parallel_loop3A_220 = arith.select %parallel_loop3A_219, %parallel_loop3A_216, %parallel_loop3A_158 : vector<16xi1>, vector<16xf32>
        %parallel_loop3A_221 = arith.addi %mul3A_41, %parallel_loop3A_196 : i32
        %parallel_loop3A_222 = vector.broadcast %parallel_loop3A_221 : i32 to vector<16xi32>
        %parallel_loop3A_223 = arith.addi %iota3A, %parallel_loop3A_222 : vector<16xi32>
        %parallel_loop3A_224 = arith.select %parallel_loop3A_219, %parallel_loop3A_223, %parallel_loop3A_162 : vector<16xi1>, vector<16xi32>
        %parallel_loop3A_225 = arith.constant 32 : i32
        %parallel_loop3A_226 = arith.addi %parallel_loop3A_156, %parallel_loop3A_225 : i32
        %parallel_loop3A_227 = arith.addi %mul3A_41, %parallel_loop3A_226 : i32
        %parallel_loop3A_228 = arith.index_cast %parallel_loop3A_227 : i32 to index
        %parallel_loop3A_229 = tpu.vector_load %arg7[%parallel_loop3A_228] {strides = array<i32>} : memref<16384xf32, #tpu.memory_space<vmem>>, vector<16xf32>,
        %parallel_loop3A_230 = arith.subf %parallel_loop3A_229, %gather3A : vector<16xf32>
        %parallel_loop3A_231 = arith.addi %mul3A_41, %parallel_loop3A_226 : i32
        %parallel_loop3A_232 = arith.index_cast %parallel_loop3A_231 : i32 to index
        %parallel_loop3A_233 = tpu.vector_load %arg8[%parallel_loop3A_232] {strides = array<i32>} : memref<16384xf32, #tpu.memory_space<vmem>>, vector<16xf32>,
        %parallel_loop3A_234 = arith.subf %parallel_loop3A_233, %gather3A_64 : vector<16xf32>
        %parallel_loop3A_235 = arith.addi %mul3A_41, %parallel_loop3A_226 : i32
        %parallel_loop3A_236 = arith.index_cast %parallel_loop3A_235 : i32 to index
        %parallel_loop3A_237 = tpu.vector_load %arg9[%parallel_loop3A_236] {strides = array<i32>} : memref<16384xf32, #tpu.memory_space<vmem>>, vector<16xf32>,
        %parallel_loop3A_238 = arith.subf %parallel_loop3A_237, %gather3A_65 : vector<16xf32>
        %parallel_loop3A_239 = arith.mulf %parallel_loop3A_230, %parallel_loop3A_230 : vector<16xf32>
        %parallel_loop3A_240 = arith.mulf %parallel_loop3A_234, %parallel_loop3A_234 : vector<16xf32>
        %parallel_loop3A_241 = arith.addf %parallel_loop3A_239, %parallel_loop3A_240 : vector<16xf32>
        %parallel_loop3A_242 = arith.mulf %parallel_loop3A_238, %parallel_loop3A_238 : vector<16xf32>
        %parallel_loop3A_243 = arith.addf %parallel_loop3A_241, %parallel_loop3A_242 : vector<16xf32>
        %parallel_loop3A_244 = arith.index_cast %parallel_loop3A_226 : i32 to index
        %parallel_loop3A_245 = tpu.vector_load %arg10[%parallel_loop3A_244] {strides = array<i32>} : memref<8192xf32, #tpu.memory_space<vmem>>, vector<16xf32>,
        %parallel_loop3A_246 = arith.minimumf %parallel_loop3A_245, %parallel_loop3A_243 : vector<16xf32>
        %parallel_loop3A_247 = arith.index_cast %parallel_loop3A_226 : i32 to index
        %parallel_loop3A_248 = tpu.vector_load %arg10[%parallel_loop3A_247] {strides = array<i32>} : memref<8192xf32, #tpu.memory_space<vmem>>, vector<16xf32>,
        tpu.vector_store %arg10[%parallel_loop3A_247], %parallel_loop3A_246 {strides = array<i32>} : memref<8192xf32, #tpu.memory_space<vmem>>, vector<16xf32>,
        %parallel_loop3A_249 = arith.cmpf ogt, %parallel_loop3A_246, %parallel_loop3A_159 : vector<16xf32>
        %parallel_loop3A_250 = arith.select %parallel_loop3A_249, %parallel_loop3A_246, %parallel_loop3A_159 : vector<16xi1>, vector<16xf32>
        %parallel_loop3A_251 = arith.addi %mul3A_41, %parallel_loop3A_226 : i32
        %parallel_loop3A_252 = vector.broadcast %parallel_loop3A_251 : i32 to vector<16xi32>
        %parallel_loop3A_253 = arith.addi %iota3A, %parallel_loop3A_252 : vector<16xi32>
        %parallel_loop3A_254 = arith.select %parallel_loop3A_249, %parallel_loop3A_253, %parallel_loop3A_163 : vector<16xi1>, vector<16xi32>
        %parallel_loop3A_255 = arith.constant 48 : i32
        %parallel_loop3A_256 = arith.addi %parallel_loop3A_156, %parallel_loop3A_255 : i32
        %parallel_loop3A_257 = arith.addi %mul3A_41, %parallel_loop3A_256 : i32
        %parallel_loop3A_258 = arith.index_cast %parallel_loop3A_257 : i32 to index
        %parallel_loop3A_259 = tpu.vector_load %arg7[%parallel_loop3A_258] {strides = array<i32>} : memref<16384xf32, #tpu.memory_space<vmem>>, vector<16xf32>,
        %parallel_loop3A_260 = arith.subf %parallel_loop3A_259, %gather3A : vector<16xf32>
        %parallel_loop3A_261 = arith.addi %mul3A_41, %parallel_loop3A_256 : i32
        %parallel_loop3A_262 = arith.index_cast %parallel_loop3A_261 : i32 to index
        %parallel_loop3A_263 = tpu.vector_load %arg8[%parallel_loop3A_262] {strides = array<i32>} : memref<16384xf32, #tpu.memory_space<vmem>>, vector<16xf32>,
        %parallel_loop3A_264 = arith.subf %parallel_loop3A_263, %gather3A_64 : vector<16xf32>
        %parallel_loop3A_265 = arith.addi %mul3A_41, %parallel_loop3A_256 : i32
        %parallel_loop3A_266 = arith.index_cast %parallel_loop3A_265 : i32 to index
        %parallel_loop3A_267 = tpu.vector_load %arg9[%parallel_loop3A_266] {strides = array<i32>} : memref<16384xf32, #tpu.memory_space<vmem>>, vector<16xf32>,
        %parallel_loop3A_268 = arith.subf %parallel_loop3A_267, %gather3A_65 : vector<16xf32>
        %parallel_loop3A_269 = arith.mulf %parallel_loop3A_260, %parallel_loop3A_260 : vector<16xf32>
        %parallel_loop3A_270 = arith.mulf %parallel_loop3A_264, %parallel_loop3A_264 : vector<16xf32>
        %parallel_loop3A_271 = arith.addf %parallel_loop3A_269, %parallel_loop3A_270 : vector<16xf32>
        %parallel_loop3A_272 = arith.mulf %parallel_loop3A_268, %parallel_loop3A_268 : vector<16xf32>
        %parallel_loop3A_273 = arith.addf %parallel_loop3A_271, %parallel_loop3A_272 : vector<16xf32>
        %parallel_loop3A_274 = arith.index_cast %parallel_loop3A_256 : i32 to index
        %parallel_loop3A_275 = tpu.vector_load %arg10[%parallel_loop3A_274] {strides = array<i32>} : memref<8192xf32, #tpu.memory_space<vmem>>, vector<16xf32>,
        %parallel_loop3A_276 = arith.minimumf %parallel_loop3A_275, %parallel_loop3A_273 : vector<16xf32>
        %parallel_loop3A_277 = arith.index_cast %parallel_loop3A_256 : i32 to index
        %parallel_loop3A_278 = tpu.vector_load %arg10[%parallel_loop3A_277] {strides = array<i32>} : memref<8192xf32, #tpu.memory_space<vmem>>, vector<16xf32>,
        tpu.vector_store %arg10[%parallel_loop3A_277], %parallel_loop3A_276 {strides = array<i32>} : memref<8192xf32, #tpu.memory_space<vmem>>, vector<16xf32>,
        %parallel_loop3A_279 = arith.cmpf ogt, %parallel_loop3A_276, %parallel_loop3A_160 : vector<16xf32>
        %parallel_loop3A_280 = arith.select %parallel_loop3A_279, %parallel_loop3A_276, %parallel_loop3A_160 : vector<16xi1>, vector<16xf32>
        %parallel_loop3A_281 = arith.addi %mul3A_41, %parallel_loop3A_256 : i32
        %parallel_loop3A_282 = vector.broadcast %parallel_loop3A_281 : i32 to vector<16xi32>
        %parallel_loop3A_283 = arith.addi %iota3A, %parallel_loop3A_282 : vector<16xi32>
        %parallel_loop3A_284 = arith.select %parallel_loop3A_279, %parallel_loop3A_283, %parallel_loop3A_164 : vector<16xi1>, vector<16xi32>
        scf.yield %parallel_loop3A_190, %parallel_loop3A_220, %parallel_loop3A_250, %parallel_loop3A_280, %parallel_loop3A_194, %parallel_loop3A_224, %parallel_loop3A_254, %parallel_loop3A_284 : vector<16xf32>, vector<16xf32>, vector<16xf32>, vector<16xf32>, vector<16xi32>, vector<16xi32>, vector<16xi32>, vector<16xi32>
      } {sc.loop_unroll_factor = 4 : i64, sc.parallel_access}
      %max3A = arith.maximumf %parallel_loop3A_89#0, %parallel_loop3A_89#1 : vector<16xf32>
      %max3A_90 = arith.maximumf %max3A, %parallel_loop3A_89#2 : vector<16xf32>
      %max3A_91 = arith.maximumf %max3A_90, %parallel_loop3A_89#3 : vector<16xf32>
      %reduce_max3A = arith.constant true
      %reduce_max3A_92 = vector.broadcast %reduce_max3A : i1 to vector<16xi1>
      %reduce_max3A_93 = tpu.scan <max>, %max3A_91 masked %reduce_max3A_92 : vector<16xf32>, vector<16xi1> -> vector<16xf32>
      %reduce_max3A_94 = vector.extract %reduce_max3A_93[15] : f32 from vector<16xf32>
      %broadcast_in_dim3A_95 = vector.broadcast %reduce_max3A_94 : f32 to vector<16xf32>
      %broadcast_in_dim3A_96 = arith.constant 16384 : i32
      %broadcast_in_dim3A_97 = vector.broadcast %broadcast_in_dim3A_96 : i32 to vector<16xi32>
      %eq3A_98 = arith.cmpf oeq, %parallel_loop3A_89#0, %broadcast_in_dim3A_95 : vector<16xf32>
      %jit3A_99 = arith.constant 16384 : i32
      %broadcast_in_dim3A_100 = vector.broadcast %jit3A_99 : i32 to vector<16xi32>
      %select_n3A_101 = arith.select %eq3A_98, %parallel_loop3A_89#4, %broadcast_in_dim3A_100 : vector<16xi1>, vector<16xi32>
      %min3A = arith.minsi %broadcast_in_dim3A_97, %select_n3A_101 : vector<16xi32>
      %eq3A_102 = arith.cmpf oeq, %parallel_loop3A_89#1, %broadcast_in_dim3A_95 : vector<16xf32>
      %jit3A_103 = arith.constant 16384 : i32
      %broadcast_in_dim3A_104 = vector.broadcast %jit3A_103 : i32 to vector<16xi32>
      %select_n3A_105 = arith.select %eq3A_102, %parallel_loop3A_89#5, %broadcast_in_dim3A_104 : vector<16xi1>, vector<16xi32>
      %min3A_106 = arith.minsi %min3A, %select_n3A_105 : vector<16xi32>
      %eq3A_107 = arith.cmpf oeq, %parallel_loop3A_89#2, %broadcast_in_dim3A_95 : vector<16xf32>
      %jit3A_108 = arith.constant 16384 : i32
      %broadcast_in_dim3A_109 = vector.broadcast %jit3A_108 : i32 to vector<16xi32>
      %select_n3A_110 = arith.select %eq3A_107, %parallel_loop3A_89#6, %broadcast_in_dim3A_109 : vector<16xi1>, vector<16xi32>
      %min3A_111 = arith.minsi %min3A_106, %select_n3A_110 : vector<16xi32>
      %eq3A_112 = arith.cmpf oeq, %parallel_loop3A_89#3, %broadcast_in_dim3A_95 : vector<16xf32>
      %jit3A_113 = arith.constant 16384 : i32
      %broadcast_in_dim3A_114 = vector.broadcast %jit3A_113 : i32 to vector<16xi32>
      %select_n3A_115 = arith.select %eq3A_112, %parallel_loop3A_89#7, %broadcast_in_dim3A_114 : vector<16xi1>, vector<16xi32>
      %min3A_116 = arith.minsi %min3A_111, %select_n3A_115 : vector<16xi32>
      %reduce_min3A = arith.constant true
      %reduce_min3A_117 = vector.broadcast %reduce_min3A : i1 to vector<16xi1>
      %reduce_min3A_118 = arith.constant -2147483648 : i32
      %reduce_min3A_119 = vector.broadcast %reduce_min3A_118 : i32 to vector<16xi32>
      %reduce_min3A_120 = arith.xori %min3A_116, %reduce_min3A_119 : vector<16xi32>
      %reduce_min3A_121 = tpu.scan <min>, %reduce_min3A_120 masked %reduce_min3A_117 : vector<16xi32>, vector<16xi1> -> vector<16xi32>
      %reduce_min3A_122 = arith.xori %reduce_min3A_121, %reduce_min3A_119 : vector<16xi32>
      %reduce_min3A_123 = vector.extract %reduce_min3A_122[15] : i32 from vector<16xi32>
      %broadcast_in_dim3A_124 = vector.broadcast %reduce_min3A_123 : i32 to vector<16xi32>
      %bitcast3A = vector.bitcast %broadcast_in_dim3A_95 : vector<16xf32> to vector<16xi32>
      %swap3A = arith.constant 0 : index
      %swap3A_125 = tpu.vector_load %arg11[%swap3A] {strides = array<i32>} : memref<32xi32, #tpu.memory_space<vmem>>, vector<16xi32>,
      tpu.vector_store %arg11[%swap3A], %bitcast3A {strides = array<i32>} : memref<32xi32, #tpu.memory_space<vmem>>, vector<16xi32>,
      %swap3A_126 = arith.constant 16 : index
      %swap3A_127 = tpu.vector_load %arg11[%swap3A_126] {strides = array<i32>} : memref<32xi32, #tpu.memory_space<vmem>>, vector<16xi32>,
      tpu.vector_store %arg11[%swap3A_126], %broadcast_in_dim3A_124 {strides = array<i32>} : memref<32xi32, #tpu.memory_space<vmem>>, vector<16xi32>,
      %jit3A_128 = arith.constant 2 : i32
      %eq3A_129 = arith.constant 0 : i32
      %eq3A_130 = arith.cmpi eq, %jit3A_128, %eq3A_129 : i32
      %jit3A_131 = arith.constant 1 : i32
      %select_n3A_132 = arith.select %eq3A_130, %jit3A_131, %jit3A_128 : i32
      %rem3A_133 = arith.remsi %scan3A_62, %select_n3A_132 : i32
      %ne3A_134 = arith.constant 0 : i32
      %ne3A_135 = arith.cmpi ne, %rem3A_133, %ne3A_134 : i32
      %lt3A_136 = arith.constant 0 : i32
      %lt3A_137 = arith.cmpi slt, %rem3A_133, %lt3A_136 : i32
      %lt3A_138 = arith.constant 0 : i32
      %lt3A_139 = arith.cmpi slt, %select_n3A_132, %lt3A_138 : i32
      %ne3A_140 = arith.xori %lt3A_137, %lt3A_139 : i1
      %and3A_141 = arith.andi %ne3A_140, %ne3A_135 : i1
      %add3A_142 = arith.addi %rem3A_133, %select_n3A_132 : i32
      %select_n3A_143 = arith.select %and3A_141, %add3A_142, %rem3A_133 : i32
      %mul3A_144 = arith.constant 32 : i32
      %mul3A_145 = arith.muli %select_n3A_143, %mul3A_144 : i32
      %add3A_146 = arith.addi %mul3A_45, %mul3A_145 : i32
      "tpu.region"() ({
        %run_scoped3A = tpu.sem_alloc : memref<!tpu.dma_semaphore, #tpu.memory_space<semaphore_mem>>
        %dma_start3A = tpu.memref_slice %arg6[%add3A_146] : memref<1024xi32, #tpu.memory_space<vmem_shared>> -> memref<32xi32, #tpu.memory_space<vmem_shared>>
        %dma_start3A_156 = tpu.memref_slice %arg6[%add3A_146] : memref<1024xi32, #tpu.memory_space<vmem_shared>> -> memref<32xi32, #tpu.memory_space<vmem_shared>>
        tpu.enqueue_dma source(%arg11 : memref<32xi32, #tpu.memory_space<vmem>>) target(%dma_start3A_156 : memref<32xi32, #tpu.memory_space<vmem_shared>>) target_semaphore(%run_scoped3A : memref<!tpu.dma_semaphore, #tpu.memory_space<semaphore_mem>>)
        %dma_wait3A = tpu.memref_slice %arg6[%add3A_146] : memref<1024xi32, #tpu.memory_space<vmem_shared>> -> memref<32xi32, #tpu.memory_space<vmem_shared>>
        %dma_wait3A_157 = tpu.memref_slice %arg6[%add3A_146] : memref<1024xi32, #tpu.memory_space<vmem_shared>> -> memref<32xi32, #tpu.memory_space<vmem_shared>>
        tpu.wait_dma2 semaphore(%run_scoped3A : memref<!tpu.dma_semaphore, #tpu.memory_space<semaphore_mem>>) src(%arg11 : memref<32xi32, #tpu.memory_space<vmem>>) dst(%dma_wait3A_157 : memref<32xi32, #tpu.memory_space<vmem_shared>>)
        tpu.yield
      }) : () -> ()
      %barrier3A = arith.constant 0 : index
      tpu.barrier barrier_id(%barrier3A)
      %add3A_147 = arith.addi %mul3A_50, %mul3A_145 : i32
      "tpu.region"() ({
        %run_scoped3A = tpu.sem_alloc : memref<!tpu.dma_semaphore, #tpu.memory_space<semaphore_mem>>
        %dma_start3A = tpu.memref_slice %arg6[%add3A_147] : memref<1024xi32, #tpu.memory_space<vmem_shared>> -> memref<32xi32, #tpu.memory_space<vmem_shared>>
        %dma_start3A_156 = tpu.memref_slice %arg6[%add3A_147] : memref<1024xi32, #tpu.memory_space<vmem_shared>> -> memref<32xi32, #tpu.memory_space<vmem_shared>>
        tpu.enqueue_dma source(%dma_start3A_156 : memref<32xi32, #tpu.memory_space<vmem_shared>>) target(%arg12 : memref<32xi32, #tpu.memory_space<vmem>>) target_semaphore(%run_scoped3A : memref<!tpu.dma_semaphore, #tpu.memory_space<semaphore_mem>>)
        %dma_wait3A = tpu.memref_slice %arg6[%add3A_147] : memref<1024xi32, #tpu.memory_space<vmem_shared>> -> memref<32xi32, #tpu.memory_space<vmem_shared>>
        %dma_wait3A_157 = tpu.memref_slice %arg6[%add3A_147] : memref<1024xi32, #tpu.memory_space<vmem_shared>> -> memref<32xi32, #tpu.memory_space<vmem_shared>>
        tpu.wait_dma2 semaphore(%run_scoped3A : memref<!tpu.dma_semaphore, #tpu.memory_space<semaphore_mem>>) src(%dma_wait3A_157 : memref<32xi32, #tpu.memory_space<vmem_shared>>) dst(%arg12 : memref<32xi32, #tpu.memory_space<vmem>>)
        tpu.yield
      }) : () -> ()
      %get3A = arith.constant 0 : index
      %get3A_148 = tpu.vector_load %arg12[%get3A] {strides = array<i32>} : memref<32xi32, #tpu.memory_space<vmem>>, vector<16xi32>,
      %bitcast3A_149 = vector.bitcast %get3A_148 : vector<16xi32> to vector<16xf32>
      %get3A_150 = arith.constant 16 : index
      %get3A_151 = tpu.vector_load %arg12[%get3A_150] {strides = array<i32>} : memref<32xi32, #tpu.memory_space<vmem>>, vector<16xi32>,
      %gt3A = arith.cmpf ogt, %bitcast3A_149, %broadcast_in_dim3A_95 : vector<16xf32>
      %eq3A_152 = arith.cmpf oeq, %bitcast3A_149, %broadcast_in_dim3A_95 : vector<16xf32>
      %lt3A_153 = arith.cmpi slt, %get3A_151, %broadcast_in_dim3A_124 : vector<16xi32>
      %and3A_154 = arith.andi %eq3A_152, %lt3A_153 : vector<16xi1>
      %or3A = arith.ori %gt3A, %and3A_154 : vector<16xi1>
      %select_n3A_155 = arith.select %or3A, %get3A_151, %broadcast_in_dim3A_124 : vector<16xi1>, vector<16xi32>
      scf.yield %select_n3A_155 : vector<16xi32>
    }
    %scan3A_58 = arith.constant 1024 : i32
    %eq3A_59 = arith.constant 0 : i32
    %eq3A_60 = arith.cmpi eq, %select_n3A_30, %eq3A_59 : i32
    %convert_element_type3A = arith.extui %eq3A_60 : i1 to i32
    %cond3A = arith.constant 0 : i32
    %cond3A_61 = arith.cmpi ne, %convert_element_type3A, %cond3A : i32
    scf.if %cond3A_61 {
      %scan3A_62 = arith.constant 0 : i32
      %scan3A_63 = arith.constant 0 : i32
      %scan3A_64 = arith.constant 64 : i32
      %scan3A_65 = arith.addi %scan3A_63, %scan3A_64 : i32
      %scan3A_66 = arith.constant 4 : i32
      scf.for %scan3A_119 = %scan3A_63 to %scan3A_65 step %scan3A_66  : i32 {
        %mul3A_120 = arith.constant 16 : i32
        %mul3A_121 = arith.muli %scan3A_119, %mul3A_120 : i32
        %swap3A_122 = arith.index_cast %mul3A_121 : i32 to index
        %swap3A_123 = tpu.vector_load %arg10[%swap3A_122] {strides = array<i32>} : memref<8192xf32, #tpu.memory_space<vmem>>, vector<16xf32>,
        tpu.vector_store %arg10[%swap3A_122], %broadcast_in_dim3A_34 {strides = array<i32>} : memref<8192xf32, #tpu.memory_space<vmem>>, vector<16xf32>,
        %scan3A_124 = arith.constant 1 : i32
        %scan3A_125 = arith.addi %scan3A_119, %scan3A_124 : i32
        %mul3A_126 = arith.constant 16 : i32
        %mul3A_127 = arith.muli %scan3A_125, %mul3A_126 : i32
        %swap3A_128 = arith.index_cast %mul3A_127 : i32 to index
        %swap3A_129 = tpu.vector_load %arg10[%swap3A_128] {strides = array<i32>} : memref<8192xf32, #tpu.memory_space<vmem>>, vector<16xf32>,
        tpu.vector_store %arg10[%swap3A_128], %broadcast_in_dim3A_34 {strides = array<i32>} : memref<8192xf32, #tpu.memory_space<vmem>>, vector<16xf32>,
        %scan3A_130 = arith.constant 2 : i32
        %scan3A_131 = arith.addi %scan3A_119, %scan3A_130 : i32
        %mul3A_132 = arith.constant 16 : i32
        %mul3A_133 = arith.muli %scan3A_131, %mul3A_132 : i32
        %swap3A_134 = arith.index_cast %mul3A_133 : i32 to index
        %swap3A_135 = tpu.vector_load %arg10[%swap3A_134] {strides = array<i32>} : memref<8192xf32, #tpu.memory_space<vmem>>, vector<16xf32>,
        tpu.vector_store %arg10[%swap3A_134], %broadcast_in_dim3A_34 {strides = array<i32>} : memref<8192xf32, #tpu.memory_space<vmem>>, vector<16xf32>,
        %scan3A_136 = arith.constant 3 : i32
        %scan3A_137 = arith.addi %scan3A_119, %scan3A_136 : i32
        %mul3A_138 = arith.constant 16 : i32
        %mul3A_139 = arith.muli %scan3A_137, %mul3A_138 : i32
        %swap3A_140 = arith.index_cast %mul3A_139 : i32 to index
        %swap3A_141 = tpu.vector_load %arg10[%swap3A_140] {strides = array<i32>} : memref<8192xf32, #tpu.memory_space<vmem>>, vector<16xf32>,
        tpu.vector_store %arg10[%swap3A_140], %broadcast_in_dim3A_34 {strides = array<i32>} : memref<8192xf32, #tpu.memory_space<vmem>>, vector<16xf32>,
      }
      %scan3A_67 = arith.constant 64 : i32
      %broadcast_in_dim3A_68 = arith.constant 0 : i32
      %broadcast_in_dim3A_69 = vector.broadcast %broadcast_in_dim3A_68 : i32 to vector<16xi32>
      %scan3A_70 = arith.constant 0 : i32
      %scan3A_71 = arith.constant 256 : i32
      %scan3A_72 = arith.addi %scan3A_70, %scan3A_71 : i32
      %scan3A_73 = arith.constant 1 : i32
      %scan3A_74 = scf.for %scan3A_119 = %scan3A_70 to %scan3A_72 step %scan3A_73 iter_args(%scan3A_120 = %broadcast_in_dim3A_69) -> (vector<16xi32>)  : i32 {
        %gather3A = tpu.vector_load_idx %arg13[%scan3A_120] : memref<1024xf32, #tpu.memory_space<vmem>>[vector<16xi32>], vector<16xf32>,
        %gather3A_121 = tpu.vector_load_idx %arg14[%scan3A_120] : memref<1024xf32, #tpu.memory_space<vmem>>[vector<16xi32>], vector<16xf32>,
        %gather3A_122 = tpu.vector_load_idx %arg15[%scan3A_120] : memref<1024xf32, #tpu.memory_space<vmem>>[vector<16xi32>], vector<16xf32>,
        %add3A_123 = arith.constant 1024 : i32
        %add3A_124 = arith.addi %add3A_123, %scan3A_119 : i32
        %broadcast_in_dim3A_125 = vector.broadcast %add3A_124 : i32 to vector<16xi32>
        %add3A_126 = arith.constant 0 : i32
        %add3A_127 = vector.broadcast %add3A_126 : i32 to vector<16xi32>
        %add3A_128 = arith.addi %add3A_127, %scan3A_120 : vector<16xi32>
        %gather3A_129 = tpu.vector_load_idx %arg22[%add3A_128] : memref<1360xi32, #tpu.memory_space<vmem>>[vector<16xi32>], vector<16xi32>,
        tpu.vector_store_idx %arg22[%broadcast_in_dim3A_125], %gather3A_129 masked %eq3A_33 : memref<1360xi32, #tpu.memory_space<vmem>>[vector<16xi32>], vector<16xi32>, vector<16xi1>
        %broadcast_in_dim3A_130 = vector.broadcast %scan3A_119 : i32 to vector<16xi32>
        tpu.vector_store_idx %arg16[%broadcast_in_dim3A_130], %gather3A masked %eq3A_33 : memref<256xf32, #tpu.memory_space<vmem>>[vector<16xi32>], vector<16xf32>, vector<16xi1>
        tpu.vector_store_idx %arg17[%broadcast_in_dim3A_130], %gather3A_121 masked %eq3A_33 : memref<256xf32, #tpu.memory_space<vmem>>[vector<16xi32>], vector<16xf32>, vector<16xi1>
        tpu.vector_store_idx %arg18[%broadcast_in_dim3A_130], %gather3A_122 masked %eq3A_33 : memref<256xf32, #tpu.memory_space<vmem>>[vector<16xi32>], vector<16xf32>, vector<16xi1>
        %broadcast_in_dim3A_131 = arith.constant -1.000000e+00 : f32
        %broadcast_in_dim3A_132 = vector.broadcast %broadcast_in_dim3A_131 : f32 to vector<16xf32>
        %broadcast_in_dim3A_133 = arith.constant -1.000000e+00 : f32
        %broadcast_in_dim3A_134 = vector.broadcast %broadcast_in_dim3A_133 : f32 to vector<16xf32>
        %broadcast_in_dim3A_135 = arith.constant -1.000000e+00 : f32
        %broadcast_in_dim3A_136 = vector.broadcast %broadcast_in_dim3A_135 : f32 to vector<16xf32>
        %broadcast_in_dim3A_137 = arith.constant -1.000000e+00 : f32
        %broadcast_in_dim3A_138 = vector.broadcast %broadcast_in_dim3A_137 : f32 to vector<16xf32>
        %broadcast_in_dim3A_139 = arith.constant 0 : i32
        %broadcast_in_dim3A_140 = vector.broadcast %broadcast_in_dim3A_139 : i32 to vector<16xi32>
        %broadcast_in_dim3A_141 = arith.constant 0 : i32
        %broadcast_in_dim3A_142 = vector.broadcast %broadcast_in_dim3A_141 : i32 to vector<16xi32>
        %broadcast_in_dim3A_143 = arith.constant 0 : i32
        %broadcast_in_dim3A_144 = vector.broadcast %broadcast_in_dim3A_143 : i32 to vector<16xi32>
        %broadcast_in_dim3A_145 = arith.constant 0 : i32
        %broadcast_in_dim3A_146 = vector.broadcast %broadcast_in_dim3A_145 : i32 to vector<16xi32>
        %parallel_loop3A = arith.constant 0 : i32
        %parallel_loop3A_147 = arith.constant 1024 : i32
        %parallel_loop3A_148 = arith.constant 64 : i32
        %parallel_loop3A_149:8 = scf.for %parallel_loop3A_185 = %parallel_loop3A to %parallel_loop3A_147 step %parallel_loop3A_148 iter_args(%parallel_loop3A_186 = %broadcast_in_dim3A_132, %parallel_loop3A_187 = %broadcast_in_dim3A_134, %parallel_loop3A_188 = %broadcast_in_dim3A_136, %parallel_loop3A_189 = %broadcast_in_dim3A_138, %parallel_loop3A_190 = %broadcast_in_dim3A_140, %parallel_loop3A_191 = %broadcast_in_dim3A_142, %parallel_loop3A_192 = %broadcast_in_dim3A_144, %parallel_loop3A_193 = %broadcast_in_dim3A_146) -> (vector<16xf32>, vector<16xf32>, vector<16xf32>, vector<16xf32>, vector<16xi32>, vector<16xi32>, vector<16xi32>, vector<16xi32>)  : i32 {
          %parallel_loop3A_194 = arith.constant 0 : i32
          %parallel_loop3A_195 = arith.addi %parallel_loop3A_185, %parallel_loop3A_194 : i32
          %parallel_loop3A_196 = arith.constant 0 : i32
          %parallel_loop3A_197 = arith.addi %parallel_loop3A_196, %parallel_loop3A_195 : i32
          %parallel_loop3A_198 = arith.index_cast %parallel_loop3A_197 : i32 to index
          %parallel_loop3A_199 = tpu.vector_load %arg13[%parallel_loop3A_198] {strides = array<i32>} : memref<1024xf32, #tpu.memory_space<vmem>>, vector<16xf32>,
          %parallel_loop3A_200 = arith.subf %parallel_loop3A_199, %gather3A : vector<16xf32>
          %parallel_loop3A_201 = arith.constant 0 : i32
          %parallel_loop3A_202 = arith.addi %parallel_loop3A_201, %parallel_loop3A_195 : i32
          %parallel_loop3A_203 = arith.index_cast %parallel_loop3A_202 : i32 to index
          %parallel_loop3A_204 = tpu.vector_load %arg14[%parallel_loop3A_203] {strides = array<i32>} : memref<1024xf32, #tpu.memory_space<vmem>>, vector<16xf32>,
          %parallel_loop3A_205 = arith.subf %parallel_loop3A_204, %gather3A_121 : vector<16xf32>
          %parallel_loop3A_206 = arith.constant 0 : i32
          %parallel_loop3A_207 = arith.addi %parallel_loop3A_206, %parallel_loop3A_195 : i32
          %parallel_loop3A_208 = arith.index_cast %parallel_loop3A_207 : i32 to index
          %parallel_loop3A_209 = tpu.vector_load %arg15[%parallel_loop3A_208] {strides = array<i32>} : memref<1024xf32, #tpu.memory_space<vmem>>, vector<16xf32>,
          %parallel_loop3A_210 = arith.subf %parallel_loop3A_209, %gather3A_122 : vector<16xf32>
          %parallel_loop3A_211 = arith.mulf %parallel_loop3A_200, %parallel_loop3A_200 : vector<16xf32>
          %parallel_loop3A_212 = arith.mulf %parallel_loop3A_205, %parallel_loop3A_205 : vector<16xf32>
          %parallel_loop3A_213 = arith.addf %parallel_loop3A_211, %parallel_loop3A_212 : vector<16xf32>
          %parallel_loop3A_214 = arith.mulf %parallel_loop3A_210, %parallel_loop3A_210 : vector<16xf32>
          %parallel_loop3A_215 = arith.addf %parallel_loop3A_213, %parallel_loop3A_214 : vector<16xf32>
          %parallel_loop3A_216 = arith.index_cast %parallel_loop3A_195 : i32 to index
          %parallel_loop3A_217 = tpu.vector_load %arg10[%parallel_loop3A_216] {strides = array<i32>} : memref<8192xf32, #tpu.memory_space<vmem>>, vector<16xf32>,
          %parallel_loop3A_218 = arith.minimumf %parallel_loop3A_217, %parallel_loop3A_215 : vector<16xf32>
          %parallel_loop3A_219 = arith.index_cast %parallel_loop3A_195 : i32 to index
          %parallel_loop3A_220 = tpu.vector_load %arg10[%parallel_loop3A_219] {strides = array<i32>} : memref<8192xf32, #tpu.memory_space<vmem>>, vector<16xf32>,
          tpu.vector_store %arg10[%parallel_loop3A_219], %parallel_loop3A_218 {strides = array<i32>} : memref<8192xf32, #tpu.memory_space<vmem>>, vector<16xf32>,
          %parallel_loop3A_221 = arith.cmpf ogt, %parallel_loop3A_218, %parallel_loop3A_186 : vector<16xf32>
          %parallel_loop3A_222 = arith.select %parallel_loop3A_221, %parallel_loop3A_218, %parallel_loop3A_186 : vector<16xi1>, vector<16xf32>
          %parallel_loop3A_223 = arith.constant 0 : i32
          %parallel_loop3A_224 = arith.addi %parallel_loop3A_223, %parallel_loop3A_195 : i32
          %parallel_loop3A_225 = vector.broadcast %parallel_loop3A_224 : i32 to vector<16xi32>
          %parallel_loop3A_226 = arith.addi %iota3A, %parallel_loop3A_225 : vector<16xi32>
          %parallel_loop3A_227 = arith.select %parallel_loop3A_221, %parallel_loop3A_226, %parallel_loop3A_190 : vector<16xi1>, vector<16xi32>
          %parallel_loop3A_228 = arith.constant 16 : i32
          %parallel_loop3A_229 = arith.addi %parallel_loop3A_185, %parallel_loop3A_228 : i32
          %parallel_loop3A_230 = arith.constant 0 : i32
          %parallel_loop3A_231 = arith.addi %parallel_loop3A_230, %parallel_loop3A_229 : i32
          %parallel_loop3A_232 = arith.index_cast %parallel_loop3A_231 : i32 to index
          %parallel_loop3A_233 = tpu.vector_load %arg13[%parallel_loop3A_232] {strides = array<i32>} : memref<1024xf32, #tpu.memory_space<vmem>>, vector<16xf32>,
          %parallel_loop3A_234 = arith.subf %parallel_loop3A_233, %gather3A : vector<16xf32>
          %parallel_loop3A_235 = arith.constant 0 : i32
          %parallel_loop3A_236 = arith.addi %parallel_loop3A_235, %parallel_loop3A_229 : i32
          %parallel_loop3A_237 = arith.index_cast %parallel_loop3A_236 : i32 to index
          %parallel_loop3A_238 = tpu.vector_load %arg14[%parallel_loop3A_237] {strides = array<i32>} : memref<1024xf32, #tpu.memory_space<vmem>>, vector<16xf32>,
          %parallel_loop3A_239 = arith.subf %parallel_loop3A_238, %gather3A_121 : vector<16xf32>
          %parallel_loop3A_240 = arith.constant 0 : i32
          %parallel_loop3A_241 = arith.addi %parallel_loop3A_240, %parallel_loop3A_229 : i32
          %parallel_loop3A_242 = arith.index_cast %parallel_loop3A_241 : i32 to index
          %parallel_loop3A_243 = tpu.vector_load %arg15[%parallel_loop3A_242] {strides = array<i32>} : memref<1024xf32, #tpu.memory_space<vmem>>, vector<16xf32>,
          %parallel_loop3A_244 = arith.subf %parallel_loop3A_243, %gather3A_122 : vector<16xf32>
          %parallel_loop3A_245 = arith.mulf %parallel_loop3A_234, %parallel_loop3A_234 : vector<16xf32>
          %parallel_loop3A_246 = arith.mulf %parallel_loop3A_239, %parallel_loop3A_239 : vector<16xf32>
          %parallel_loop3A_247 = arith.addf %parallel_loop3A_245, %parallel_loop3A_246 : vector<16xf32>
          %parallel_loop3A_248 = arith.mulf %parallel_loop3A_244, %parallel_loop3A_244 : vector<16xf32>
          %parallel_loop3A_249 = arith.addf %parallel_loop3A_247, %parallel_loop3A_248 : vector<16xf32>
          %parallel_loop3A_250 = arith.index_cast %parallel_loop3A_229 : i32 to index
          %parallel_loop3A_251 = tpu.vector_load %arg10[%parallel_loop3A_250] {strides = array<i32>} : memref<8192xf32, #tpu.memory_space<vmem>>, vector<16xf32>,
          %parallel_loop3A_252 = arith.minimumf %parallel_loop3A_251, %parallel_loop3A_249 : vector<16xf32>
          %parallel_loop3A_253 = arith.index_cast %parallel_loop3A_229 : i32 to index
          %parallel_loop3A_254 = tpu.vector_load %arg10[%parallel_loop3A_253] {strides = array<i32>} : memref<8192xf32, #tpu.memory_space<vmem>>, vector<16xf32>,
          tpu.vector_store %arg10[%parallel_loop3A_253], %parallel_loop3A_252 {strides = array<i32>} : memref<8192xf32, #tpu.memory_space<vmem>>, vector<16xf32>,
          %parallel_loop3A_255 = arith.cmpf ogt, %parallel_loop3A_252, %parallel_loop3A_187 : vector<16xf32>
          %parallel_loop3A_256 = arith.select %parallel_loop3A_255, %parallel_loop3A_252, %parallel_loop3A_187 : vector<16xi1>, vector<16xf32>
          %parallel_loop3A_257 = arith.constant 0 : i32
          %parallel_loop3A_258 = arith.addi %parallel_loop3A_257, %parallel_loop3A_229 : i32
          %parallel_loop3A_259 = vector.broadcast %parallel_loop3A_258 : i32 to vector<16xi32>
          %parallel_loop3A_260 = arith.addi %iota3A, %parallel_loop3A_259 : vector<16xi32>
          %parallel_loop3A_261 = arith.select %parallel_loop3A_255, %parallel_loop3A_260, %parallel_loop3A_191 : vector<16xi1>, vector<16xi32>
          %parallel_loop3A_262 = arith.constant 32 : i32
          %parallel_loop3A_263 = arith.addi %parallel_loop3A_185, %parallel_loop3A_262 : i32
          %parallel_loop3A_264 = arith.constant 0 : i32
          %parallel_loop3A_265 = arith.addi %parallel_loop3A_264, %parallel_loop3A_263 : i32
          %parallel_loop3A_266 = arith.index_cast %parallel_loop3A_265 : i32 to index
          %parallel_loop3A_267 = tpu.vector_load %arg13[%parallel_loop3A_266] {strides = array<i32>} : memref<1024xf32, #tpu.memory_space<vmem>>, vector<16xf32>,
          %parallel_loop3A_268 = arith.subf %parallel_loop3A_267, %gather3A : vector<16xf32>
          %parallel_loop3A_269 = arith.constant 0 : i32
          %parallel_loop3A_270 = arith.addi %parallel_loop3A_269, %parallel_loop3A_263 : i32
          %parallel_loop3A_271 = arith.index_cast %parallel_loop3A_270 : i32 to index
          %parallel_loop3A_272 = tpu.vector_load %arg14[%parallel_loop3A_271] {strides = array<i32>} : memref<1024xf32, #tpu.memory_space<vmem>>, vector<16xf32>,
          %parallel_loop3A_273 = arith.subf %parallel_loop3A_272, %gather3A_121 : vector<16xf32>
          %parallel_loop3A_274 = arith.constant 0 : i32
          %parallel_loop3A_275 = arith.addi %parallel_loop3A_274, %parallel_loop3A_263 : i32
          %parallel_loop3A_276 = arith.index_cast %parallel_loop3A_275 : i32 to index
          %parallel_loop3A_277 = tpu.vector_load %arg15[%parallel_loop3A_276] {strides = array<i32>} : memref<1024xf32, #tpu.memory_space<vmem>>, vector<16xf32>,
          %parallel_loop3A_278 = arith.subf %parallel_loop3A_277, %gather3A_122 : vector<16xf32>
          %parallel_loop3A_279 = arith.mulf %parallel_loop3A_268, %parallel_loop3A_268 : vector<16xf32>
          %parallel_loop3A_280 = arith.mulf %parallel_loop3A_273, %parallel_loop3A_273 : vector<16xf32>
          %parallel_loop3A_281 = arith.addf %parallel_loop3A_279, %parallel_loop3A_280 : vector<16xf32>
          %parallel_loop3A_282 = arith.mulf %parallel_loop3A_278, %parallel_loop3A_278 : vector<16xf32>
          %parallel_loop3A_283 = arith.addf %parallel_loop3A_281, %parallel_loop3A_282 : vector<16xf32>
          %parallel_loop3A_284 = arith.index_cast %parallel_loop3A_263 : i32 to index
          %parallel_loop3A_285 = tpu.vector_load %arg10[%parallel_loop3A_284] {strides = array<i32>} : memref<8192xf32, #tpu.memory_space<vmem>>, vector<16xf32>,
          %parallel_loop3A_286 = arith.minimumf %parallel_loop3A_285, %parallel_loop3A_283 : vector<16xf32>
          %parallel_loop3A_287 = arith.index_cast %parallel_loop3A_263 : i32 to index
          %parallel_loop3A_288 = tpu.vector_load %arg10[%parallel_loop3A_287] {strides = array<i32>} : memref<8192xf32, #tpu.memory_space<vmem>>, vector<16xf32>,
          tpu.vector_store %arg10[%parallel_loop3A_287], %parallel_loop3A_286 {strides = array<i32>} : memref<8192xf32, #tpu.memory_space<vmem>>, vector<16xf32>,
          %parallel_loop3A_289 = arith.cmpf ogt, %parallel_loop3A_286, %parallel_loop3A_188 : vector<16xf32>
          %parallel_loop3A_290 = arith.select %parallel_loop3A_289, %parallel_loop3A_286, %parallel_loop3A_188 : vector<16xi1>, vector<16xf32>
          %parallel_loop3A_291 = arith.constant 0 : i32
          %parallel_loop3A_292 = arith.addi %parallel_loop3A_291, %parallel_loop3A_263 : i32
          %parallel_loop3A_293 = vector.broadcast %parallel_loop3A_292 : i32 to vector<16xi32>
          %parallel_loop3A_294 = arith.addi %iota3A, %parallel_loop3A_293 : vector<16xi32>
          %parallel_loop3A_295 = arith.select %parallel_loop3A_289, %parallel_loop3A_294, %parallel_loop3A_192 : vector<16xi1>, vector<16xi32>
          %parallel_loop3A_296 = arith.constant 48 : i32
          %parallel_loop3A_297 = arith.addi %parallel_loop3A_185, %parallel_loop3A_296 : i32
          %parallel_loop3A_298 = arith.constant 0 : i32
          %parallel_loop3A_299 = arith.addi %parallel_loop3A_298, %parallel_loop3A_297 : i32
          %parallel_loop3A_300 = arith.index_cast %parallel_loop3A_299 : i32 to index
          %parallel_loop3A_301 = tpu.vector_load %arg13[%parallel_loop3A_300] {strides = array<i32>} : memref<1024xf32, #tpu.memory_space<vmem>>, vector<16xf32>,
          %parallel_loop3A_302 = arith.subf %parallel_loop3A_301, %gather3A : vector<16xf32>
          %parallel_loop3A_303 = arith.constant 0 : i32
          %parallel_loop3A_304 = arith.addi %parallel_loop3A_303, %parallel_loop3A_297 : i32
          %parallel_loop3A_305 = arith.index_cast %parallel_loop3A_304 : i32 to index
          %parallel_loop3A_306 = tpu.vector_load %arg14[%parallel_loop3A_305] {strides = array<i32>} : memref<1024xf32, #tpu.memory_space<vmem>>, vector<16xf32>,
          %parallel_loop3A_307 = arith.subf %parallel_loop3A_306, %gather3A_121 : vector<16xf32>
          %parallel_loop3A_308 = arith.constant 0 : i32
          %parallel_loop3A_309 = arith.addi %parallel_loop3A_308, %parallel_loop3A_297 : i32
          %parallel_loop3A_310 = arith.index_cast %parallel_loop3A_309 : i32 to index
          %parallel_loop3A_311 = tpu.vector_load %arg15[%parallel_loop3A_310] {strides = array<i32>} : memref<1024xf32, #tpu.memory_space<vmem>>, vector<16xf32>,
          %parallel_loop3A_312 = arith.subf %parallel_loop3A_311, %gather3A_122 : vector<16xf32>
          %parallel_loop3A_313 = arith.mulf %parallel_loop3A_302, %parallel_loop3A_302 : vector<16xf32>
          %parallel_loop3A_314 = arith.mulf %parallel_loop3A_307, %parallel_loop3A_307 : vector<16xf32>
          %parallel_loop3A_315 = arith.addf %parallel_loop3A_313, %parallel_loop3A_314 : vector<16xf32>
          %parallel_loop3A_316 = arith.mulf %parallel_loop3A_312, %parallel_loop3A_312 : vector<16xf32>
          %parallel_loop3A_317 = arith.addf %parallel_loop3A_315, %parallel_loop3A_316 : vector<16xf32>
          %parallel_loop3A_318 = arith.index_cast %parallel_loop3A_297 : i32 to index
          %parallel_loop3A_319 = tpu.vector_load %arg10[%parallel_loop3A_318] {strides = array<i32>} : memref<8192xf32, #tpu.memory_space<vmem>>, vector<16xf32>,
          %parallel_loop3A_320 = arith.minimumf %parallel_loop3A_319, %parallel_loop3A_317 : vector<16xf32>
          %parallel_loop3A_321 = arith.index_cast %parallel_loop3A_297 : i32 to index
          %parallel_loop3A_322 = tpu.vector_load %arg10[%parallel_loop3A_321] {strides = array<i32>} : memref<8192xf32, #tpu.memory_space<vmem>>, vector<16xf32>,
          tpu.vector_store %arg10[%parallel_loop3A_321], %parallel_loop3A_320 {strides = array<i32>} : memref<8192xf32, #tpu.memory_space<vmem>>, vector<16xf32>,
          %parallel_loop3A_323 = arith.cmpf ogt, %parallel_loop3A_320, %parallel_loop3A_189 : vector<16xf32>
          %parallel_loop3A_324 = arith.select %parallel_loop3A_323, %parallel_loop3A_320, %parallel_loop3A_189 : vector<16xi1>, vector<16xf32>
          %parallel_loop3A_325 = arith.constant 0 : i32
          %parallel_loop3A_326 = arith.addi %parallel_loop3A_325, %parallel_loop3A_297 : i32
          %parallel_loop3A_327 = vector.broadcast %parallel_loop3A_326 : i32 to vector<16xi32>
          %parallel_loop3A_328 = arith.addi %iota3A, %parallel_loop3A_327 : vector<16xi32>
          %parallel_loop3A_329 = arith.select %parallel_loop3A_323, %parallel_loop3A_328, %parallel_loop3A_193 : vector<16xi1>, vector<16xi32>
          scf.yield %parallel_loop3A_222, %parallel_loop3A_256, %parallel_loop3A_290, %parallel_loop3A_324, %parallel_loop3A_227, %parallel_loop3A_261, %parallel_loop3A_295, %parallel_loop3A_329 : vector<16xf32>, vector<16xf32>, vector<16xf32>, vector<16xf32>, vector<16xi32>, vector<16xi32>, vector<16xi32>, vector<16xi32>
        } {sc.loop_unroll_factor = 4 : i64, sc.parallel_access}
        %max3A = arith.maximumf %parallel_loop3A_149#0, %parallel_loop3A_149#1 : vector<16xf32>
        %max3A_150 = arith.maximumf %max3A, %parallel_loop3A_149#2 : vector<16xf32>
        %max3A_151 = arith.maximumf %max3A_150, %parallel_loop3A_149#3 : vector<16xf32>
        %reduce_max3A = arith.constant true
        %reduce_max3A_152 = vector.broadcast %reduce_max3A : i1 to vector<16xi1>
        %reduce_max3A_153 = tpu.scan <max>, %max3A_151 masked %reduce_max3A_152 : vector<16xf32>, vector<16xi1> -> vector<16xf32>
        %reduce_max3A_154 = vector.extract %reduce_max3A_153[15] : f32 from vector<16xf32>
        %broadcast_in_dim3A_155 = vector.broadcast %reduce_max3A_154 : f32 to vector<16xf32>
        %broadcast_in_dim3A_156 = arith.constant 16384 : i32
        %broadcast_in_dim3A_157 = vector.broadcast %broadcast_in_dim3A_156 : i32 to vector<16xi32>
        %eq3A_158 = arith.cmpf oeq, %parallel_loop3A_149#0, %broadcast_in_dim3A_155 : vector<16xf32>
        %jit3A_159 = arith.constant 16384 : i32
        %broadcast_in_dim3A_160 = vector.broadcast %jit3A_159 : i32 to vector<16xi32>
        %select_n3A_161 = arith.select %eq3A_158, %parallel_loop3A_149#4, %broadcast_in_dim3A_160 : vector<16xi1>, vector<16xi32>
        %min3A = arith.minsi %broadcast_in_dim3A_157, %select_n3A_161 : vector<16xi32>
        %eq3A_162 = arith.cmpf oeq, %parallel_loop3A_149#1, %broadcast_in_dim3A_155 : vector<16xf32>
        %jit3A_163 = arith.constant 16384 : i32
        %broadcast_in_dim3A_164 = vector.broadcast %jit3A_163 : i32 to vector<16xi32>
        %select_n3A_165 = arith.select %eq3A_162, %parallel_loop3A_149#5, %broadcast_in_dim3A_164 : vector<16xi1>, vector<16xi32>
        %min3A_166 = arith.minsi %min3A, %select_n3A_165 : vector<16xi32>
        %eq3A_167 = arith.cmpf oeq, %parallel_loop3A_149#2, %broadcast_in_dim3A_155 : vector<16xf32>
        %jit3A_168 = arith.constant 16384 : i32
        %broadcast_in_dim3A_169 = vector.broadcast %jit3A_168 : i32 to vector<16xi32>
        %select_n3A_170 = arith.select %eq3A_167, %parallel_loop3A_149#6, %broadcast_in_dim3A_169 : vector<16xi1>, vector<16xi32>
        %min3A_171 = arith.minsi %min3A_166, %select_n3A_170 : vector<16xi32>
        %eq3A_172 = arith.cmpf oeq, %parallel_loop3A_149#3, %broadcast_in_dim3A_155 : vector<16xf32>
        %jit3A_173 = arith.constant 16384 : i32
        %broadcast_in_dim3A_174 = vector.broadcast %jit3A_173 : i32 to vector<16xi32>
        %select_n3A_175 = arith.select %eq3A_172, %parallel_loop3A_149#7, %broadcast_in_dim3A_174 : vector<16xi1>, vector<16xi32>
        %min3A_176 = arith.minsi %min3A_171, %select_n3A_175 : vector<16xi32>
        %reduce_min3A = arith.constant true
        %reduce_min3A_177 = vector.broadcast %reduce_min3A : i1 to vector<16xi1>
        %reduce_min3A_178 = arith.constant -2147483648 : i32
        %reduce_min3A_179 = vector.broadcast %reduce_min3A_178 : i32 to vector<16xi32>
        %reduce_min3A_180 = arith.xori %min3A_176, %reduce_min3A_179 : vector<16xi32>
        %reduce_min3A_181 = tpu.scan <min>, %reduce_min3A_180 masked %reduce_min3A_177 : vector<16xi32>, vector<16xi1> -> vector<16xi32>
        %reduce_min3A_182 = arith.xori %reduce_min3A_181, %reduce_min3A_179 : vector<16xi32>
        %reduce_min3A_183 = vector.extract %reduce_min3A_182[15] : i32 from vector<16xi32>
        %broadcast_in_dim3A_184 = vector.broadcast %reduce_min3A_183 : i32 to vector<16xi32>
        scf.yield %broadcast_in_dim3A_184 : vector<16xi32>
      }
      %scan3A_75 = arith.constant 256 : i32
      %scan3A_76 = arith.constant 0 : i32
      %scan3A_77 = arith.constant 0 : i32
      %scan3A_78 = arith.constant 16 : i32
      %scan3A_79 = arith.addi %scan3A_77, %scan3A_78 : i32
      %scan3A_80 = arith.constant 4 : i32
      scf.for %scan3A_119 = %scan3A_77 to %scan3A_79 step %scan3A_80  : i32 {
        %mul3A_120 = arith.constant 16 : i32
        %mul3A_121 = arith.muli %scan3A_119, %mul3A_120 : i32
        %swap3A_122 = arith.index_cast %mul3A_121 : i32 to index
        %swap3A_123 = tpu.vector_load %arg10[%swap3A_122] {strides = array<i32>} : memref<8192xf32, #tpu.memory_space<vmem>>, vector<16xf32>,
        tpu.vector_store %arg10[%swap3A_122], %broadcast_in_dim3A_34 {strides = array<i32>} : memref<8192xf32, #tpu.memory_space<vmem>>, vector<16xf32>,
        %scan3A_124 = arith.constant 1 : i32
        %scan3A_125 = arith.addi %scan3A_119, %scan3A_124 : i32
        %mul3A_126 = arith.constant 16 : i32
        %mul3A_127 = arith.muli %scan3A_125, %mul3A_126 : i32
        %swap3A_128 = arith.index_cast %mul3A_127 : i32 to index
        %swap3A_129 = tpu.vector_load %arg10[%swap3A_128] {strides = array<i32>} : memref<8192xf32, #tpu.memory_space<vmem>>, vector<16xf32>,
        tpu.vector_store %arg10[%swap3A_128], %broadcast_in_dim3A_34 {strides = array<i32>} : memref<8192xf32, #tpu.memory_space<vmem>>, vector<16xf32>,
        %scan3A_130 = arith.constant 2 : i32
        %scan3A_131 = arith.addi %scan3A_119, %scan3A_130 : i32
        %mul3A_132 = arith.constant 16 : i32
        %mul3A_133 = arith.muli %scan3A_131, %mul3A_132 : i32
        %swap3A_134 = arith.index_cast %mul3A_133 : i32 to index
        %swap3A_135 = tpu.vector_load %arg10[%swap3A_134] {strides = array<i32>} : memref<8192xf32, #tpu.memory_space<vmem>>, vector<16xf32>,
        tpu.vector_store %arg10[%swap3A_134], %broadcast_in_dim3A_34 {strides = array<i32>} : memref<8192xf32, #tpu.memory_space<vmem>>, vector<16xf32>,
        %scan3A_136 = arith.constant 3 : i32
        %scan3A_137 = arith.addi %scan3A_119, %scan3A_136 : i32
        %mul3A_138 = arith.constant 16 : i32
        %mul3A_139 = arith.muli %scan3A_137, %mul3A_138 : i32
        %swap3A_140 = arith.index_cast %mul3A_139 : i32 to index
        %swap3A_141 = tpu.vector_load %arg10[%swap3A_140] {strides = array<i32>} : memref<8192xf32, #tpu.memory_space<vmem>>, vector<16xf32>,
        tpu.vector_store %arg10[%swap3A_140], %broadcast_in_dim3A_34 {strides = array<i32>} : memref<8192xf32, #tpu.memory_space<vmem>>, vector<16xf32>,
      }
      %scan3A_81 = arith.constant 16 : i32
      %broadcast_in_dim3A_82 = arith.constant 0 : i32
      %broadcast_in_dim3A_83 = vector.broadcast %broadcast_in_dim3A_82 : i32 to vector<16xi32>
      %scan3A_84 = arith.constant 0 : i32
      %scan3A_85 = arith.constant 64 : i32
      %scan3A_86 = arith.addi %scan3A_84, %scan3A_85 : i32
      %scan3A_87 = arith.constant 1 : i32
      %scan3A_88 = scf.for %scan3A_119 = %scan3A_84 to %scan3A_86 step %scan3A_87 iter_args(%scan3A_120 = %broadcast_in_dim3A_83) -> (vector<16xi32>)  : i32 {
        %gather3A = tpu.vector_load_idx %arg16[%scan3A_120] : memref<256xf32, #tpu.memory_space<vmem>>[vector<16xi32>], vector<16xf32>,
        %gather3A_121 = tpu.vector_load_idx %arg17[%scan3A_120] : memref<256xf32, #tpu.memory_space<vmem>>[vector<16xi32>], vector<16xf32>,
        %gather3A_122 = tpu.vector_load_idx %arg18[%scan3A_120] : memref<256xf32, #tpu.memory_space<vmem>>[vector<16xi32>], vector<16xf32>,
        %add3A_123 = arith.constant 1280 : i32
        %add3A_124 = arith.addi %add3A_123, %scan3A_119 : i32
        %broadcast_in_dim3A_125 = vector.broadcast %add3A_124 : i32 to vector<16xi32>
        %add3A_126 = arith.constant 1024 : i32
        %add3A_127 = vector.broadcast %add3A_126 : i32 to vector<16xi32>
        %add3A_128 = arith.addi %add3A_127, %scan3A_120 : vector<16xi32>
        %gather3A_129 = tpu.vector_load_idx %arg22[%add3A_128] : memref<1360xi32, #tpu.memory_space<vmem>>[vector<16xi32>], vector<16xi32>,
        tpu.vector_store_idx %arg22[%broadcast_in_dim3A_125], %gather3A_129 masked %eq3A_33 : memref<1360xi32, #tpu.memory_space<vmem>>[vector<16xi32>], vector<16xi32>, vector<16xi1>
        %broadcast_in_dim3A_130 = vector.broadcast %scan3A_119 : i32 to vector<16xi32>
        tpu.vector_store_idx %arg19[%broadcast_in_dim3A_130], %gather3A masked %eq3A_33 : memref<64xf32, #tpu.memory_space<vmem>>[vector<16xi32>], vector<16xf32>, vector<16xi1>
        tpu.vector_store_idx %arg20[%broadcast_in_dim3A_130], %gather3A_121 masked %eq3A_33 : memref<64xf32, #tpu.memory_space<vmem>>[vector<16xi32>], vector<16xf32>, vector<16xi1>
        tpu.vector_store_idx %arg21[%broadcast_in_dim3A_130], %gather3A_122 masked %eq3A_33 : memref<64xf32, #tpu.memory_space<vmem>>[vector<16xi32>], vector<16xf32>, vector<16xi1>
        %broadcast_in_dim3A_131 = arith.constant -1.000000e+00 : f32
        %broadcast_in_dim3A_132 = vector.broadcast %broadcast_in_dim3A_131 : f32 to vector<16xf32>
        %broadcast_in_dim3A_133 = arith.constant -1.000000e+00 : f32
        %broadcast_in_dim3A_134 = vector.broadcast %broadcast_in_dim3A_133 : f32 to vector<16xf32>
        %broadcast_in_dim3A_135 = arith.constant -1.000000e+00 : f32
        %broadcast_in_dim3A_136 = vector.broadcast %broadcast_in_dim3A_135 : f32 to vector<16xf32>
        %broadcast_in_dim3A_137 = arith.constant -1.000000e+00 : f32
        %broadcast_in_dim3A_138 = vector.broadcast %broadcast_in_dim3A_137 : f32 to vector<16xf32>
        %broadcast_in_dim3A_139 = arith.constant 0 : i32
        %broadcast_in_dim3A_140 = vector.broadcast %broadcast_in_dim3A_139 : i32 to vector<16xi32>
        %broadcast_in_dim3A_141 = arith.constant 0 : i32
        %broadcast_in_dim3A_142 = vector.broadcast %broadcast_in_dim3A_141 : i32 to vector<16xi32>
        %broadcast_in_dim3A_143 = arith.constant 0 : i32
        %broadcast_in_dim3A_144 = vector.broadcast %broadcast_in_dim3A_143 : i32 to vector<16xi32>
        %broadcast_in_dim3A_145 = arith.constant 0 : i32
        %broadcast_in_dim3A_146 = vector.broadcast %broadcast_in_dim3A_145 : i32 to vector<16xi32>
        %parallel_loop3A = arith.constant 0 : i32
        %parallel_loop3A_147 = arith.constant 256 : i32
        %parallel_loop3A_148 = arith.constant 64 : i32
        %parallel_loop3A_149:8 = scf.for %parallel_loop3A_185 = %parallel_loop3A to %parallel_loop3A_147 step %parallel_loop3A_148 iter_args(%parallel_loop3A_186 = %broadcast_in_dim3A_132, %parallel_loop3A_187 = %broadcast_in_dim3A_134, %parallel_loop3A_188 = %broadcast_in_dim3A_136, %parallel_loop3A_189 = %broadcast_in_dim3A_138, %parallel_loop3A_190 = %broadcast_in_dim3A_140, %parallel_loop3A_191 = %broadcast_in_dim3A_142, %parallel_loop3A_192 = %broadcast_in_dim3A_144, %parallel_loop3A_193 = %broadcast_in_dim3A_146) -> (vector<16xf32>, vector<16xf32>, vector<16xf32>, vector<16xf32>, vector<16xi32>, vector<16xi32>, vector<16xi32>, vector<16xi32>)  : i32 {
          %parallel_loop3A_194 = arith.constant 0 : i32
          %parallel_loop3A_195 = arith.addi %parallel_loop3A_185, %parallel_loop3A_194 : i32
          %parallel_loop3A_196 = arith.constant 0 : i32
          %parallel_loop3A_197 = arith.addi %parallel_loop3A_196, %parallel_loop3A_195 : i32
          %parallel_loop3A_198 = arith.index_cast %parallel_loop3A_197 : i32 to index
          %parallel_loop3A_199 = tpu.vector_load %arg16[%parallel_loop3A_198] {strides = array<i32>} : memref<256xf32, #tpu.memory_space<vmem>>, vector<16xf32>,
          %parallel_loop3A_200 = arith.subf %parallel_loop3A_199, %gather3A : vector<16xf32>
          %parallel_loop3A_201 = arith.constant 0 : i32
          %parallel_loop3A_202 = arith.addi %parallel_loop3A_201, %parallel_loop3A_195 : i32
          %parallel_loop3A_203 = arith.index_cast %parallel_loop3A_202 : i32 to index
          %parallel_loop3A_204 = tpu.vector_load %arg17[%parallel_loop3A_203] {strides = array<i32>} : memref<256xf32, #tpu.memory_space<vmem>>, vector<16xf32>,
          %parallel_loop3A_205 = arith.subf %parallel_loop3A_204, %gather3A_121 : vector<16xf32>
          %parallel_loop3A_206 = arith.constant 0 : i32
          %parallel_loop3A_207 = arith.addi %parallel_loop3A_206, %parallel_loop3A_195 : i32
          %parallel_loop3A_208 = arith.index_cast %parallel_loop3A_207 : i32 to index
          %parallel_loop3A_209 = tpu.vector_load %arg18[%parallel_loop3A_208] {strides = array<i32>} : memref<256xf32, #tpu.memory_space<vmem>>, vector<16xf32>,
          %parallel_loop3A_210 = arith.subf %parallel_loop3A_209, %gather3A_122 : vector<16xf32>
          %parallel_loop3A_211 = arith.mulf %parallel_loop3A_200, %parallel_loop3A_200 : vector<16xf32>
          %parallel_loop3A_212 = arith.mulf %parallel_loop3A_205, %parallel_loop3A_205 : vector<16xf32>
          %parallel_loop3A_213 = arith.addf %parallel_loop3A_211, %parallel_loop3A_212 : vector<16xf32>
          %parallel_loop3A_214 = arith.mulf %parallel_loop3A_210, %parallel_loop3A_210 : vector<16xf32>
          %parallel_loop3A_215 = arith.addf %parallel_loop3A_213, %parallel_loop3A_214 : vector<16xf32>
          %parallel_loop3A_216 = arith.index_cast %parallel_loop3A_195 : i32 to index
          %parallel_loop3A_217 = tpu.vector_load %arg10[%parallel_loop3A_216] {strides = array<i32>} : memref<8192xf32, #tpu.memory_space<vmem>>, vector<16xf32>,
          %parallel_loop3A_218 = arith.minimumf %parallel_loop3A_217, %parallel_loop3A_215 : vector<16xf32>
          %parallel_loop3A_219 = arith.index_cast %parallel_loop3A_195 : i32 to index
          %parallel_loop3A_220 = tpu.vector_load %arg10[%parallel_loop3A_219] {strides = array<i32>} : memref<8192xf32, #tpu.memory_space<vmem>>, vector<16xf32>,
          tpu.vector_store %arg10[%parallel_loop3A_219], %parallel_loop3A_218 {strides = array<i32>} : memref<8192xf32, #tpu.memory_space<vmem>>, vector<16xf32>,
          %parallel_loop3A_221 = arith.cmpf ogt, %parallel_loop3A_218, %parallel_loop3A_186 : vector<16xf32>
          %parallel_loop3A_222 = arith.select %parallel_loop3A_221, %parallel_loop3A_218, %parallel_loop3A_186 : vector<16xi1>, vector<16xf32>
          %parallel_loop3A_223 = arith.constant 0 : i32
          %parallel_loop3A_224 = arith.addi %parallel_loop3A_223, %parallel_loop3A_195 : i32
          %parallel_loop3A_225 = vector.broadcast %parallel_loop3A_224 : i32 to vector<16xi32>
          %parallel_loop3A_226 = arith.addi %iota3A, %parallel_loop3A_225 : vector<16xi32>
          %parallel_loop3A_227 = arith.select %parallel_loop3A_221, %parallel_loop3A_226, %parallel_loop3A_190 : vector<16xi1>, vector<16xi32>
          %parallel_loop3A_228 = arith.constant 16 : i32
          %parallel_loop3A_229 = arith.addi %parallel_loop3A_185, %parallel_loop3A_228 : i32
          %parallel_loop3A_230 = arith.constant 0 : i32
          %parallel_loop3A_231 = arith.addi %parallel_loop3A_230, %parallel_loop3A_229 : i32
          %parallel_loop3A_232 = arith.index_cast %parallel_loop3A_231 : i32 to index
          %parallel_loop3A_233 = tpu.vector_load %arg16[%parallel_loop3A_232] {strides = array<i32>} : memref<256xf32, #tpu.memory_space<vmem>>, vector<16xf32>,
          %parallel_loop3A_234 = arith.subf %parallel_loop3A_233, %gather3A : vector<16xf32>
          %parallel_loop3A_235 = arith.constant 0 : i32
          %parallel_loop3A_236 = arith.addi %parallel_loop3A_235, %parallel_loop3A_229 : i32
          %parallel_loop3A_237 = arith.index_cast %parallel_loop3A_236 : i32 to index
          %parallel_loop3A_238 = tpu.vector_load %arg17[%parallel_loop3A_237] {strides = array<i32>} : memref<256xf32, #tpu.memory_space<vmem>>, vector<16xf32>,
          %parallel_loop3A_239 = arith.subf %parallel_loop3A_238, %gather3A_121 : vector<16xf32>
          %parallel_loop3A_240 = arith.constant 0 : i32
          %parallel_loop3A_241 = arith.addi %parallel_loop3A_240, %parallel_loop3A_229 : i32
          %parallel_loop3A_242 = arith.index_cast %parallel_loop3A_241 : i32 to index
          %parallel_loop3A_243 = tpu.vector_load %arg18[%parallel_loop3A_242] {strides = array<i32>} : memref<256xf32, #tpu.memory_space<vmem>>, vector<16xf32>,
          %parallel_loop3A_244 = arith.subf %parallel_loop3A_243, %gather3A_122 : vector<16xf32>
          %parallel_loop3A_245 = arith.mulf %parallel_loop3A_234, %parallel_loop3A_234 : vector<16xf32>
          %parallel_loop3A_246 = arith.mulf %parallel_loop3A_239, %parallel_loop3A_239 : vector<16xf32>
          %parallel_loop3A_247 = arith.addf %parallel_loop3A_245, %parallel_loop3A_246 : vector<16xf32>
          %parallel_loop3A_248 = arith.mulf %parallel_loop3A_244, %parallel_loop3A_244 : vector<16xf32>
          %parallel_loop3A_249 = arith.addf %parallel_loop3A_247, %parallel_loop3A_248 : vector<16xf32>
          %parallel_loop3A_250 = arith.index_cast %parallel_loop3A_229 : i32 to index
          %parallel_loop3A_251 = tpu.vector_load %arg10[%parallel_loop3A_250] {strides = array<i32>} : memref<8192xf32, #tpu.memory_space<vmem>>, vector<16xf32>,
          %parallel_loop3A_252 = arith.minimumf %parallel_loop3A_251, %parallel_loop3A_249 : vector<16xf32>
          %parallel_loop3A_253 = arith.index_cast %parallel_loop3A_229 : i32 to index
          %parallel_loop3A_254 = tpu.vector_load %arg10[%parallel_loop3A_253] {strides = array<i32>} : memref<8192xf32, #tpu.memory_space<vmem>>, vector<16xf32>,
          tpu.vector_store %arg10[%parallel_loop3A_253], %parallel_loop3A_252 {strides = array<i32>} : memref<8192xf32, #tpu.memory_space<vmem>>, vector<16xf32>,
          %parallel_loop3A_255 = arith.cmpf ogt, %parallel_loop3A_252, %parallel_loop3A_187 : vector<16xf32>
          %parallel_loop3A_256 = arith.select %parallel_loop3A_255, %parallel_loop3A_252, %parallel_loop3A_187 : vector<16xi1>, vector<16xf32>
          %parallel_loop3A_257 = arith.constant 0 : i32
          %parallel_loop3A_258 = arith.addi %parallel_loop3A_257, %parallel_loop3A_229 : i32
          %parallel_loop3A_259 = vector.broadcast %parallel_loop3A_258 : i32 to vector<16xi32>
          %parallel_loop3A_260 = arith.addi %iota3A, %parallel_loop3A_259 : vector<16xi32>
          %parallel_loop3A_261 = arith.select %parallel_loop3A_255, %parallel_loop3A_260, %parallel_loop3A_191 : vector<16xi1>, vector<16xi32>
          %parallel_loop3A_262 = arith.constant 32 : i32
          %parallel_loop3A_263 = arith.addi %parallel_loop3A_185, %parallel_loop3A_262 : i32
          %parallel_loop3A_264 = arith.constant 0 : i32
          %parallel_loop3A_265 = arith.addi %parallel_loop3A_264, %parallel_loop3A_263 : i32
          %parallel_loop3A_266 = arith.index_cast %parallel_loop3A_265 : i32 to index
          %parallel_loop3A_267 = tpu.vector_load %arg16[%parallel_loop3A_266] {strides = array<i32>} : memref<256xf32, #tpu.memory_space<vmem>>, vector<16xf32>,
          %parallel_loop3A_268 = arith.subf %parallel_loop3A_267, %gather3A : vector<16xf32>
          %parallel_loop3A_269 = arith.constant 0 : i32
          %parallel_loop3A_270 = arith.addi %parallel_loop3A_269, %parallel_loop3A_263 : i32
          %parallel_loop3A_271 = arith.index_cast %parallel_loop3A_270 : i32 to index
          %parallel_loop3A_272 = tpu.vector_load %arg17[%parallel_loop3A_271] {strides = array<i32>} : memref<256xf32, #tpu.memory_space<vmem>>, vector<16xf32>,
          %parallel_loop3A_273 = arith.subf %parallel_loop3A_272, %gather3A_121 : vector<16xf32>
          %parallel_loop3A_274 = arith.constant 0 : i32
          %parallel_loop3A_275 = arith.addi %parallel_loop3A_274, %parallel_loop3A_263 : i32
          %parallel_loop3A_276 = arith.index_cast %parallel_loop3A_275 : i32 to index
          %parallel_loop3A_277 = tpu.vector_load %arg18[%parallel_loop3A_276] {strides = array<i32>} : memref<256xf32, #tpu.memory_space<vmem>>, vector<16xf32>,
          %parallel_loop3A_278 = arith.subf %parallel_loop3A_277, %gather3A_122 : vector<16xf32>
          %parallel_loop3A_279 = arith.mulf %parallel_loop3A_268, %parallel_loop3A_268 : vector<16xf32>
          %parallel_loop3A_280 = arith.mulf %parallel_loop3A_273, %parallel_loop3A_273 : vector<16xf32>
          %parallel_loop3A_281 = arith.addf %parallel_loop3A_279, %parallel_loop3A_280 : vector<16xf32>
          %parallel_loop3A_282 = arith.mulf %parallel_loop3A_278, %parallel_loop3A_278 : vector<16xf32>
          %parallel_loop3A_283 = arith.addf %parallel_loop3A_281, %parallel_loop3A_282 : vector<16xf32>
          %parallel_loop3A_284 = arith.index_cast %parallel_loop3A_263 : i32 to index
          %parallel_loop3A_285 = tpu.vector_load %arg10[%parallel_loop3A_284] {strides = array<i32>} : memref<8192xf32, #tpu.memory_space<vmem>>, vector<16xf32>,
          %parallel_loop3A_286 = arith.minimumf %parallel_loop3A_285, %parallel_loop3A_283 : vector<16xf32>
          %parallel_loop3A_287 = arith.index_cast %parallel_loop3A_263 : i32 to index
          %parallel_loop3A_288 = tpu.vector_load %arg10[%parallel_loop3A_287] {strides = array<i32>} : memref<8192xf32, #tpu.memory_space<vmem>>, vector<16xf32>,
          tpu.vector_store %arg10[%parallel_loop3A_287], %parallel_loop3A_286 {strides = array<i32>} : memref<8192xf32, #tpu.memory_space<vmem>>, vector<16xf32>,
          %parallel_loop3A_289 = arith.cmpf ogt, %parallel_loop3A_286, %parallel_loop3A_188 : vector<16xf32>
          %parallel_loop3A_290 = arith.select %parallel_loop3A_289, %parallel_loop3A_286, %parallel_loop3A_188 : vector<16xi1>, vector<16xf32>
          %parallel_loop3A_291 = arith.constant 0 : i32
          %parallel_loop3A_292 = arith.addi %parallel_loop3A_291, %parallel_loop3A_263 : i32
          %parallel_loop3A_293 = vector.broadcast %parallel_loop3A_292 : i32 to vector<16xi32>
          %parallel_loop3A_294 = arith.addi %iota3A, %parallel_loop3A_293 : vector<16xi32>
          %parallel_loop3A_295 = arith.select %parallel_loop3A_289, %parallel_loop3A_294, %parallel_loop3A_192 : vector<16xi1>, vector<16xi32>
          %parallel_loop3A_296 = arith.constant 48 : i32
          %parallel_loop3A_297 = arith.addi %parallel_loop3A_185, %parallel_loop3A_296 : i32
          %parallel_loop3A_298 = arith.constant 0 : i32
          %parallel_loop3A_299 = arith.addi %parallel_loop3A_298, %parallel_loop3A_297 : i32
          %parallel_loop3A_300 = arith.index_cast %parallel_loop3A_299 : i32 to index
          %parallel_loop3A_301 = tpu.vector_load %arg16[%parallel_loop3A_300] {strides = array<i32>} : memref<256xf32, #tpu.memory_space<vmem>>, vector<16xf32>,
          %parallel_loop3A_302 = arith.subf %parallel_loop3A_301, %gather3A : vector<16xf32>
          %parallel_loop3A_303 = arith.constant 0 : i32
          %parallel_loop3A_304 = arith.addi %parallel_loop3A_303, %parallel_loop3A_297 : i32
          %parallel_loop3A_305 = arith.index_cast %parallel_loop3A_304 : i32 to index
          %parallel_loop3A_306 = tpu.vector_load %arg17[%parallel_loop3A_305] {strides = array<i32>} : memref<256xf32, #tpu.memory_space<vmem>>, vector<16xf32>,
          %parallel_loop3A_307 = arith.subf %parallel_loop3A_306, %gather3A_121 : vector<16xf32>
          %parallel_loop3A_308 = arith.constant 0 : i32
          %parallel_loop3A_309 = arith.addi %parallel_loop3A_308, %parallel_loop3A_297 : i32
          %parallel_loop3A_310 = arith.index_cast %parallel_loop3A_309 : i32 to index
          %parallel_loop3A_311 = tpu.vector_load %arg18[%parallel_loop3A_310] {strides = array<i32>} : memref<256xf32, #tpu.memory_space<vmem>>, vector<16xf32>,
          %parallel_loop3A_312 = arith.subf %parallel_loop3A_311, %gather3A_122 : vector<16xf32>
          %parallel_loop3A_313 = arith.mulf %parallel_loop3A_302, %parallel_loop3A_302 : vector<16xf32>
          %parallel_loop3A_314 = arith.mulf %parallel_loop3A_307, %parallel_loop3A_307 : vector<16xf32>
          %parallel_loop3A_315 = arith.addf %parallel_loop3A_313, %parallel_loop3A_314 : vector<16xf32>
          %parallel_loop3A_316 = arith.mulf %parallel_loop3A_312, %parallel_loop3A_312 : vector<16xf32>
          %parallel_loop3A_317 = arith.addf %parallel_loop3A_315, %parallel_loop3A_316 : vector<16xf32>
          %parallel_loop3A_318 = arith.index_cast %parallel_loop3A_297 : i32 to index
          %parallel_loop3A_319 = tpu.vector_load %arg10[%parallel_loop3A_318] {strides = array<i32>} : memref<8192xf32, #tpu.memory_space<vmem>>, vector<16xf32>,
          %parallel_loop3A_320 = arith.minimumf %parallel_loop3A_319, %parallel_loop3A_317 : vector<16xf32>
          %parallel_loop3A_321 = arith.index_cast %parallel_loop3A_297 : i32 to index
          %parallel_loop3A_322 = tpu.vector_load %arg10[%parallel_loop3A_321] {strides = array<i32>} : memref<8192xf32, #tpu.memory_space<vmem>>, vector<16xf32>,
          tpu.vector_store %arg10[%parallel_loop3A_321], %parallel_loop3A_320 {strides = array<i32>} : memref<8192xf32, #tpu.memory_space<vmem>>, vector<16xf32>,
          %parallel_loop3A_323 = arith.cmpf ogt, %parallel_loop3A_320, %parallel_loop3A_189 : vector<16xf32>
          %parallel_loop3A_324 = arith.select %parallel_loop3A_323, %parallel_loop3A_320, %parallel_loop3A_189 : vector<16xi1>, vector<16xf32>
          %parallel_loop3A_325 = arith.constant 0 : i32
          %parallel_loop3A_326 = arith.addi %parallel_loop3A_325, %parallel_loop3A_297 : i32
          %parallel_loop3A_327 = vector.broadcast %parallel_loop3A_326 : i32 to vector<16xi32>
          %parallel_loop3A_328 = arith.addi %iota3A, %parallel_loop3A_327 : vector<16xi32>
          %parallel_loop3A_329 = arith.select %parallel_loop3A_323, %parallel_loop3A_328, %parallel_loop3A_193 : vector<16xi1>, vector<16xi32>
          scf.yield %parallel_loop3A_222, %parallel_loop3A_256, %parallel_loop3A_290, %parallel_loop3A_324, %parallel_loop3A_227, %parallel_loop3A_261, %parallel_loop3A_295, %parallel_loop3A_329 : vector<16xf32>, vector<16xf32>, vector<16xf32>, vector<16xf32>, vector<16xi32>, vector<16xi32>, vector<16xi32>, vector<16xi32>
        } {sc.loop_unroll_factor = 4 : i64, sc.parallel_access}
        %max3A = arith.maximumf %parallel_loop3A_149#0, %parallel_loop3A_149#1 : vector<16xf32>
        %max3A_150 = arith.maximumf %max3A, %parallel_loop3A_149#2 : vector<16xf32>
        %max3A_151 = arith.maximumf %max3A_150, %parallel_loop3A_149#3 : vector<16xf32>
        %reduce_max3A = arith.constant true
        %reduce_max3A_152 = vector.broadcast %reduce_max3A : i1 to vector<16xi1>
        %reduce_max3A_153 = tpu.scan <max>, %max3A_151 masked %reduce_max3A_152 : vector<16xf32>, vector<16xi1> -> vector<16xf32>
        %reduce_max3A_154 = vector.extract %reduce_max3A_153[15] : f32 from vector<16xf32>
        %broadcast_in_dim3A_155 = vector.broadcast %reduce_max3A_154 : f32 to vector<16xf32>
        %broadcast_in_dim3A_156 = arith.constant 16384 : i32
        %broadcast_in_dim3A_157 = vector.broadcast %broadcast_in_dim3A_156 : i32 to vector<16xi32>
        %eq3A_158 = arith.cmpf oeq, %parallel_loop3A_149#0, %broadcast_in_dim3A_155 : vector<16xf32>
        %jit3A_159 = arith.constant 16384 : i32
        %broadcast_in_dim3A_160 = vector.broadcast %jit3A_159 : i32 to vector<16xi32>
        %select_n3A_161 = arith.select %eq3A_158, %parallel_loop3A_149#4, %broadcast_in_dim3A_160 : vector<16xi1>, vector<16xi32>
        %min3A = arith.minsi %broadcast_in_dim3A_157, %select_n3A_161 : vector<16xi32>
        %eq3A_162 = arith.cmpf oeq, %parallel_loop3A_149#1, %broadcast_in_dim3A_155 : vector<16xf32>
        %jit3A_163 = arith.constant 16384 : i32
        %broadcast_in_dim3A_164 = vector.broadcast %jit3A_163 : i32 to vector<16xi32>
        %select_n3A_165 = arith.select %eq3A_162, %parallel_loop3A_149#5, %broadcast_in_dim3A_164 : vector<16xi1>, vector<16xi32>
        %min3A_166 = arith.minsi %min3A, %select_n3A_165 : vector<16xi32>
        %eq3A_167 = arith.cmpf oeq, %parallel_loop3A_149#2, %broadcast_in_dim3A_155 : vector<16xf32>
        %jit3A_168 = arith.constant 16384 : i32
        %broadcast_in_dim3A_169 = vector.broadcast %jit3A_168 : i32 to vector<16xi32>
        %select_n3A_170 = arith.select %eq3A_167, %parallel_loop3A_149#6, %broadcast_in_dim3A_169 : vector<16xi1>, vector<16xi32>
        %min3A_171 = arith.minsi %min3A_166, %select_n3A_170 : vector<16xi32>
        %eq3A_172 = arith.cmpf oeq, %parallel_loop3A_149#3, %broadcast_in_dim3A_155 : vector<16xf32>
        %jit3A_173 = arith.constant 16384 : i32
        %broadcast_in_dim3A_174 = vector.broadcast %jit3A_173 : i32 to vector<16xi32>
        %select_n3A_175 = arith.select %eq3A_172, %parallel_loop3A_149#7, %broadcast_in_dim3A_174 : vector<16xi1>, vector<16xi32>
        %min3A_176 = arith.minsi %min3A_171, %select_n3A_175 : vector<16xi32>
        %reduce_min3A = arith.constant true
        %reduce_min3A_177 = vector.broadcast %reduce_min3A : i1 to vector<16xi1>
        %reduce_min3A_178 = arith.constant -2147483648 : i32
        %reduce_min3A_179 = vector.broadcast %reduce_min3A_178 : i32 to vector<16xi32>
        %reduce_min3A_180 = arith.xori %min3A_176, %reduce_min3A_179 : vector<16xi32>
        %reduce_min3A_181 = tpu.scan <min>, %reduce_min3A_180 masked %reduce_min3A_177 : vector<16xi32>, vector<16xi1> -> vector<16xi32>
        %reduce_min3A_182 = arith.xori %reduce_min3A_181, %reduce_min3A_179 : vector<16xi32>
        %reduce_min3A_183 = vector.extract %reduce_min3A_182[15] : i32 from vector<16xi32>
        %broadcast_in_dim3A_184 = vector.broadcast %reduce_min3A_183 : i32 to vector<16xi32>
        scf.yield %broadcast_in_dim3A_184 : vector<16xi32>
      }
      %scan3A_89 = arith.constant 64 : i32
      %scan3A_90 = arith.constant 0 : i32
      %scan3A_91 = arith.constant 0 : i32
      %mul3A_92 = arith.constant 16 : i32
      %mul3A_93 = arith.muli %scan3A_91, %mul3A_92 : i32
      %swap3A = arith.index_cast %mul3A_93 : i32 to index
      %swap3A_94 = tpu.vector_load %arg10[%swap3A] {strides = array<i32>} : memref<8192xf32, #tpu.memory_space<vmem>>, vector<16xf32>,
      tpu.vector_store %arg10[%swap3A], %broadcast_in_dim3A_34 {strides = array<i32>} : memref<8192xf32, #tpu.memory_space<vmem>>, vector<16xf32>,
      %scan3A_95 = arith.constant 1 : i32
      %mul3A_96 = arith.constant 16 : i32
      %mul3A_97 = arith.muli %scan3A_95, %mul3A_96 : i32
      %swap3A_98 = arith.index_cast %mul3A_97 : i32 to index
      %swap3A_99 = tpu.vector_load %arg10[%swap3A_98] {strides = array<i32>} : memref<8192xf32, #tpu.memory_space<vmem>>, vector<16xf32>,
      tpu.vector_store %arg10[%swap3A_98], %broadcast_in_dim3A_34 {strides = array<i32>} : memref<8192xf32, #tpu.memory_space<vmem>>, vector<16xf32>,
      %scan3A_100 = arith.constant 2 : i32
      %mul3A_101 = arith.constant 16 : i32
      %mul3A_102 = arith.muli %scan3A_100, %mul3A_101 : i32
      %swap3A_103 = arith.index_cast %mul3A_102 : i32 to index
      %swap3A_104 = tpu.vector_load %arg10[%swap3A_103] {strides = array<i32>} : memref<8192xf32, #tpu.memory_space<vmem>>, vector<16xf32>,
      tpu.vector_store %arg10[%swap3A_103], %broadcast_in_dim3A_34 {strides = array<i32>} : memref<8192xf32, #tpu.memory_space<vmem>>, vector<16xf32>,
      %scan3A_105 = arith.constant 3 : i32
      %mul3A_106 = arith.constant 16 : i32
      %mul3A_107 = arith.muli %scan3A_105, %mul3A_106 : i32
      %swap3A_108 = arith.index_cast %mul3A_107 : i32 to index
      %swap3A_109 = tpu.vector_load %arg10[%swap3A_108] {strides = array<i32>} : memref<8192xf32, #tpu.memory_space<vmem>>, vector<16xf32>,
      tpu.vector_store %arg10[%swap3A_108], %broadcast_in_dim3A_34 {strides = array<i32>} : memref<8192xf32, #tpu.memory_space<vmem>>, vector<16xf32>,
      %scan3A_110 = arith.constant 4 : i32
      %broadcast_in_dim3A_111 = arith.constant 0 : i32
      %broadcast_in_dim3A_112 = vector.broadcast %broadcast_in_dim3A_111 : i32 to vector<16xi32>
      %scan3A_113 = arith.constant 0 : i32
      %scan3A_114 = arith.constant 16 : i32
      %scan3A_115 = arith.addi %scan3A_113, %scan3A_114 : i32
      %scan3A_116 = arith.constant 1 : i32
      %scan3A_117 = scf.for %scan3A_119 = %scan3A_113 to %scan3A_115 step %scan3A_116 iter_args(%scan3A_120 = %broadcast_in_dim3A_112) -> (vector<16xi32>)  : i32 {
        %gather3A = tpu.vector_load_idx %arg19[%scan3A_120] : memref<64xf32, #tpu.memory_space<vmem>>[vector<16xi32>], vector<16xf32>,
        %gather3A_121 = tpu.vector_load_idx %arg20[%scan3A_120] : memref<64xf32, #tpu.memory_space<vmem>>[vector<16xi32>], vector<16xf32>,
        %gather3A_122 = tpu.vector_load_idx %arg21[%scan3A_120] : memref<64xf32, #tpu.memory_space<vmem>>[vector<16xi32>], vector<16xf32>,
        %add3A_123 = arith.constant 1344 : i32
        %add3A_124 = arith.addi %add3A_123, %scan3A_119 : i32
        %broadcast_in_dim3A_125 = vector.broadcast %add3A_124 : i32 to vector<16xi32>
        %add3A_126 = arith.constant 1280 : i32
        %add3A_127 = vector.broadcast %add3A_126 : i32 to vector<16xi32>
        %add3A_128 = arith.addi %add3A_127, %scan3A_120 : vector<16xi32>
        %gather3A_129 = tpu.vector_load_idx %arg22[%add3A_128] : memref<1360xi32, #tpu.memory_space<vmem>>[vector<16xi32>], vector<16xi32>,
        tpu.vector_store_idx %arg22[%broadcast_in_dim3A_125], %gather3A_129 masked %eq3A_33 : memref<1360xi32, #tpu.memory_space<vmem>>[vector<16xi32>], vector<16xi32>, vector<16xi1>
        %broadcast_in_dim3A_130 = arith.constant -1.000000e+00 : f32
        %broadcast_in_dim3A_131 = vector.broadcast %broadcast_in_dim3A_130 : f32 to vector<16xf32>
        %broadcast_in_dim3A_132 = arith.constant -1.000000e+00 : f32
        %broadcast_in_dim3A_133 = vector.broadcast %broadcast_in_dim3A_132 : f32 to vector<16xf32>
        %broadcast_in_dim3A_134 = arith.constant -1.000000e+00 : f32
        %broadcast_in_dim3A_135 = vector.broadcast %broadcast_in_dim3A_134 : f32 to vector<16xf32>
        %broadcast_in_dim3A_136 = arith.constant -1.000000e+00 : f32
        %broadcast_in_dim3A_137 = vector.broadcast %broadcast_in_dim3A_136 : f32 to vector<16xf32>
        %broadcast_in_dim3A_138 = arith.constant 0 : i32
        %broadcast_in_dim3A_139 = vector.broadcast %broadcast_in_dim3A_138 : i32 to vector<16xi32>
        %broadcast_in_dim3A_140 = arith.constant 0 : i32
        %broadcast_in_dim3A_141 = vector.broadcast %broadcast_in_dim3A_140 : i32 to vector<16xi32>
        %broadcast_in_dim3A_142 = arith.constant 0 : i32
        %broadcast_in_dim3A_143 = vector.broadcast %broadcast_in_dim3A_142 : i32 to vector<16xi32>
        %broadcast_in_dim3A_144 = arith.constant 0 : i32
        %broadcast_in_dim3A_145 = vector.broadcast %broadcast_in_dim3A_144 : i32 to vector<16xi32>
        %parallel_loop3A = arith.constant 0 : i32
        %parallel_loop3A_146 = arith.constant 64 : i32
        %parallel_loop3A_147 = arith.constant 64 : i32
        %parallel_loop3A_148:8 = scf.for %parallel_loop3A_184 = %parallel_loop3A to %parallel_loop3A_146 step %parallel_loop3A_147 iter_args(%parallel_loop3A_185 = %broadcast_in_dim3A_131, %parallel_loop3A_186 = %broadcast_in_dim3A_133, %parallel_loop3A_187 = %broadcast_in_dim3A_135, %parallel_loop3A_188 = %broadcast_in_dim3A_137, %parallel_loop3A_189 = %broadcast_in_dim3A_139, %parallel_loop3A_190 = %broadcast_in_dim3A_141, %parallel_loop3A_191 = %broadcast_in_dim3A_143, %parallel_loop3A_192 = %broadcast_in_dim3A_145) -> (vector<16xf32>, vector<16xf32>, vector<16xf32>, vector<16xf32>, vector<16xi32>, vector<16xi32>, vector<16xi32>, vector<16xi32>)  : i32 {
          %parallel_loop3A_193 = arith.constant 0 : i32
          %parallel_loop3A_194 = arith.addi %parallel_loop3A_184, %parallel_loop3A_193 : i32
          %parallel_loop3A_195 = arith.constant 0 : i32
          %parallel_loop3A_196 = arith.addi %parallel_loop3A_195, %parallel_loop3A_194 : i32
          %parallel_loop3A_197 = arith.index_cast %parallel_loop3A_196 : i32 to index
          %parallel_loop3A_198 = tpu.vector_load %arg19[%parallel_loop3A_197] {strides = array<i32>} : memref<64xf32, #tpu.memory_space<vmem>>, vector<16xf32>,
          %parallel_loop3A_199 = arith.subf %parallel_loop3A_198, %gather3A : vector<16xf32>
          %parallel_loop3A_200 = arith.constant 0 : i32
          %parallel_loop3A_201 = arith.addi %parallel_loop3A_200, %parallel_loop3A_194 : i32
          %parallel_loop3A_202 = arith.index_cast %parallel_loop3A_201 : i32 to index
          %parallel_loop3A_203 = tpu.vector_load %arg20[%parallel_loop3A_202] {strides = array<i32>} : memref<64xf32, #tpu.memory_space<vmem>>, vector<16xf32>,
          %parallel_loop3A_204 = arith.subf %parallel_loop3A_203, %gather3A_121 : vector<16xf32>
          %parallel_loop3A_205 = arith.constant 0 : i32
          %parallel_loop3A_206 = arith.addi %parallel_loop3A_205, %parallel_loop3A_194 : i32
          %parallel_loop3A_207 = arith.index_cast %parallel_loop3A_206 : i32 to index
          %parallel_loop3A_208 = tpu.vector_load %arg21[%parallel_loop3A_207] {strides = array<i32>} : memref<64xf32, #tpu.memory_space<vmem>>, vector<16xf32>,
          %parallel_loop3A_209 = arith.subf %parallel_loop3A_208, %gather3A_122 : vector<16xf32>
          %parallel_loop3A_210 = arith.mulf %parallel_loop3A_199, %parallel_loop3A_199 : vector<16xf32>
          %parallel_loop3A_211 = arith.mulf %parallel_loop3A_204, %parallel_loop3A_204 : vector<16xf32>
          %parallel_loop3A_212 = arith.addf %parallel_loop3A_210, %parallel_loop3A_211 : vector<16xf32>
          %parallel_loop3A_213 = arith.mulf %parallel_loop3A_209, %parallel_loop3A_209 : vector<16xf32>
          %parallel_loop3A_214 = arith.addf %parallel_loop3A_212, %parallel_loop3A_213 : vector<16xf32>
          %parallel_loop3A_215 = arith.index_cast %parallel_loop3A_194 : i32 to index
          %parallel_loop3A_216 = tpu.vector_load %arg10[%parallel_loop3A_215] {strides = array<i32>} : memref<8192xf32, #tpu.memory_space<vmem>>, vector<16xf32>,
          %parallel_loop3A_217 = arith.minimumf %parallel_loop3A_216, %parallel_loop3A_214 : vector<16xf32>
          %parallel_loop3A_218 = arith.index_cast %parallel_loop3A_194 : i32 to index
          %parallel_loop3A_219 = tpu.vector_load %arg10[%parallel_loop3A_218] {strides = array<i32>} : memref<8192xf32, #tpu.memory_space<vmem>>, vector<16xf32>,
          tpu.vector_store %arg10[%parallel_loop3A_218], %parallel_loop3A_217 {strides = array<i32>} : memref<8192xf32, #tpu.memory_space<vmem>>, vector<16xf32>,
          %parallel_loop3A_220 = arith.cmpf ogt, %parallel_loop3A_217, %parallel_loop3A_185 : vector<16xf32>
          %parallel_loop3A_221 = arith.select %parallel_loop3A_220, %parallel_loop3A_217, %parallel_loop3A_185 : vector<16xi1>, vector<16xf32>
          %parallel_loop3A_222 = arith.constant 0 : i32
          %parallel_loop3A_223 = arith.addi %parallel_loop3A_222, %parallel_loop3A_194 : i32
          %parallel_loop3A_224 = vector.broadcast %parallel_loop3A_223 : i32 to vector<16xi32>
          %parallel_loop3A_225 = arith.addi %iota3A, %parallel_loop3A_224 : vector<16xi32>
          %parallel_loop3A_226 = arith.select %parallel_loop3A_220, %parallel_loop3A_225, %parallel_loop3A_189 : vector<16xi1>, vector<16xi32>
          %parallel_loop3A_227 = arith.constant 16 : i32
          %parallel_loop3A_228 = arith.addi %parallel_loop3A_184, %parallel_loop3A_227 : i32
          %parallel_loop3A_229 = arith.constant 0 : i32
          %parallel_loop3A_230 = arith.addi %parallel_loop3A_229, %parallel_loop3A_228 : i32
          %parallel_loop3A_231 = arith.index_cast %parallel_loop3A_230 : i32 to index
          %parallel_loop3A_232 = tpu.vector_load %arg19[%parallel_loop3A_231] {strides = array<i32>} : memref<64xf32, #tpu.memory_space<vmem>>, vector<16xf32>,
          %parallel_loop3A_233 = arith.subf %parallel_loop3A_232, %gather3A : vector<16xf32>
          %parallel_loop3A_234 = arith.constant 0 : i32
          %parallel_loop3A_235 = arith.addi %parallel_loop3A_234, %parallel_loop3A_228 : i32
          %parallel_loop3A_236 = arith.index_cast %parallel_loop3A_235 : i32 to index
          %parallel_loop3A_237 = tpu.vector_load %arg20[%parallel_loop3A_236] {strides = array<i32>} : memref<64xf32, #tpu.memory_space<vmem>>, vector<16xf32>,
          %parallel_loop3A_238 = arith.subf %parallel_loop3A_237, %gather3A_121 : vector<16xf32>
          %parallel_loop3A_239 = arith.constant 0 : i32
          %parallel_loop3A_240 = arith.addi %parallel_loop3A_239, %parallel_loop3A_228 : i32
          %parallel_loop3A_241 = arith.index_cast %parallel_loop3A_240 : i32 to index
          %parallel_loop3A_242 = tpu.vector_load %arg21[%parallel_loop3A_241] {strides = array<i32>} : memref<64xf32, #tpu.memory_space<vmem>>, vector<16xf32>,
          %parallel_loop3A_243 = arith.subf %parallel_loop3A_242, %gather3A_122 : vector<16xf32>
          %parallel_loop3A_244 = arith.mulf %parallel_loop3A_233, %parallel_loop3A_233 : vector<16xf32>
          %parallel_loop3A_245 = arith.mulf %parallel_loop3A_238, %parallel_loop3A_238 : vector<16xf32>
          %parallel_loop3A_246 = arith.addf %parallel_loop3A_244, %parallel_loop3A_245 : vector<16xf32>
          %parallel_loop3A_247 = arith.mulf %parallel_loop3A_243, %parallel_loop3A_243 : vector<16xf32>
          %parallel_loop3A_248 = arith.addf %parallel_loop3A_246, %parallel_loop3A_247 : vector<16xf32>
          %parallel_loop3A_249 = arith.index_cast %parallel_loop3A_228 : i32 to index
          %parallel_loop3A_250 = tpu.vector_load %arg10[%parallel_loop3A_249] {strides = array<i32>} : memref<8192xf32, #tpu.memory_space<vmem>>, vector<16xf32>,
          %parallel_loop3A_251 = arith.minimumf %parallel_loop3A_250, %parallel_loop3A_248 : vector<16xf32>
          %parallel_loop3A_252 = arith.index_cast %parallel_loop3A_228 : i32 to index
          %parallel_loop3A_253 = tpu.vector_load %arg10[%parallel_loop3A_252] {strides = array<i32>} : memref<8192xf32, #tpu.memory_space<vmem>>, vector<16xf32>,
          tpu.vector_store %arg10[%parallel_loop3A_252], %parallel_loop3A_251 {strides = array<i32>} : memref<8192xf32, #tpu.memory_space<vmem>>, vector<16xf32>,
          %parallel_loop3A_254 = arith.cmpf ogt, %parallel_loop3A_251, %parallel_loop3A_186 : vector<16xf32>
          %parallel_loop3A_255 = arith.select %parallel_loop3A_254, %parallel_loop3A_251, %parallel_loop3A_186 : vector<16xi1>, vector<16xf32>
          %parallel_loop3A_256 = arith.constant 0 : i32
          %parallel_loop3A_257 = arith.addi %parallel_loop3A_256, %parallel_loop3A_228 : i32
          %parallel_loop3A_258 = vector.broadcast %parallel_loop3A_257 : i32 to vector<16xi32>
          %parallel_loop3A_259 = arith.addi %iota3A, %parallel_loop3A_258 : vector<16xi32>
          %parallel_loop3A_260 = arith.select %parallel_loop3A_254, %parallel_loop3A_259, %parallel_loop3A_190 : vector<16xi1>, vector<16xi32>
          %parallel_loop3A_261 = arith.constant 32 : i32
          %parallel_loop3A_262 = arith.addi %parallel_loop3A_184, %parallel_loop3A_261 : i32
          %parallel_loop3A_263 = arith.constant 0 : i32
          %parallel_loop3A_264 = arith.addi %parallel_loop3A_263, %parallel_loop3A_262 : i32
          %parallel_loop3A_265 = arith.index_cast %parallel_loop3A_264 : i32 to index
          %parallel_loop3A_266 = tpu.vector_load %arg19[%parallel_loop3A_265] {strides = array<i32>} : memref<64xf32, #tpu.memory_space<vmem>>, vector<16xf32>,
          %parallel_loop3A_267 = arith.subf %parallel_loop3A_266, %gather3A : vector<16xf32>
          %parallel_loop3A_268 = arith.constant 0 : i32
          %parallel_loop3A_269 = arith.addi %parallel_loop3A_268, %parallel_loop3A_262 : i32
          %parallel_loop3A_270 = arith.index_cast %parallel_loop3A_269 : i32 to index
          %parallel_loop3A_271 = tpu.vector_load %arg20[%parallel_loop3A_270] {strides = array<i32>} : memref<64xf32, #tpu.memory_space<vmem>>, vector<16xf32>,
          %parallel_loop3A_272 = arith.subf %parallel_loop3A_271, %gather3A_121 : vector<16xf32>
          %parallel_loop3A_273 = arith.constant 0 : i32
          %parallel_loop3A_274 = arith.addi %parallel_loop3A_273, %parallel_loop3A_262 : i32
          %parallel_loop3A_275 = arith.index_cast %parallel_loop3A_274 : i32 to index
          %parallel_loop3A_276 = tpu.vector_load %arg21[%parallel_loop3A_275] {strides = array<i32>} : memref<64xf32, #tpu.memory_space<vmem>>, vector<16xf32>,
          %parallel_loop3A_277 = arith.subf %parallel_loop3A_276, %gather3A_122 : vector<16xf32>
          %parallel_loop3A_278 = arith.mulf %parallel_loop3A_267, %parallel_loop3A_267 : vector<16xf32>
          %parallel_loop3A_279 = arith.mulf %parallel_loop3A_272, %parallel_loop3A_272 : vector<16xf32>
          %parallel_loop3A_280 = arith.addf %parallel_loop3A_278, %parallel_loop3A_279 : vector<16xf32>
          %parallel_loop3A_281 = arith.mulf %parallel_loop3A_277, %parallel_loop3A_277 : vector<16xf32>
          %parallel_loop3A_282 = arith.addf %parallel_loop3A_280, %parallel_loop3A_281 : vector<16xf32>
          %parallel_loop3A_283 = arith.index_cast %parallel_loop3A_262 : i32 to index
          %parallel_loop3A_284 = tpu.vector_load %arg10[%parallel_loop3A_283] {strides = array<i32>} : memref<8192xf32, #tpu.memory_space<vmem>>, vector<16xf32>,
          %parallel_loop3A_285 = arith.minimumf %parallel_loop3A_284, %parallel_loop3A_282 : vector<16xf32>
          %parallel_loop3A_286 = arith.index_cast %parallel_loop3A_262 : i32 to index
          %parallel_loop3A_287 = tpu.vector_load %arg10[%parallel_loop3A_286] {strides = array<i32>} : memref<8192xf32, #tpu.memory_space<vmem>>, vector<16xf32>,
          tpu.vector_store %arg10[%parallel_loop3A_286], %parallel_loop3A_285 {strides = array<i32>} : memref<8192xf32, #tpu.memory_space<vmem>>, vector<16xf32>,
          %parallel_loop3A_288 = arith.cmpf ogt, %parallel_loop3A_285, %parallel_loop3A_187 : vector<16xf32>
          %parallel_loop3A_289 = arith.select %parallel_loop3A_288, %parallel_loop3A_285, %parallel_loop3A_187 : vector<16xi1>, vector<16xf32>
          %parallel_loop3A_290 = arith.constant 0 : i32
          %parallel_loop3A_291 = arith.addi %parallel_loop3A_290, %parallel_loop3A_262 : i32
          %parallel_loop3A_292 = vector.broadcast %parallel_loop3A_291 : i32 to vector<16xi32>
          %parallel_loop3A_293 = arith.addi %iota3A, %parallel_loop3A_292 : vector<16xi32>
          %parallel_loop3A_294 = arith.select %parallel_loop3A_288, %parallel_loop3A_293, %parallel_loop3A_191 : vector<16xi1>, vector<16xi32>
          %parallel_loop3A_295 = arith.constant 48 : i32
          %parallel_loop3A_296 = arith.addi %parallel_loop3A_184, %parallel_loop3A_295 : i32
          %parallel_loop3A_297 = arith.constant 0 : i32
          %parallel_loop3A_298 = arith.addi %parallel_loop3A_297, %parallel_loop3A_296 : i32
          %parallel_loop3A_299 = arith.index_cast %parallel_loop3A_298 : i32 to index
          %parallel_loop3A_300 = tpu.vector_load %arg19[%parallel_loop3A_299] {strides = array<i32>} : memref<64xf32, #tpu.memory_space<vmem>>, vector<16xf32>,
          %parallel_loop3A_301 = arith.subf %parallel_loop3A_300, %gather3A : vector<16xf32>
          %parallel_loop3A_302 = arith.constant 0 : i32
          %parallel_loop3A_303 = arith.addi %parallel_loop3A_302, %parallel_loop3A_296 : i32
          %parallel_loop3A_304 = arith.index_cast %parallel_loop3A_303 : i32 to index
          %parallel_loop3A_305 = tpu.vector_load %arg20[%parallel_loop3A_304] {strides = array<i32>} : memref<64xf32, #tpu.memory_space<vmem>>, vector<16xf32>,
          %parallel_loop3A_306 = arith.subf %parallel_loop3A_305, %gather3A_121 : vector<16xf32>
          %parallel_loop3A_307 = arith.constant 0 : i32
          %parallel_loop3A_308 = arith.addi %parallel_loop3A_307, %parallel_loop3A_296 : i32
          %parallel_loop3A_309 = arith.index_cast %parallel_loop3A_308 : i32 to index
          %parallel_loop3A_310 = tpu.vector_load %arg21[%parallel_loop3A_309] {strides = array<i32>} : memref<64xf32, #tpu.memory_space<vmem>>, vector<16xf32>,
          %parallel_loop3A_311 = arith.subf %parallel_loop3A_310, %gather3A_122 : vector<16xf32>
          %parallel_loop3A_312 = arith.mulf %parallel_loop3A_301, %parallel_loop3A_301 : vector<16xf32>
          %parallel_loop3A_313 = arith.mulf %parallel_loop3A_306, %parallel_loop3A_306 : vector<16xf32>
          %parallel_loop3A_314 = arith.addf %parallel_loop3A_312, %parallel_loop3A_313 : vector<16xf32>
          %parallel_loop3A_315 = arith.mulf %parallel_loop3A_311, %parallel_loop3A_311 : vector<16xf32>
          %parallel_loop3A_316 = arith.addf %parallel_loop3A_314, %parallel_loop3A_315 : vector<16xf32>
          %parallel_loop3A_317 = arith.index_cast %parallel_loop3A_296 : i32 to index
          %parallel_loop3A_318 = tpu.vector_load %arg10[%parallel_loop3A_317] {strides = array<i32>} : memref<8192xf32, #tpu.memory_space<vmem>>, vector<16xf32>,
          %parallel_loop3A_319 = arith.minimumf %parallel_loop3A_318, %parallel_loop3A_316 : vector<16xf32>
          %parallel_loop3A_320 = arith.index_cast %parallel_loop3A_296 : i32 to index
          %parallel_loop3A_321 = tpu.vector_load %arg10[%parallel_loop3A_320] {strides = array<i32>} : memref<8192xf32, #tpu.memory_space<vmem>>, vector<16xf32>,
          tpu.vector_store %arg10[%parallel_loop3A_320], %parallel_loop3A_319 {strides = array<i32>} : memref<8192xf32, #tpu.memory_space<vmem>>, vector<16xf32>,
          %parallel_loop3A_322 = arith.cmpf ogt, %parallel_loop3A_319, %parallel_loop3A_188 : vector<16xf32>
          %parallel_loop3A_323 = arith.select %parallel_loop3A_322, %parallel_loop3A_319, %parallel_loop3A_188 : vector<16xi1>, vector<16xf32>
          %parallel_loop3A_324 = arith.constant 0 : i32
          %parallel_loop3A_325 = arith.addi %parallel_loop3A_324, %parallel_loop3A_296 : i32
          %parallel_loop3A_326 = vector.broadcast %parallel_loop3A_325 : i32 to vector<16xi32>
          %parallel_loop3A_327 = arith.addi %iota3A, %parallel_loop3A_326 : vector<16xi32>
          %parallel_loop3A_328 = arith.select %parallel_loop3A_322, %parallel_loop3A_327, %parallel_loop3A_192 : vector<16xi1>, vector<16xi32>
          scf.yield %parallel_loop3A_221, %parallel_loop3A_255, %parallel_loop3A_289, %parallel_loop3A_323, %parallel_loop3A_226, %parallel_loop3A_260, %parallel_loop3A_294, %parallel_loop3A_328 : vector<16xf32>, vector<16xf32>, vector<16xf32>, vector<16xf32>, vector<16xi32>, vector<16xi32>, vector<16xi32>, vector<16xi32>
        } {sc.loop_unroll_factor = 4 : i64, sc.parallel_access}
        %max3A = arith.maximumf %parallel_loop3A_148#0, %parallel_loop3A_148#1 : vector<16xf32>
        %max3A_149 = arith.maximumf %max3A, %parallel_loop3A_148#2 : vector<16xf32>
        %max3A_150 = arith.maximumf %max3A_149, %parallel_loop3A_148#3 : vector<16xf32>
        %reduce_max3A = arith.constant true
        %reduce_max3A_151 = vector.broadcast %reduce_max3A : i1 to vector<16xi1>
        %reduce_max3A_152 = tpu.scan <max>, %max3A_150 masked %reduce_max3A_151 : vector<16xf32>, vector<16xi1> -> vector<16xf32>
        %reduce_max3A_153 = vector.extract %reduce_max3A_152[15] : f32 from vector<16xf32>
        %broadcast_in_dim3A_154 = vector.broadcast %reduce_max3A_153 : f32 to vector<16xf32>
        %broadcast_in_dim3A_155 = arith.constant 16384 : i32
        %broadcast_in_dim3A_156 = vector.broadcast %broadcast_in_dim3A_155 : i32 to vector<16xi32>
        %eq3A_157 = arith.cmpf oeq, %parallel_loop3A_148#0, %broadcast_in_dim3A_154 : vector<16xf32>
        %jit3A_158 = arith.constant 16384 : i32
        %broadcast_in_dim3A_159 = vector.broadcast %jit3A_158 : i32 to vector<16xi32>
        %select_n3A_160 = arith.select %eq3A_157, %parallel_loop3A_148#4, %broadcast_in_dim3A_159 : vector<16xi1>, vector<16xi32>
        %min3A = arith.minsi %broadcast_in_dim3A_156, %select_n3A_160 : vector<16xi32>
        %eq3A_161 = arith.cmpf oeq, %parallel_loop3A_148#1, %broadcast_in_dim3A_154 : vector<16xf32>
        %jit3A_162 = arith.constant 16384 : i32
        %broadcast_in_dim3A_163 = vector.broadcast %jit3A_162 : i32 to vector<16xi32>
        %select_n3A_164 = arith.select %eq3A_161, %parallel_loop3A_148#5, %broadcast_in_dim3A_163 : vector<16xi1>, vector<16xi32>
        %min3A_165 = arith.minsi %min3A, %select_n3A_164 : vector<16xi32>
        %eq3A_166 = arith.cmpf oeq, %parallel_loop3A_148#2, %broadcast_in_dim3A_154 : vector<16xf32>
        %jit3A_167 = arith.constant 16384 : i32
        %broadcast_in_dim3A_168 = vector.broadcast %jit3A_167 : i32 to vector<16xi32>
        %select_n3A_169 = arith.select %eq3A_166, %parallel_loop3A_148#6, %broadcast_in_dim3A_168 : vector<16xi1>, vector<16xi32>
        %min3A_170 = arith.minsi %min3A_165, %select_n3A_169 : vector<16xi32>
        %eq3A_171 = arith.cmpf oeq, %parallel_loop3A_148#3, %broadcast_in_dim3A_154 : vector<16xf32>
        %jit3A_172 = arith.constant 16384 : i32
        %broadcast_in_dim3A_173 = vector.broadcast %jit3A_172 : i32 to vector<16xi32>
        %select_n3A_174 = arith.select %eq3A_171, %parallel_loop3A_148#7, %broadcast_in_dim3A_173 : vector<16xi1>, vector<16xi32>
        %min3A_175 = arith.minsi %min3A_170, %select_n3A_174 : vector<16xi32>
        %reduce_min3A = arith.constant true
        %reduce_min3A_176 = vector.broadcast %reduce_min3A : i1 to vector<16xi1>
        %reduce_min3A_177 = arith.constant -2147483648 : i32
        %reduce_min3A_178 = vector.broadcast %reduce_min3A_177 : i32 to vector<16xi32>
        %reduce_min3A_179 = arith.xori %min3A_175, %reduce_min3A_178 : vector<16xi32>
        %reduce_min3A_180 = tpu.scan <min>, %reduce_min3A_179 masked %reduce_min3A_176 : vector<16xi32>, vector<16xi1> -> vector<16xi32>
        %reduce_min3A_181 = arith.xori %reduce_min3A_180, %reduce_min3A_178 : vector<16xi32>
        %reduce_min3A_182 = vector.extract %reduce_min3A_181[15] : i32 from vector<16xi32>
        %broadcast_in_dim3A_183 = vector.broadcast %reduce_min3A_182 : i32 to vector<16xi32>
        scf.yield %broadcast_in_dim3A_183 : vector<16xi32>
      }
      %scan3A_118 = arith.constant 16 : i32
      "tpu.region"() ({
        %run_scoped3A = tpu.sem_alloc : memref<!tpu.dma_semaphore, #tpu.memory_space<semaphore_mem>>
        %dma_start3A = arith.constant 0 : i32
        %dma_start3A_119 = tpu.memref_slice %arg5[%add3A, %dma_start3A] : memref<16x1360xi32, #tpu.memory_space<hbm>> -> memref<1x1360xi32, #tpu.memory_space<hbm>>
        %dma_start3A_120 = tpu.memref_squeeze %dma_start3A_119 : memref<1x1360xi32, #tpu.memory_space<hbm>> -> memref<1360xi32, #tpu.memory_space<hbm>>
        %dma_start3A_121 = arith.constant 0 : i32
        %dma_start3A_122 = tpu.memref_slice %arg5[%add3A, %dma_start3A_121] : memref<16x1360xi32, #tpu.memory_space<hbm>> -> memref<1x1360xi32, #tpu.memory_space<hbm>>
        %dma_start3A_123 = tpu.memref_squeeze %dma_start3A_122 : memref<1x1360xi32, #tpu.memory_space<hbm>> -> memref<1360xi32, #tpu.memory_space<hbm>>
        tpu.enqueue_dma source(%arg22 : memref<1360xi32, #tpu.memory_space<vmem>>) target(%dma_start3A_123 : memref<1360xi32, #tpu.memory_space<hbm>>) target_semaphore(%run_scoped3A : memref<!tpu.dma_semaphore, #tpu.memory_space<semaphore_mem>>)
        %dma_wait3A = arith.constant 0 : i32
        %dma_wait3A_124 = tpu.memref_slice %arg5[%add3A, %dma_wait3A] : memref<16x1360xi32, #tpu.memory_space<hbm>> -> memref<1x1360xi32, #tpu.memory_space<hbm>>
        %dma_wait3A_125 = tpu.memref_squeeze %dma_wait3A_124 : memref<1x1360xi32, #tpu.memory_space<hbm>> -> memref<1360xi32, #tpu.memory_space<hbm>>
        %dma_wait3A_126 = arith.constant 0 : i32
        %dma_wait3A_127 = tpu.memref_slice %arg5[%add3A, %dma_wait3A_126] : memref<16x1360xi32, #tpu.memory_space<hbm>> -> memref<1x1360xi32, #tpu.memory_space<hbm>>
        %dma_wait3A_128 = tpu.memref_squeeze %dma_wait3A_127 : memref<1x1360xi32, #tpu.memory_space<hbm>> -> memref<1360xi32, #tpu.memory_space<hbm>>
        tpu.wait_dma2 semaphore(%run_scoped3A : memref<!tpu.dma_semaphore, #tpu.memory_space<semaphore_mem>>) src(%arg22 : memref<1360xi32, #tpu.memory_space<vmem>>) dst(%dma_wait3A_128 : memref<1360xi32, #tpu.memory_space<hbm>>)
        tpu.yield
      }) : () -> ()
    } else {
    }
    return
  }
}

</mosaic_0001>

<sc_bundles>
// kernel: kernel.3.cloned.1.call-start
scs
__scs_entry_jumppad:
0x0: {  	(pc) =	sbr.rel $0x88, $3  }
0x1: {  	(tag) =	ssettag $0x0;
	lr =	simm.s32 $0x1  }
0x2: {  	[smem:$0x3FA0] =	sst lr;
	_ =	strace $0xD0000000  }
0x3: {  	_ = 	snop  }
0x4: {  	_ = 	snop  }
0x5: {  	_ = 	snop  }
0x6: {  	_ = 	snop  }
0x7: {  	_ = 	snop  }
__scs_overlays_trampoline_lowered:
0x8: {  	[smem:$0x3FAF] =	sst s0  }
0x9: {  	[smem:$0x3FB0] =	sst s1  }
0xa: {  	[smem:$0x3FB1] =	sst s2  }
0xb: {  	[smem:$0x3FB2] =	sst s3  }
0xc: {  	[smem:$0x3FB3] =	sst s4  }
0xd: {  	[smem:$0x3FB4] =	sst s5  }
0xe: {  	[smem:$0x3FB5] =	sst s6  }
0xf: {  	[smem:$0x3FB6] =	sst s7  }
0x10: {  	[smem:$0x3FB7] =	sst s8  }
0x11: {  	[smem:$0x3FB8] =	sst s9;
	s0 =	simm.s32 @!p0 $0x0  }
0x12: {  	s1 =	sld [smem:$0x3F9E];
	s0 =	simm.s32 @p0 $0x1  }
0x13: {  	[smem:$0x3FB9] =	sst s0;
	s0 =	simm.s32 @!p1 $0x0  }
0x14: {  	s2 =	sld [smem:$0x3F9D];
	s0 =	simm.s32 @p1 $0x1  }
0x15: {  	[smem:$0x3FBA] =	sst s0;
	s0 =	simm.s32 @!p2 $0x0  }
0x16: {  	s3 =	sld [smem:$0x3FDB];
	s0 =	simm.s32 @p2 $0x1  }
0x17: {  	s4 =	simm.s32 $0x1BF5;
	[smem:$0x3FBC] =	sst s0  }
0x18: {  	s0 =	sld [smem:$0x3F9F];
	_ =	swait.ge [sflag:s4], $0x0  }
0x19: {  	s7 =	sld [smem:$0x3FA0]  }
0x1a: {  	s8 =	sadd.s32 $0xFFFFE003, lr  }
0x1b: {  	s9 =	sadd.s32 $0xFFFFFEF7, lr;
	s5 =	simm.s32 $0xFFFFFFFF;
	p2 =	slt.u32 s8, $0xFFFFF086  }
0x1c: {  	p1 =	slt.u32 s9, $0xF7A;
	s5 =	simm.s32 @!p2 $0x0  }
0x1d: {  	s5 =	simm.s32 @p1 $0x1;
	p0 =	seq.s32 s7, s2  }
0x1e: {  	s7 =	smul.u32 @!p0 $0xF7A, s2;
	p2 =	seq.s32 @!p0 s5, $0x0  }
0x1f: {  	s9 =	smul.u32 $0xF7A, s1;
	s8 =	simm.s32 @!p0 $0x1BF5;
	p2 =	por !p2, p0  }
0x20: {  	[sflag:s8] =	ssyncset.s32 @!p0 $0xFFFFF086;
	s6 =	sadd.s32 @!p0 s3, s7;
	s7 =	simm.s32 @!p0 $0x108  }
0x21: {  	s3 =	sadd.s32 s3, s9;
	s6 =	sadd.s32 @!p0 $0x88, s6;
	s7 =	simm.s32 @p2 $0x1082  }
0x22: {  	[simem:s7], [sflag:s8] =	dma.local @!p0 [hbm:s6], $0xF7A  }
0x23: {  	s9 =	sor.u32 $0xD0000000, s2;
	s6 =	simm.s32 $0x108;
	_ =	swait.ge @!p0 [sflag:s8], $0x0  }
0x24: {  	s3 =	sadd.s32 $0x88, s3;
	s6 =	simm.s32 @!p1 $0x1082;
	[sflag:s4] =	ssyncset.s32 $0xFFFFF086  }
0x25: {  	[simem:s6], [sflag:s4] =	dma.local [hbm:s3], $0xF7A  }
0x26: {  	[smem:$0x3FA0] =	sst s1;
	(tag) =	ssettag s2;
	_ =	strace s9  }
0x27: {  	s1 =	sld [smem:$0x3FB0]  }
0x28: {  	s2 =	sld [smem:$0x3FB1]  }
0x29: {  	s4 =	sld [smem:$0x3FB3]  }
0x2a: {  	p0 =	seq.s32 s5, $0x0;
	s5 =	sld [smem:$0x3FB4]  }
0x2b: {  	s6 =	sld [smem:$0x3FB5]  }
0x2c: {  	s7 =	sld [smem:$0x3FB6]  }
0x2d: {  	s3 =	simm.s32 $0x108;
	s8 =	sld [smem:$0x3FB7]  }
0x2e: {  	s3 =	simm.s32 @!p0 $0x1082;
	s9 =	sld [smem:$0x3FB8]  }
0x2f: {  	lr =	sadd.s32 s0, s3;
	s0 =	sld [smem:$0x3FAF]  }
0x30: {  	s3 =	sld [smem:$0x3FB2]  }
0x31: {  	[smem:$0x3FBB] =	sst s10  }
0x32: {  	s10 =	sld [smem:$0x3FB9];
	_ =	sdelay $0x3  }
0x33: {  	p0 =	seq.s32 s10, $0x1;
	s10 =	sld [smem:$0x3FBB];
	_ =	sdelay $0x3  }
0x34: {  	[smem:$0x3FBB] =	sst s10  }
0x35: {  	s10 =	sld [smem:$0x3FBA];
	_ =	sdelay $0x3  }
0x36: {  	p1 =	seq.s32 s10, $0x1;
	s10 =	sld [smem:$0x3FBB];
	_ =	sdelay $0x3  }
0x37: {  	[smem:$0x3FBB] =	sst s10  }
0x38: {  	s10 =	sld [smem:$0x3FBC]  }
0x39: {  	_ = 	snop;
	(pc) =	sbr.ind lr, $3  }
0x3a: {  	_ = 	snop  }
0x3b: {  	_ = 	snop  }
0x3c: {  	p2 =	seq.s32 s10, $0x1;
	s10 =	sld [smem:$0x3FBB]  }
0x3d: {  	_ =	shalt  }
0x3e: {  	_ =	shalt  }
0x3f: {  	_ =	shalt  }
0x40: {  	_ =	shalt  }
0x41: {  	_ =	shalt  }
0x42: {  	_ =	shalt  }
0x43: {  	_ =	shalt  }
0x44: {  	_ =	shalt  }
0x45: {  	_ =	shalt  }
0x46: {  	_ =	shalt  }
0x47: {  	_ =	shalt  }
0x48: {  	_ =	shalt  }
0x49: {  	_ =	shalt  }
0x4a: {  	_ =	shalt  }
0x4b: {  	_ =	shalt  }
0x4c: {  	_ =	shalt  }
0x4d: {  	_ =	shalt  }
0x4e: {  	_ =	shalt  }
0x4f: {  	_ =	shalt  }
0x50: {  	_ =	shalt  }
0x51: {  	_ =	shalt  }
0x52: {  	_ =	shalt  }
0x53: {  	_ =	shalt  }
0x54: {  	_ =	shalt  }
0x55: {  	_ =	shalt  }
0x56: {  	_ =	shalt  }
0x57: {  	_ =	shalt  }
0x58: {  	_ =	shalt  }
0x59: {  	_ =	shalt  }
0x5a: {  	_ =	shalt  }
0x5b: {  	_ =	shalt  }
0x5c: {  	_ =	shalt  }
0x5d: {  	_ =	shalt  }
0x5e: {  	_ =	shalt  }
0x5f: {  	_ =	shalt  }
0x60: {  	_ =	shalt  }
0x61: {  	_ =	shalt  }
0x62: {  	_ =	shalt  }
0x63: {  	_ =	shalt  }
0x64: {  	_ =	shalt  }
0x65: {  	_ =	shalt  }
0x66: {  	_ =	shalt  }
0x67: {  	_ =	shalt  }
0x68: {  	_ =	shalt  }
0x69: {  	_ =	shalt  }
0x6a: {  	_ =	shalt  }
0x6b: {  	_ =	shalt  }
0x6c: {  	_ =	shalt  }
0x6d: {  	_ =	shalt  }
0x6e: {  	_ =	shalt  }
0x6f: {  	_ =	shalt  }
0x70: {  	_ =	shalt  }
0x71: {  	_ =	shalt  }
0x72: {  	_ =	shalt  }
0x73: {  	_ =	shalt  }
0x74: {  	_ =	shalt  }
0x75: {  	_ =	shalt  }
0x76: {  	_ =	shalt  }
0x77: {  	_ =	shalt  }
0x78: {  	_ =	shalt  }
0x79: {  	_ =	shalt  }
0x7a: {  	_ =	shalt  }
0x7b: {  	_ =	shalt  }
0x7c: {  	_ =	shalt  }
0x7d: {  	_ =	shalt  }
0x7e: {  	_ =	shalt  }
0x7f: {  	_ =	shalt  }
0x80: {  	_ =	shalt  }
0x81: {  	_ =	shalt  }
0x82: {  	_ =	shalt  }
0x83: {  	_ =	shalt  }
0x84: {  	_ =	shalt  }
0x85: {  	_ =	shalt  }
0x86: {  	_ =	shalt  }
0x87: {  	_ =	shalt  }
.Lfunc_end0:
.L_simem_size_0:
called_computation_lowered:
.L_overlay_start_0:
0x88: {  	s2 =	sld [smem:$0x3FD9]  }
0x89: {  	s3 =	sld [smem:$0x3FFE];
	_ =	sdelay $0x1  }
0x8a: {  	s1 =	srdreg.scid  }
0x8b: {  	s0 =	sand.u32 $0x1, s1  }
0x8c: {  	s17 =	sshll.u32 s0, $0xA;
	s2 =	sadd.s32 s3, s2  }
0x8d: {  	s2 =	sadd.s32 s2, s17  }
0x8e: {  	[smem:$0x3FC7] =	sst s2  }
0x8f: {  	_ = 	snop  }
0x90: {  	s2 =	sld [smem:$0x3FD0];
	(tm) =	ssettm $0x1  }
0x91: {  	s18 =	sld [smem:$0x3FFB];
	_ =	sdelay $0x3  }
0x92: {  	_ =	strace s18  }
0x93: {  	s3 =	sld [smem:$0x3FFC];
	_ =	sdelay $0x3  }
0x94: {  	_ =	strace s3  }
0x95: {  	s3 =	sld [smem:$0x3FFD];
	_ =	sdelay $0x3  }
0x96: {  	_ =	strace s3  }
0x97: {  	_ =	strace $0x8FFFFFFF  }
0x98: {  	s19 =	sld [smem:$0x3FDB];
	_ =	sdelay $0x1  }
0x99: {  	s4 =	simm.s32 $_scs_section_size  }
0x9a: {  	s5 =	simm.s32 $_size__tile_overlayer_lowered;
	s6 =	simm.s32 $_tile_overlayer_lowered  }
0x9b: {  	s22 =	simm.s32 $0x1BFF;
	s21 =	sshll.u32 s6, $0x1;
	s3 =	sadd.s32 s4, s19  }
0x9c: {  	s7 =	simm.s32 $0x0;
	s20 =	sshll.u32 s5, $0x1;
	s5 =	sadd.s32 s21, s3  }
0x9d: {  	[timem:s7], [sflag:s22] =	dma.local [hbm:s5], s20  }
0x9e: {  	_ =	swait.ge [sflag:s22], s20  }
0x9f: {  	s4 =	ssub.s32 $0x0, s20;
	[sflag:s22] =	ssyncset.done $0x0  }
0xa0: {  	[sflag:s22] =	ssyncadd.s32 s4;
	_ =	sdelay $0x1  }
0xa1: {  	s23 =	simm.s32 $0x1B8B  }
0xa2: {  	_ =	swait.ge [sflag:s23], $0x1  }
0xa3: {  	[sflag:s23] =	ssyncset.done $0x0  }
0xa4: {  	s25 =	simm.s32 $0x1B8E;
	s24 =	sld [smem:$0x3FFE];
	[sflag:s23] =	ssyncadd.s32 $0xFFFFFFFF  }
0xa5: {  	s26 =	simm.s32 $execute0_lowered;
	[smem:$0x3FD2] =	sst s25  }
0xa6: {  	s5 =	sshll.u32 s26, $0x1;
	_ =	strace $0x80000046;
	[dreg:$0x1] =	wrdreg $0xFFFFFFFF  }
0xa7: {  	s28 =	simm.s32 $_size_execute0_lowered;
	s3 =	sadd.s32 s3, s5;
	[dreg:$0x0] =	wrdreg $0x0  }
0xa8: {  	s5 =	sshll.u32 s28, $0x1;
	[dreg:$0x2] =	wrdreg s3  }
0xa9: {  	[dreg:$0x3] =	wrdreg s5  }
0xaa: {  	[dreg:$0x4] =	wrdreg $0xC0  }
0xab: {  	_ =	task [dreg:s7], $0x5FFFF  }
0xac: {  	[dreg:$0x1] =	wrdreg $0xFFFFFFFF  }
0xad: {  	[dreg:$0x0] =	wrdreg $0x60  }
0xae: {  	[dreg:$0x2] =	wrdreg s24  }
0xaf: {  	[dreg:$0x3] =	wrdreg s2  }
0xb0: {  	[dreg:$0x4] =	wrdreg $0x0  }
0xb1: {  	[dreg:$0x5] =	wrdreg $0x9  }
0xb2: {  	_ =	task.clear_ibuf [dreg:s7], $0x6FFFF;
	_ =	strace $0x90000046  }
0xb3: {  	s29 =	simm.s32 $0x9;
	_ =	strace $0x80000048  }
0xb4: {  	_ =	swait.ge [sflag:s29], $0x1  }
0xb5: {  	[sflag:s29] =	ssyncadd.s32 $0xFFFFFFFF  }
0xb6: {  	_ =	strace $0x90000048  }
0xb7: {  	_ =	sfence  }
0xb8: {  	s30 =	sld [smem:$0x0];
	_ =	sdelay $0x2  }
0xb9: {  	s31 =	sshll.u32 s1, $0xD;
	s1 =	sshrl.u32 s1, $0x2  }
0xba: {  	s3 =	sand.u32 $0x4000, s31;
	s1 =	sadd.s32 s1, s30  }
0xbb: {  	s0 =	sor.u32 s3, s0;
	s1 =	sshll.u32 s1, $0x11  }
0xbc: {  	s0 =	sor.u32 s1, s0  }
0xbd: {  	s0 =	sadd.s32 $0x8F2B, s0  }
0xbe: {  	[sflag:s0] =	ssyncadd.remote.s32 $0x1  }
0xbf: {  	_ =	sfence.sel $0xFFFF  }
0xc0: {  	[dreg:$0x0] =	wrdreg $0xFFFFFFFF;
	(pc) =	sbr.abs _section_cstart, $3  }
0xc1: {  	[dreg:$0x1] =	wrdreg $0xFFFFFFFF  }
0xc2: {  	_ =	task.clear_ibuf [dreg:s7], $0x2FFFF;
	_ =	strace $0x9FFFFFFF  }
0xc3: {  	(tm) =	ssettm $0x7FFFFFFF  }
tec
execute0_lowered:
.L_overlay_start_1:
0x0: {  	(tag) =	ssettag $0x1  }
0x1: {  	s0 =	rddreg [dreg:$0x0]  }
0x2: {  	s1 =	rddreg [dreg:$0x1]  }
0x3: {  	s6 =	rddreg [dreg:$0x2];
	s2 =	srdreg.scid  }
0x4: {  	s3 =	stileid.u32;
	s10 =	simm.s32 $0x0;
	s18 =	simm.s32 $0x1  }
0x5: {  	s31 =	simm.s32 $0xF040;
	s2 =	sand.u32 $0x1, s2;
	s7 =	sshll.u32 s3, $0x6  }
0x6: {  	[smem:$0x7FF] =	sst s10;
	s24 =	sand.u32 $0x1, s3;
	s4 =	sand.u32 $0x380, s7  }
0x7: {  	s5 =	sshll.u32 s2, $0x11;
	_ =	strace $0x80000047;
	s22 =	ssub.s32 $0x2, s2  }
0x8: {  	s2 =	smul.u32 $0x2C00, s2;
	s8 =	sshll.u32 s24, $0xD;
	s9 =	smov.u32 s7  }
0x9: {  	s29 =	sadd.s32 s7, s6;
	p0 =	sne.s32 s24, $0x0;
	s4 =	sor.u32 s5, s4  }
0xa: {  	s23 =	sshrl.u32 s22, $0x1;
	[dreg:$0x8] =	wrdreg s29;
	s4 =	sshrl.u32 s4, $0x3  }
0xb: {  	s12 =	sor.u32 $0xC0, s8;
	s13 =	sor.u32 $0x40C0, s8;
	s0 =	sadd.s32 s4, s0  }
0xc: {  	s14 =	sor.u32 $0x80C0, s8;
	s28 =	sor.u32 s7, s2;
	s25 =	sadd.s32 $0x10600, s0  }
.Ltmp0:
0xd: {  	s26 =	sadd.s32 $0x8600, s0;
	[dreg:$0x5] =	wrdreg s25;
	(pc) =	sbr.rel .LBB2_1-.Ltmp0, $4  }
0xe: {  	s4 =	ssub.s32 s22, s23;
	s0 =	sadd.s32 $0x600, s0;
	[dreg:$0x6] =	wrdreg s26  }
0xf: {  	s30 =	smax.u32 s4, $0x1;
	[dreg:$0x7] =	wrdreg s0;
	s0 =	sshrl.u32 s28, $0x3  }
0x10: {  	[dreg:$0xa] =	wrdreg s30;
	s26 =	simm.s32 $0xF1C0;
	s0 =	sadd.s32 s1, s0  }
0x11: {  	v0 =	vimm.f32 $1.000000000e+10;
	v1 =	vlaneseq.u32;
	s1 =	simm.s32 $0xF140;
	[dreg:$0x9] =	wrdreg s0;
	s0 =	simm.s32 $0xF0C0  }
.LBB2_17:
0x12: {  	s10 =	sadd.s32 $0x1, s10;
	s2 =	rddreg [dreg:$0xa]  }
0x13: {  	p1 =	sne.s32 s10, s2  }
.Ltmp1:
0x14: {  	_ = 	snop;
	(pc) =	sbr.rel @!p1 .LBB2_18-.Ltmp1, $1  }
0x15: {  	_ =	sdelay $0x3  }
.LBB2_1:
0x16: {  	[dreg:$0x4] =	wrdreg s10  }
0x17: {  	s2 =	rddreg [dreg:$0x5]  }
0x18: {  	s3 =	simm.s32 $0x80;
	s4 =	simm.s32 $0x400;
	s5 =	simm.s32 $0x40  }
0x19: {  	[tilespmem:s5], [sflag:$0x1] =	stream.strided.gather [hbm4b:s2+s3], $0x4000, s4, s3, $0x38;
	[tilespmem:$0xF740] =	vst v63  }
0x1a: {  	_ =	swait.ge [sflag:s18], $0x4000  }
0x1b: {  	[sflag:s18] =	ssyncset.done $0x0  }
0x1c: {  	s28 =	simm.s32 $0x4040;
	s25 =	rddreg [dreg:$0x6];
	[sflag:s18] =	ssyncadd.s32 $0xFFFFC000  }
0x1d: {  	[tilespmem:s28], [sflag:$0x1] =	stream.strided.gather [hbm4b:s25+s3], $0x4000, s4, s3, $0x38;
	[tilespmem:$0xF740] =	vst v63  }
0x1e: {  	_ =	swait.ge [sflag:s18], $0x4000  }
0x1f: {  	[sflag:s18] =	ssyncset.done $0x0  }
0x20: {  	s30 =	simm.s32 $0x8040;
	s29 =	rddreg [dreg:$0x7];
	[sflag:s18] =	ssyncadd.s32 $0xFFFFC000  }
0x21: {  	[tilespmem:s30], [sflag:$0x1] =	stream.strided.gather [hbm4b:s29+s3], $0x4000, s4, s3, $0x38;
	[tilespmem:$0xF740] =	vst v63  }
0x22: {  	_ =	swait.ge [sflag:s18], $0x4000  }
0x23: {  	[sflag:s18] =	ssyncset.done $0x0  }
0x24: {  	s2 =	simm.s32 $0xC060;
	[sflag:s18] =	ssyncadd.s32 $0xFFFFC000  }
0x25: {  	[tilespmem:s2+$0xFFFFFFE0] =	vst v0  }
0x26: {  	[tilespmem:s2+$0x10] =	vst v0  }
0x27: {  	s4 =	simm.s32 $0x0;
	[tilespmem:s2+$0x0] =	vst v0  }
.LBB2_2:
0x28: {  	s4 =	sadd.s32 $0x4, s4  }
0x29: {  	[tilespmem:s2+$0xFFFFFFF0] =	vst v0;
	s2 =	sadd.s32 $0x40, s2;
	v2 =	vimm.s32 $0x0;
	p1 =	slt.u32 s4, $0x1FC  }
.Ltmp2:
0x2a: {  	[tilespmem:s2+$0xFFFFFFE0] =	vst v0;
	(pc) =	sbr.rel @p1 .LBB2_2-.Ltmp2, $3  }
0x2b: {  	_ =	sdelay $0x1  }
0x2c: {  	[tilespmem:s2+$0x10] =	vst v0  }
0x2d: {  	[tilespmem:s2+$0x0] =	vst v0  }
0x2e: {  	[tilespmem:s2+$0xFFFFFFF0] =	vst v0;
	s10 =	simm.s32 $0x0;
	v6 =	vimm.s32 $0x0  }
.LBB2_4:
0x2f: {  	_ =	sdelay $0x2  }
0x30: {  	v7 =	vmov @!p0 s10;
	s2 =	simm.s32 $0x40  }
0x31: {  	s16 =	simm.s32 $0x4040;
	v4 =	vld.idx.msk [tilespmem:v6+s2+$0x0], $0xffff  }
0x32: {  	s17 =	simm.s32 $0x8040;
	v5 =	vld.idx.msk [tilespmem:v6+s16+$0x0], $0xffff  }
0x33: {  	v3 =	vld.idx.msk [tilespmem:v6+s17+$0x0], $0xffff  }
0x34: {  	s2 =	simm.s32 @!p0 $0xF1C0  }
0x35: {  	[tilespmem:v7+s2+$0x0] =	vst.idx.msk @!p0 $0x1, v6;
	s2 =	simm.s32 @!p0 $0xE140  }
0x36: {  	[tilespmem:v7+s2+$0x0] =	vst.idx.msk @!p0 $0x1, v4;
	s2 =	simm.s32 @!p0 $0xE540  }
0x37: {  	[tilespmem:v7+s2+$0x0] =	vst.idx.msk @!p0 $0x1, v5;
	s2 =	simm.s32 @!p0 $0xE940  }
0x38: {  	[tilespmem:v7+s2+$0x0] =	vst.idx.msk @!p0 $0x1, v3  }
0x39: {  	v6 =	vld [tilespmem:s13+$0x0]  }
0x3a: {  	v7 =	vld [tilespmem:s12+$0x0]  }
0x3b: {  	v8 =	vld [tilespmem:s12+$0x40]  }
0x3c: {  	v10 =	vld [tilespmem:s14+$0x0]  }
0x3d: {  	v9 =	vld [tilespmem:s13+$0x40]  }
0x3e: {  	v11 =	vld [tilespmem:s14+$0x40]  }
0x3f: {  	s5 =	simm.s32 $0xC0C0  }
0x40: {  	v12 =	vld [tilespmem:s5+$0x40];
	v6 =	vsub.f32 v6, v5;
	v7 =	vsub.f32 v7, v4  }
0x41: {  	v13 =	vld [tilespmem:s5+$0x0];
	v8 =	vsub.f32 v8, v4;
	v10 =	vsub.f32 v10, v3  }
0x42: {  	v14 =	vld [tilespmem:s13+$0xFFFFFF80];
	v9 =	vsub.f32 v9, v5;
	v6 =	vmul.f32 v6, v6;
	v7 =	vmul.f32 v7, v7  }
0x43: {  	v15 =	vld [tilespmem:s13+$0xFFFFFFC0];
	v11 =	vsub.f32 v11, v3;
	v8 =	vmul.f32 v8, v8  }
0x44: {  	v9 =	vmul.f32 v9, v9;
	v10 =	vmul.f32 v10, v10;
	v6 =	vadd.f32 v6, v7;
	v7 =	vld [tilespmem:s12+$0xFFFFFFC0]  }
0x45: {  	v16 =	vld [tilespmem:s12+$0xFFFFFF80]  }
0x46: {  	v8 =	vadd.f32 v9, v8;
	v9 =	vmul.f32 v11, v11;
	v11 =	vld [tilespmem:s14+$0xFFFFFFC0];
	v10 =	vadd.f32 v10, v6  }
0x47: {  	v17 =	vld [tilespmem:s14+$0xFFFFFF80]  }
0x48: {  	v18 =	vld [tilespmem:s5+$0xFFFFFFC0];
	v8 =	vadd.f32 v9, v8;
	v9 =	vmin.f32 v13, v10  }
0x49: {  	v10 =	vld [tilespmem:s5+$0xFFFFFF80];
	v13 =	vsub.f32 v15, v5;
	[tilespmem:s5+$0x0] =	vst v9;
	v7 =	vsub.f32 v7, v4  }
0x4a: {  	v14 =	vsub.f32 v14, v5;
	v15 =	vsub.f32 v16, v4;
	v8 =	vmin.f32 v12, v8;
	v12 =	vld [tilespmem:s12+$0x10]  }
0x4b: {  	v11 =	vsub.f32 v11, v3;
	[tilespmem:s5+$0x40] =	vst v8;
	v16 =	vld [tilespmem:s13+$0x10];
	v13 =	vmul.f32 v13, v13;
	v7 =	vmul.f32 v7, v7  }
0x4c: {  	v17 =	vsub.f32 v17, v3;
	v14 =	vmul.f32 v14, v14;
	v15 =	vmul.f32 v15, v15;
	v19 =	vld [tilespmem:s12+$0x50]  }
0x4d: {  	v20 =	vld [tilespmem:s14+$0x50];
	v11 =	vmul.f32 v11, v11;
	v7 =	vadd.f32 v13, v7  }
0x4e: {  	s4 =	sadd.s32 $0xFFFFFF00, s8;
	v13 =	vadd.f32 v14, v15;
	v14 =	vmul.f32 v17, v17;
	v15 =	vld [tilespmem:s13+$0x50]  }
0x4f: {  	s20 =	sadd.s32 $0x140, s4;
	s24 =	sadd.s32 $0x150, s4;
	v17 =	vld [tilespmem:s14+$0x10];
	v11 =	vadd.f32 v11, v7  }
0x50: {  	v23 =	vor.u32 s20, v1;
	v26 =	vor.u32 s24, v1;
	v13 =	vadd.f32 v14, v13  }
0x51: {  	v14 =	vsub.f32 v16, v5;
	v12 =	vsub.f32 v12, v4;
	v11 =	vmin.f32 v18, v11  }
0x52: {  	v7 =	vimm.f32 $-1.000000000e+00;
	v19 =	vsub.f32 v19, v4;
	v18 =	vld [tilespmem:s5+$0x10];
	v10 =	vmin.f32 v10, v13;
	[tilespmem:s5+$0xFFFFFFC0] =	vst v11  }
0x53: {  	v13 =	vmul.f32 v14, v14;
	v12 =	vmul.f32 v12, v12;
	v14 =	vsub.f32 v15, v5;
	v15 =	vld [tilespmem:s12+$0xFFFFFFD0]  }
0x54: {  	v20 =	vsub.f32 v20, v3;
	vm0 =	vgt.f32 v10, v7;
	v17 =	vsub.f32 v17, v3;
	v21 =	vld [tilespmem:s13+$0xFFFFFFD0]  }
0x55: {  	v19 =	vmul.f32 v19, v19;
	[tilespmem:s5+$0xFFFFFF80] =	vst v10;
	v10 =	vsel vm0, v10, v7;
	v12 =	vadd.f32 v13, v12;
	v13 =	vld [tilespmem:s14+$0xFFFFFFD0]  }
0x56: {  	s19 =	sadd.s32 $0x100, s4;
	v22 =	vld [tilespmem:s12+$0xFFFFFF90];
	v14 =	vmul.f32 v14, v14;
	v17 =	vmul.f32 v17, v17;
	vm6 =	vgt.f32 v11, v10  }
0x57: {  	v16 =	vor.u32 s19, v1;
	v20 =	vmul.f32 v20, v20;
	v10 =	vsel vm6, v11, v10;
	v11 =	vld [tilespmem:s13+$0xFFFFFF90]  }
0x58: {  	v24 =	vld [tilespmem:s5+$0x50];
	v16 =	vsel vm0, v16, v2;
	v12 =	vadd.f32 v17, v12;
	v14 =	vadd.f32 v14, v19  }
0x59: {  	v17 =	vld [tilespmem:s14+$0xFFFFFF90];
	vm7 =	vgt.f32 v9, v10;
	v15 =	vsub.f32 v15, v4;
	v21 =	vsub.f32 v21, v5  }
0x5a: {  	v9 =	vsel vm7, v9, v10;
	v12 =	vmin.f32 v18, v12;
	v18 =	vld [tilespmem:s5+$0xFFFFFFD0];
	v13 =	vsub.f32 v13, v3  }
0x5b: {  	v10 =	vadd.f32 v20, v14;
	[tilespmem:s5+$0x10] =	vst v12;
	v15 =	vmul.f32 v15, v15;
	v19 =	vmul.f32 v21, v21;
	v21 =	vld [tilespmem:s5+$0xFFFFFF90]  }
0x5c: {  	v16 =	vsel vm6, v23, v16;
	v14 =	vsub.f32 v22, v4;
	v20 =	vld [tilespmem:s13+$0x20];
	v11 =	vsub.f32 v11, v5  }
0x5d: {  	v13 =	vmul.f32 v13, v13;
	v10 =	vmin.f32 v24, v10;
	v22 =	vld [tilespmem:s12+$0x20];
	v15 =	vadd.f32 v19, v15  }
0x5e: {  	s21 =	sadd.s32 $0x180, s4;
	vm1 =	vgt.f32 v8, v9;
	v14 =	vmul.f32 v14, v14;
	v23 =	vld [tilespmem:s14+$0x20];
	v17 =	vsub.f32 v17, v3;
	[tilespmem:s5+$0x50] =	vst v10  }
0x5f: {  	s22 =	sadd.s32 $0x1C0, s4;
	v19 =	vor.u32 s21, v1;
	v11 =	vmul.f32 v11, v11;
	v24 =	vld [tilespmem:s12+$0x60];
	v13 =	vadd.f32 v13, v15  }
0x60: {  	v8 =	vsel vm1, v8, v9;
	v16 =	vsel vm7, v19, v16;
	v19 =	vld [tilespmem:s14+$0x60];
	v15 =	vor.u32 s22, v1  }
0x61: {  	s23 =	sadd.s32 $0x190, s4;
	v11 =	vadd.f32 v11, v14;
	v14 =	vmul.f32 v17, v17;
	v13 =	vmin.f32 v18, v13  }
0x62: {  	s6 =	sadd.s32 $0x110, s4;
	v17 =	vor.u32 s23, v1;
	v9 =	vsel vm1, v15, v16;
	v15 =	vsub.f32 v20, v5;
	v16 =	vld [tilespmem:s13+$0x60];
	[tilespmem:s5+$0xFFFFFFD0] =	vst v13  }
0x63: {  	v20 =	vor.u32 s6, v1;
	v11 =	vadd.f32 v14, v11;
	v14 =	vsub.f32 v22, v4;
	v18 =	vld [tilespmem:s13+$0xFFFFFFE0]  }
0x64: {  	v22 =	vsub.f32 v23, v3;
	v15 =	vmul.f32 v15, v15;
	v24 =	vsub.f32 v24, v4;
	v23 =	vld [tilespmem:s12+$0xFFFFFFE0]  }
0x65: {  	v19 =	vsub.f32 v19, v3;
	v11 =	vmin.f32 v21, v11;
	v14 =	vmul.f32 v14, v14;
	v21 =	vld [tilespmem:s5+$0x20]  }
0x66: {  	v22 =	vmul.f32 v22, v22;
	v25 =	vld [tilespmem:s14+$0xFFFFFFE0];
	[tilespmem:s5+$0xFFFFFF90] =	vst v11;
	vm8 =	vgt.f32 v11, v7;
	v24 =	vmul.f32 v24, v24  }
0x67: {  	v11 =	vsel vm8, v11, v7;
	v14 =	vadd.f32 v15, v14;
	v15 =	vld [tilespmem:s12+$0xFFFFFFA0];
	v16 =	vsub.f32 v16, v5  }
0x68: {  	v19 =	vmul.f32 v19, v19;
	v27 =	vld [tilespmem:s13+$0xFFFFFFA0];
	v20 =	vsel vm8, v20, v2;
	vm9 =	vgt.f32 v13, v11  }
0x69: {  	v14 =	vadd.f32 v22, v14;
	v22 =	vld [tilespmem:s14+$0xFFFFFFA0];
	v11 =	vsel vm9, v13, v11;
	v16 =	vmul.f32 v16, v16  }
0x6a: {  	v13 =	vsub.f32 v23, v4;
	v18 =	vsub.f32 v18, v5;
	vm10 =	vgt.f32 v12, v11  }
0x6b: {  	v23 =	vld [tilespmem:s5+$0x60];
	v14 =	vmin.f32 v21, v14;
	v21 =	vsub.f32 v25, v3;
	v16 =	vadd.f32 v16, v24  }
0x6c: {  	v25 =	vld [tilespmem:s5+$0xFFFFFFE0];
	v11 =	vsel vm10, v12, v11;
	v12 =	vsel vm9, v26, v20;
	v13 =	vmul.f32 v13, v13  }
0x6d: {  	v20 =	vld [tilespmem:s5+$0xFFFFFFA0];
	v15 =	vsub.f32 v15, v4;
	v18 =	vmul.f32 v18, v18;
	[tilespmem:s5+$0x20] =	vst v14;
	v24 =	vsub.f32 v27, v5  }
0x6e: {  	v27 =	vld [tilespmem:s12+$0x30];
	v21 =	vmul.f32 v21, v21;
	v16 =	vadd.f32 v19, v16;
	v22 =	vsub.f32 v22, v3  }
0x6f: {  	v13 =	vadd.f32 v18, v13;
	v18 =	vld [tilespmem:s13+$0x30];
	v15 =	vmul.f32 v15, v15;
	v24 =	vmul.f32 v24, v24  }
0x70: {  	v12 =	vsel vm10, v17, v12;
	vm11 =	vgt.f32 v10, v11;
	v17 =	vld [tilespmem:s14+$0x30];
	v16 =	vmin.f32 v23, v16  }
0x71: {  	v19 =	vmul.f32 v22, v22;
	v13 =	vadd.f32 v21, v13;
	v15 =	vadd.f32 v24, v15  }
0x72: {  	s25 =	sadd.s32 $0x1D0, s4;
	v10 =	vsel vm11, v10, v11;
	[tilespmem:s5+$0x60] =	vst v16  }
0x73: {  	s28 =	sadd.s32 $0x1E0, s4;
	v21 =	vor.u32 s25, v1;
	v23 =	vld [tilespmem:s13+$0x70];
	v11 =	vadd.f32 v19, v15;
	v13 =	vmin.f32 v25, v13  }
0x74: {  	s29 =	sadd.s32 $0x160, s4;
	v22 =	vor.u32 s28, v1;
	v15 =	vld [tilespmem:s12+$0x70];
	v19 =	vsub.f32 v27, v4;
	v18 =	vsub.f32 v18, v5;
	[tilespmem:s5+$0xFFFFFFE0] =	vst v13  }
0x75: {  	s7 =	sadd.s32 $0x1A0, s4;
	v24 =	vor.u32 s29, v1;
	v17 =	vsub.f32 v17, v3;
	v11 =	vmin.f32 v20, v11;
	v20 =	vld [tilespmem:s12+$0xFFFFFFF0]  }
0x76: {  	s30 =	sadd.s32 $0x120, s4;
	v25 =	vor.u32 s7, v1;
	v19 =	vmul.f32 v19, v19;
	v26 =	vld [tilespmem:s14+$0xFFFFFFF0];
	v18 =	vmul.f32 v18, v18;
	[tilespmem:s5+$0xFFFFFFA0] =	vst v11  }
0x77: {  	v27 =	vor.u32 s30, v1;
	v17 =	vmul.f32 v17, v17;
	vm12 =	vgt.f32 v11, v7;
	v28 =	vld [tilespmem:s14+$0xFFFFFFB0]  }
0x78: {  	v11 =	vsel vm12, v11, v7;
	v30 =	vld [tilespmem:s12+$0xFFFFFFB0];
	v23 =	vsub.f32 v23, v5;
	v18 =	vadd.f32 v18, v19  }
0x79: {  	v19 =	vsel vm12, v27, v2;
	v27 =	vld [tilespmem:s13+$0xFFFFFFB0];
	vm13 =	vgt.f32 v13, v11;
	v29 =	vsub.f32 v15, v4  }
0x7a: {  	v11 =	vsel vm13, v13, v11;
	v13 =	vsel vm11, v21, v12;
	v12 =	vsel vm13, v24, v19;
	v21 =	vld [tilespmem:s13+$0xFFFFFFF0]  }
0x7b: {  	vm14 =	vgt.f32 v14, v11;
	v15 =	vadd.f32 v17, v18;
	v17 =	vmul.f32 v29, v29  }
0x7c: {  	v6 =	vld [tilespmem:s5+$0x30];
	v11 =	vsel vm14, v14, v11;
	v14 =	vsub.f32 v20, v4;
	v12 =	vsel vm14, v25, v12  }
0x7d: {  	v19 =	vld [tilespmem:s14+$0x70];
	v20 =	vsub.f32 v26, v3;
	vm15 =	vgt.f32 v16, v11;
	v18 =	vsub.f32 v28, v3  }
0x7e: {  	s11 =	sadd.s32 $0x100, s14;
	s15 =	smov.u32 s12;
	s16 =	sadd.s32 $0x130, s4;
	v24 =	vsub.f32 v30, v4;
	v11 =	vsel vm15, v16, v11;
	v26 =	vsub.f32 v27, v5;
	v16 =	vld [tilespmem:s5+$0x70]  }
0x7f: {  	s24 =	sadd.s32 $0x170, s4;
	s23 =	sadd.s32 $0x1B0, s4;
	s6 =	simm.s32 $0x0;
	v12 =	vsel vm15, v22, v12;
	v22 =	vmul.f32 v18, v18;
	v25 =	vsub.f32 v21, v5;
	v18 =	vld [tilespmem:s5+$0xFFFFFFF0]  }
0x80: {  	s25 =	sadd.s32 $0x1F0, s4;
	s4 =	simm.s32 $0xC0C0;
	s7 =	sadd.s32 $0x100, s13;
	v27 =	vmul.f32 v24, v24;
	v21 =	vld [tilespmem:s5+$0xFFFFFFB0];
	v24 =	vmul.f32 v14, v14;
	v14 =	vimm.s32 $0x0  }
.LBB2_5:
0x81: {  	s5 =	sadd.s32 $0x100, s5  }
0x82: {  	v28 =	vld [tilespmem:s7+$0x0];
	v26 =	vmul.f32 v26, v26;
	v19 =	vsub.f32 v19, v3;
	s15 =	sadd.s32 $0x100, s15;
	s2 =	smov.u32 s6;
	s6 =	sadd.s32 $0x100, s6  }
0x83: {  	v20 =	vmul.f32 v20, v20;
	v29 =	vld [tilespmem:s15+$0x40];
	p1 =	slt.u32 s6, $0x1F00  }
0x84: {  	v25 =	vmul.f32 v25, v25;
	v30 =	vld [tilespmem:s15+$0x0];
	v26 =	vadd.f32 v26, v27;
	v27 =	vor.u32 s25, v1  }
0x85: {  	v32 =	vor.u32 s24, v1;
	v33 =	vor.u32 s23, v1;
	v23 =	vmul.f32 v23, v23;
	v31 =	vld [tilespmem:s7+$0x40]  }
0x86: {  	v24 =	vadd.f32 v25, v24;
	v34 =	vld [tilespmem:s11+$0x0];
	v22 =	vadd.f32 v22, v26;
	v26 =	vor.u32 s16, v1  }
0x87: {  	v15 =	vmin.f32 v6, v15;
	v17 =	vadd.f32 v23, v17;
	v25 =	vsub.f32 v28, v5;
	v6 =	vld [tilespmem:s5+$0x30]  }
0x88: {  	v19 =	vmul.f32 v19, v19;
	v20 =	vadd.f32 v20, v24;
	v21 =	vmin.f32 v21, v22;
	[tilespmem:s4+$0x30] =	vst v15  }
0x89: {  	v23 =	vsub.f32 v29, v4;
	v22 =	vsub.f32 v30, v4;
	v24 =	vld [tilespmem:s11+$0x40];
	[tilespmem:s4+$0xFFFFFFB0] =	vst v21;
	vm0 =	vgt.f32 v21, v7  }
0x8a: {  	v17 =	vadd.f32 v19, v17;
	v25 =	vmul.f32 v25, v25;
	v7 =	vsel vm0, v21, v7  }
0x8b: {  	v18 =	vmin.f32 v18, v20;
	v21 =	vmul.f32 v23, v23;
	v19 =	vmul.f32 v22, v22;
	v22 =	vld [tilespmem:s5+$0x40]  }
0x8c: {  	v16 =	vmin.f32 v16, v17;
	v28 =	vsub.f32 v31, v5;
	v20 =	vsub.f32 v34, v3;
	v23 =	vld [tilespmem:s5+$0x0];
	[tilespmem:s4+$0xFFFFFFF0] =	vst v18  }
0x8d: {  	v14 =	vsel vm0, v26, v14;
	vm0 =	vgt.f32 v18, v7;
	v17 =	vld [tilespmem:s7+$0xFFFFFF80];
	v19 =	vadd.f32 v25, v19;
	[tilespmem:s4+$0x70] =	vst v16;
	s4 =	smov.u32 s5  }
0x8e: {  	v26 =	vmul.f32 v28, v28;
	v7 =	vsel vm0, v18, v7;
	v25 =	vld [tilespmem:s15+$0xFFFFFF80];
	v24 =	vsub.f32 v24, v3  }
0x8f: {  	v14 =	vsel vm0, v32, v14;
	v20 =	vmul.f32 v20, v20;
	vm0 =	vgt.f32 v15, v7;
	v18 =	vld [tilespmem:s5+$0xFFFFFF80]  }
0x90: {  	v21 =	vadd.f32 v26, v21;
	v7 =	vsel vm0, v15, v7;
	v28 =	vld [tilespmem:s11+$0xFFFFFF80];
	v24 =	vmul.f32 v24, v24  }
0x91: {  	v14 =	vsel vm0, v33, v14;
	v19 =	vadd.f32 v20, v19;
	vm0 =	vgt.f32 v16, v7;
	v15 =	vld [tilespmem:s15+$0xFFFFFFC0]  }
0x92: {  	v7 =	vsel vm0, v16, v7;
	v17 =	vsub.f32 v17, v5;
	v20 =	vld [tilespmem:s7+$0xFFFFFFC0];
	v21 =	vadd.f32 v24, v21  }
0x93: {  	v14 =	vsel vm0, v27, v14;
	v19 =	vmin.f32 v23, v19;
	v16 =	vsub.f32 v25, v4;
	v24 =	vld [tilespmem:s11+$0xFFFFFFC0]  }
0x94: {  	[tilespmem:s5+$0x0] =	vst v19;
	v21 =	vmin.f32 v22, v21  }
0x95: {  	v17 =	vmul.f32 v17, v17;
	v16 =	vmul.f32 v16, v16;
	v22 =	vld [tilespmem:s15+$0x10];
	[tilespmem:s5+$0x40] =	vst v21  }
0x96: {  	v23 =	vsub.f32 v28, v3;
	v25 =	vld [tilespmem:s7+$0x10]  }
0x97: {  	v16 =	vadd.f32 v17, v16;
	v17 =	vsub.f32 v20, v5;
	v20 =	vld [tilespmem:s15+$0x50]  }
0x98: {  	v15 =	vsub.f32 v15, v4;
	v23 =	vmul.f32 v23, v23;
	v26 =	vld [tilespmem:s7+$0x50]  }
0x99: {  	v17 =	vmul.f32 v17, v17;
	v27 =	vld [tilespmem:s11+$0x10]  }
0x9a: {  	s25 =	sadd.s32 s2, s8;
	v24 =	vsub.f32 v24, v3;
	v15 =	vmul.f32 v15, v15;
	v22 =	vsub.f32 v22, v4;
	v28 =	vld [tilespmem:s11+$0x50]  }
0x9b: {  	s2 =	sadd.s32 $0x100, s25;
	s30 =	sadd.s32 $0x110, s25;
	s29 =	sadd.s32 $0x150, s25;
	v16 =	vadd.f32 v23, v16;
	v23 =	vld [tilespmem:s5+$0xFFFFFFC0];
	v25 =	vsub.f32 v25, v5  }
0x9c: {  	s21 =	sadd.s32 $0x160, s25;
	s17 =	sadd.s32 $0x190, s25;
	v29 =	vor.u32 s2, v1;
	s2 =	sadd.s32 $0x120, s25;
	v15 =	vadd.f32 v17, v15;
	v17 =	vmul.f32 v24, v24;
	v24 =	vld [tilespmem:s5+$0x10]  }
0x9d: {  	s23 =	sadd.s32 $0x140, s25;
	s22 =	sadd.s32 $0x1A0, s25;
	s28 =	sadd.s32 $0x1E0, s25;
	v16 =	vmin.f32 v18, v16;
	v18 =	vmul.f32 v25, v25;
	v25 =	vsub.f32 v26, v5  }
0x9e: {  	s20 =	sadd.s32 $0x180, s25;
	s3 =	sadd.s32 $0x1C0, s25;
	s19 =	sadd.s32 $0x1D0, s25;
	vm0 =	vgt.f32 v16, v8;
	v15 =	vadd.f32 v17, v15;
	v17 =	vsub.f32 v20, v4;
	[tilespmem:s5+$0xFFFFFF80] =	vst v16  }
0x9f: {  	s24 =	sadd.s32 $0x170, s25;
	s16 =	sadd.s32 $0x130, s25;
	v26 =	vor.u32 s23, v1;
	s23 =	sadd.s32 $0x1B0, s25;
	v20 =	vld [tilespmem:s15+$0xFFFFFF90];
	v28 =	vsub.f32 v28, v3;
	v25 =	vmul.f32 v25, v25  }
0xa0: {  	v9 =	vsel vm0, v29, v9;
	s25 =	sadd.s32 $0x1F0, s25;
	v17 =	vmul.f32 v17, v17;
	v15 =	vmin.f32 v23, v15;
	v23 =	vld [tilespmem:s5+$0x50]  }
0xa1: {  	v8 =	vsel vm0, v16, v8;
	v27 =	vsub.f32 v27, v3;
	[tilespmem:s5+$0xFFFFFFC0] =	vst v15;
	v16 =	vld [tilespmem:s5+$0xFFFFFFD0];
	v28 =	vmul.f32 v28, v28  }
0xa2: {  	v22 =	vmul.f32 v22, v22;
	vm0 =	vgt.f32 v15, v8;
	v29 =	vld [tilespmem:s15+$0xFFFFFFD0]  }
0xa3: {  	v8 =	vsel vm0, v15, v8;
	v9 =	vsel vm0, v26, v9;
	v26 =	vmul.f32 v27, v27;
	v15 =	vld [tilespmem:s7+$0xFFFFFFD0]  }
0xa4: {  	v18 =	vadd.f32 v18, v22;
	v17 =	vadd.f32 v25, v17;
	vm0 =	vgt.f32 v19, v8;
	v27 =	vld [tilespmem:s5+$0xFFFFFF90]  }
0xa5: {  	v8 =	vsel vm0, v19, v8;
	v19 =	vor.u32 s3, v1;
	v22 =	vld [tilespmem:s11+$0xFFFFFFD0]  }
0xa6: {  	v17 =	vadd.f32 v28, v17;
	v18 =	vadd.f32 v26, v18;
	vm1 =	vgt.f32 v21, v8;
	v25 =	vld [tilespmem:s7+$0xFFFFFF90]  }
0xa7: {  	v28 =	vor.u32 s20, v1;
	v8 =	vsel vm1, v21, v8;
	v26 =	vsub.f32 v29, v4  }
0xa8: {  	v9 =	vsel vm0, v28, v9;
	v18 =	vmin.f32 v24, v18;
	v21 =	vld [tilespmem:s11+$0xFFFFFF90];
	v15 =	vsub.f32 v15, v5  }
0xa9: {  	v17 =	vmin.f32 v23, v17;
	v9 =	vsel vm1, v19, v9;
	v24 =	vmul.f32 v26, v26;
	[tilespmem:s5+$0x10] =	vst v18  }
0xaa: {  	v19 =	vsub.f32 v22, v3;
	v15 =	vmul.f32 v15, v15;
	v22 =	vld [tilespmem:s7+$0x20];
	[tilespmem:s5+$0x50] =	vst v17  }
0xab: {  	v20 =	vsub.f32 v20, v4;
	v23 =	vsub.f32 v25, v5;
	v25 =	vld [tilespmem:s15+$0x20]  }
0xac: {  	v15 =	vadd.f32 v15, v24;
	v19 =	vmul.f32 v19, v19;
	v24 =	vld [tilespmem:s11+$0x60]  }
0xad: {  	v20 =	vmul.f32 v20, v20;
	v21 =	vsub.f32 v21, v3;
	v23 =	vmul.f32 v23, v23;
	v26 =	vld [tilespmem:s11+$0x20]  }
0xae: {  	v15 =	vadd.f32 v19, v15;
	v19 =	vld [tilespmem:s15+$0x60]  }
0xaf: {  	v20 =	vadd.f32 v23, v20;
	v21 =	vmul.f32 v21, v21;
	v23 =	vor.u32 s19, v1  }
0xb0: {  	v22 =	vsub.f32 v22, v5;
	v15 =	vmin.f32 v16, v15;
	v16 =	vor.u32 s17, v1  }
0xb1: {  	v25 =	vsub.f32 v25, v4;
	v20 =	vadd.f32 v21, v20;
	v21 =	vor.u32 s30, v1;
	[tilespmem:s5+$0xFFFFFFD0] =	vst v15;
	v28 =	vld [tilespmem:s7+$0x60]  }
0xb2: {  	v22 =	vmul.f32 v22, v22;
	v24 =	vsub.f32 v24, v3;
	v29 =	vld [tilespmem:s7+$0xFFFFFFE0];
	v26 =	vsub.f32 v26, v3  }
0xb3: {  	v25 =	vmul.f32 v25, v25;
	v20 =	vmin.f32 v27, v20;
	v27 =	vld [tilespmem:s15+$0xFFFFFFE0];
	v19 =	vsub.f32 v19, v4  }
0xb4: {  	v24 =	vmul.f32 v24, v24;
	[tilespmem:s5+$0xFFFFFF90] =	vst v20;
	vm0 =	vgt.f32 v20, v10;
	v26 =	vmul.f32 v26, v26;
	v30 =	vld [tilespmem:s5+$0x20]  }
0xb5: {  	v22 =	vadd.f32 v22, v25;
	v10 =	vsel vm0, v20, v10;
	v20 =	vld [tilespmem:s11+$0xFFFFFFE0];
	v19 =	vmul.f32 v19, v19  }
0xb6: {  	v31 =	vor.u32 s29, v1;
	v25 =	vld [tilespmem:s15+$0xFFFFFFA0];
	vm1 =	vgt.f32 v15, v10;
	v28 =	vsub.f32 v28, v5  }
0xb7: {  	v13 =	vsel vm0, v21, v13;
	v21 =	vld [tilespmem:s7+$0xFFFFFFA0];
	v10 =	vsel vm1, v15, v10;
	v15 =	vadd.f32 v26, v22  }
0xb8: {  	v22 =	vld [tilespmem:s11+$0xFFFFFFA0];
	v26 =	vsub.f32 v27, v4;
	vm0 =	vgt.f32 v18, v10;
	v27 =	vmul.f32 v28, v28  }
0xb9: {  	v28 =	vsub.f32 v29, v5;
	v29 =	vld [tilespmem:s5+$0xFFFFFFE0];
	v10 =	vsel vm0, v18, v10;
	v18 =	vmin.f32 v30, v15  }
0xba: {  	v13 =	vsel vm1, v31, v13;
	v15 =	vsub.f32 v20, v3;
	v20 =	vmul.f32 v26, v26;
	[tilespmem:s5+$0x20] =	vst v18;
	v26 =	vld [tilespmem:s5+$0x60]  }
0xbb: {  	v28 =	vmul.f32 v28, v28;
	v19 =	vadd.f32 v27, v19;
	v25 =	vsub.f32 v25, v4;
	v30 =	vld [tilespmem:s15+$0x30]  }
0xbc: {  	v13 =	vsel vm0, v16, v13;
	v21 =	vsub.f32 v21, v5;
	v15 =	vmul.f32 v15, v15;
	v16 =	vld [tilespmem:s7+$0x30]  }
0xbd: {  	vm0 =	vgt.f32 v17, v10;
	v20 =	vadd.f32 v28, v20;
	v22 =	vsub.f32 v22, v3;
	v27 =	vld [tilespmem:s11+$0x30]  }
0xbe: {  	v19 =	vadd.f32 v24, v19;
	v25 =	vmul.f32 v25, v25;
	v21 =	vmul.f32 v21, v21  }
0xbf: {  	v10 =	vsel vm0, v17, v10;
	v15 =	vadd.f32 v15, v20;
	v22 =	vmul.f32 v22, v22;
	v24 =	vld [tilespmem:s5+$0xFFFFFFA0]  }
0xc0: {  	v17 =	vadd.f32 v21, v25;
	v21 =	vmin.f32 v26, v19;
	v25 =	vor.u32 s28, v1  }
0xc1: {  	v20 =	vor.u32 s22, v1;
	v19 =	vor.u32 s21, v1;
	v26 =	vsub.f32 v30, v4;
	[tilespmem:s5+$0x60] =	vst v21  }
0xc2: {  	v15 =	vmin.f32 v29, v15;
	v16 =	vsub.f32 v16, v5;
	v17 =	vadd.f32 v22, v17;
	v22 =	vld [tilespmem:s15+$0x70]  }
0xc3: {  	v28 =	vor.u32 s2, v1;
	v27 =	vsub.f32 v27, v3;
	v26 =	vmul.f32 v26, v26;
	[tilespmem:s5+$0xFFFFFFE0] =	vst v15;
	v29 =	vld [tilespmem:s7+$0x70]  }
0xc4: {  	v13 =	vsel vm0, v23, v13;
	v16 =	vmul.f32 v16, v16;
	v17 =	vmin.f32 v24, v17;
	v24 =	vld [tilespmem:s15+$0xFFFFFFF0]  }
0xc5: {  	[tilespmem:s5+$0xFFFFFFA0] =	vst v17;
	vm0 =	vgt.f32 v17, v11;
	v23 =	vld [tilespmem:s11+$0xFFFFFFF0]  }
0xc6: {  	v16 =	vadd.f32 v16, v26;
	v11 =	vsel vm0, v17, v11;
	v30 =	vld [tilespmem:s11+$0xFFFFFFB0];
	v17 =	vmul.f32 v27, v27  }
0xc7: {  	v12 =	vsel vm0, v28, v12;
	v26 =	vld [tilespmem:s7+$0xFFFFFFB0];
	vm0 =	vgt.f32 v15, v11;
	v22 =	vsub.f32 v22, v4  }
0xc8: {  	v27 =	vld [tilespmem:s15+$0xFFFFFFB0];
	v11 =	vsel vm0, v15, v11;
	v12 =	vsel vm0, v19, v12;
	v15 =	vadd.f32 v17, v16  }
0xc9: {  	v28 =	vld [tilespmem:s7+$0xFFFFFFF0];
	vm0 =	vgt.f32 v18, v11;
	v17 =	vmul.f32 v22, v22  }
0xca: {  	v11 =	vsel vm0, v18, v11;
	v19 =	vld [tilespmem:s11+$0x70]  }
.Ltmp3:
0xcb: {  	v24 =	vsub.f32 v24, v4;
	v12 =	vsel vm0, v20, v12;
	vm0 =	vgt.f32 v21, v11;
	(pc) =	sbr.rel @p1 .LBB2_5-.Ltmp3, $4  }
0xcc: {  	v20 =	vsub.f32 v23, v3;
	v18 =	vsub.f32 v30, v3;
	v11 =	vsel vm0, v21, v11  }
0xcd: {  	v26 =	vsub.f32 v26, v5;
	v12 =	vsel vm0, v25, v12;
	v21 =	vsub.f32 v27, v4;
	v16 =	vld [tilespmem:s5+$0x70]  }
0xce: {  	v23 =	vsub.f32 v29, v5;
	v22 =	vmul.f32 v18, v18;
	v25 =	vsub.f32 v28, v5;
	v18 =	vld [tilespmem:s5+$0xFFFFFFF0]  }
0xcf: {  	s7 =	sadd.s32 $0x100, s7;
	s11 =	sadd.s32 $0x100, s11;
	v24 =	vmul.f32 v24, v24;
	v27 =	vmul.f32 v21, v21;
	v21 =	vld [tilespmem:s5+$0xFFFFFFB0]  }
0xd0: {  	v4 =	vmul.f32 v26, v26;
	_ =	sdelay $0x1  }
0xd1: {  	v5 =	vmul.f32 v25, v25;
	v4 =	vadd.f32 v4, v27;
	_ =	sdelay $0x1  }
0xd2: {  	v20 =	vmul.f32 v20, v20;
	v5 =	vadd.f32 v5, v24;
	v4 =	vadd.f32 v22, v4  }
0xd3: {  	v56 =	vmul.f32 v23, v23  }
0xd4: {  	v3 =	vsub.f32 v19, v3;
	v5 =	vadd.f32 v20, v5;
	v4 =	vmin.f32 v21, v4  }
0xd5: {  	v17 =	vadd.f32 v56, v17;
	vm0 =	vgt.f32 v4, v7  }
0xd6: {  	v3 =	vmul.f32 v3, v3;
	v5 =	vmin.f32 v18, v5;
	v7 =	vsel vm0, v4, v7  }
0xd7: {  	vm1 =	vgt.f32 v5, v7  }
0xd8: {  	v6 =	vmin.f32 v6, v15;
	v3 =	vadd.f32 v3, v17;
	v7 =	vsel vm1, v5, v7  }
0xd9: {  	vm2 =	vgt.f32 v6, v7  }
0xda: {  	v3 =	vmin.f32 v16, v3;
	v7 =	vsel vm2, v6, v7  }
0xdb: {  	v57 =	vmax.f32 v8, v10;
	vm3 =	vgt.f32 v3, v7  }
0xdc: {  	v15 =	vmax.f32 v57, v11;
	v7 =	vsel vm3, v3, v7  }
0xdd: {  	v15 =	vmax.f32 v15, v7  }
0xde: {  	(xrf0) =	vmax.scan.msk.f32 $0xffff, v15;
	_ =	sdelay $0x5  }
0xdf: {  	v15, _, _ =	vpop (xrf0)  }
0xe0: {  	v15 =	vbroadcast v15, $0xF  }
0xe1: {  	v58 =	vor.u32 s16, v1;
	vm8 =	vlt.s32 v9, $0x4000  }
0xe2: {  	v59 =	vor.u32 s24, v1;
	v9 =	vnsel vm8, $0x4000, v9;
	vm9 =	veq.f32 v8, v15  }
0xe3: {  	v60 =	vor.u32 s23, v1;
	v14 =	vsel vm0, v58, v14;
	v9 =	vnsel vm9, $0x4000, v9  }
0xe4: {  	v62 =	vor.u32 s25, v1;
	v8 =	vsel vm1, v59, v14;
	vm0 =	vlt.s32 v9, v13  }
0xe5: {  	vm10 =	veq.f32 v10, v15;
	vm11 =	veq.f32 v11, v15;
	v61 =	vsel vm0, v9, v13  }
0xe6: {  	v8 =	vsel vm2, v60, v8;
	v63 =	vnsel vm11, $0x4000, v12;
	v9 =	vsel vm10, v61, v9  }
0xe7: {  	vm12 =	veq.f32 v7, v15;
	v8 =	vsel vm3, v62, v8;
	vm0 =	vlt.s32 v9, v63  }
0xe8: {  	v8 =	vnsel vm12, $0x4000, v8;
	v7 =	vsel vm0, v9, v63  }
0xe9: {  	vm0 =	vlt.s32 v7, v8  }
0xea: {  	v7 =	vsel vm0, v7, v8  }
0xeb: {  	v7 =	vxor.u32 $0x80000000, v7  }
0xec: {  	(xrf0) =	vmin.scan.msk.u32 $0xffff, v7;
	_ =	sdelay $0x5  }
0xed: {  	v7, _, _ =	vpop (xrf0)  }
0xee: {  	(v2sf) =	vpush v7, $0xF;
	_ =	sdelay $0xc  }
0xef: {  	[tilespmem:s4+$0x30] =	vst v6  }
0xf0: {  	[tilespmem:s4+$0xFFFFFFB0] =	vst v4  }
0xf1: {  	[tilespmem:s4+$0xFFFFFFF0] =	vst v5;
	s2 =	spop (v2sf)  }
0xf2: {  	s3 =	sshll.u32 s10, $0x5;
	[tilespmem:s4+$0x70] =	vst v3;
	s2 =	sxor.u32 $0x80000000, s2  }
0xf3: {  	s3 =	sand.u32 $0x20, s3;
	s4 =	rddreg [dreg:$0x8];
	[tilespmem:$0xE040] =	vst v15;
	v3 =	vmov s2  }
0xf4: {  	s5 =	simm.s32 $0xE040;
	s4 =	sadd.s32 s3, s4;
	[tilespmem:$0xE050] =	vst v3  }
0xf5: {  	[spmem:s4] =	stream.linear.scatter [tilespmem:s5], [sflag:$0x1], $0x20, $0x38;
	[tilespmem:$0xF740] =	vst v63  }
0xf6: {  	_ =	swait.ge [sflag:s18], $0x20  }
0xf7: {  	[sflag:s18] =	ssyncset.done $0x0  }
0xf8: {  	[sflag:s18] =	ssyncadd.s32 $0xFFFFFFE0  }
0xf9: {  	s3 =	sor.u32 s9, s3;
	[bflag:$0x0] =	sbarrier.arrive $0xFFFF  }
0xfa: {  	s3 =	sxor.u32 $0x40, s3;
	s29 =	rddreg [dreg:$0x2]  }
0xfb: {  	s30 =	simm.s32 $0xE0C0;
	s3 =	sadd.s32 s3, s29  }
0xfc: {  	[tilespmem:s30], [sflag:$0x1] =	stream.linear.gather [spmem:s3], $0x20, $0x38;
	[tilespmem:$0xF740] =	vst v63  }
0xfd: {  	_ =	swait.ge [sflag:s18], $0x20  }
0xfe: {  	[sflag:s18] =	ssyncset.done $0x0  }
0xff: {  	[sflag:s18] =	ssyncadd.s32 $0xFFFFFFE0  }
0x100: {  	v3 =	vld [tilespmem:$0xE0C0]  }
0x101: {  	v4 =	vld [tilespmem:$0xE0D0];
	_ =	sdelay $0x1  }
0x102: {  	s10 =	sadd.s32 $0x1, s10  }
0x103: {  	p1 =	sne.s32 s10, $0x400  }
.Ltmp4:
0x104: {  	_ = 	snop;
	(pc) =	sbr.rel @p1 .LBB2_4-.Ltmp4, $4  }
0x105: {  	vm13 =	veq.f32 v3, v15;
	vm14 =	vlt.s32 v4, s2  }
0x106: {  	vm15 =	vgt.f32 v3, v15;
	vm0 =	vmand vm13, vm14  }
0x107: {  	vm0 =	vmor vm15, vm0  }
0x108: {  	v6 =	vnsel vm0, s2, v4  }
.Ltmp5:
0x109: {  	(pc) =	sbr.rel @p0 .LBB2_17-.Ltmp5, $4  }
0x10a: {  	_ = 	snop  }
0x10b: {  	s10 =	rddreg [dreg:$0x4]  }
0x10c: {  	s19 =	simm.s32 $0xE140;
	s20 =	simm.s32 $0xE540;
	s21 =	simm.s32 $0xE940  }
0x10d: {  	s22 =	simm.s32 $0xED40;
	s28 =	simm.s32 $0xEE40;
	s29 =	simm.s32 $0xEF40  }
0x10e: {  	[tilespmem:$0xC040] =	vst v0  }
0x10f: {  	[tilespmem:$0xC050] =	vst v0  }
0x110: {  	[tilespmem:$0xC060] =	vst v0  }
0x111: {  	[tilespmem:$0xC070] =	vst v0  }
0x112: {  	[tilespmem:$0xC080] =	vst v0  }
0x113: {  	[tilespmem:$0xC090] =	vst v0  }
0x114: {  	[tilespmem:$0xC0A0] =	vst v0  }
0x115: {  	[tilespmem:$0xC0B0] =	vst v0  }
0x116: {  	[tilespmem:$0xC0C0] =	vst v0  }
0x117: {  	[tilespmem:$0xC0D0] =	vst v0  }
0x118: {  	[tilespmem:$0xC0E0] =	vst v0  }
0x119: {  	[tilespmem:$0xC0F0] =	vst v0  }
0x11a: {  	[tilespmem:$0xC100] =	vst v0  }
0x11b: {  	[tilespmem:$0xC110] =	vst v0  }
0x11c: {  	[tilespmem:$0xC120] =	vst v0  }
0x11d: {  	[tilespmem:$0xC130] =	vst v0  }
0x11e: {  	[tilespmem:$0xC140] =	vst v0  }
0x11f: {  	[tilespmem:$0xC150] =	vst v0  }
0x120: {  	[tilespmem:$0xC160] =	vst v0  }
0x121: {  	[tilespmem:$0xC170] =	vst v0  }
0x122: {  	[tilespmem:$0xC180] =	vst v0  }
0x123: {  	[tilespmem:$0xC190] =	vst v0  }
0x124: {  	[tilespmem:$0xC1A0] =	vst v0  }
0x125: {  	[tilespmem:$0xC1B0] =	vst v0  }
0x126: {  	[tilespmem:$0xC1C0] =	vst v0  }
0x127: {  	[tilespmem:$0xC1D0] =	vst v0  }
0x128: {  	[tilespmem:$0xC1E0] =	vst v0  }
0x129: {  	[tilespmem:$0xC1F0] =	vst v0  }
0x12a: {  	[tilespmem:$0xC200] =	vst v0  }
0x12b: {  	[tilespmem:$0xC210] =	vst v0  }
0x12c: {  	[tilespmem:$0xC220] =	vst v0  }
0x12d: {  	[tilespmem:$0xC230] =	vst v0  }
0x12e: {  	[tilespmem:$0xC240] =	vst v0  }
0x12f: {  	[tilespmem:$0xC250] =	vst v0  }
0x130: {  	[tilespmem:$0xC260] =	vst v0  }
0x131: {  	[tilespmem:$0xC270] =	vst v0  }
0x132: {  	[tilespmem:$0xC280] =	vst v0  }
0x133: {  	[tilespmem:$0xC290] =	vst v0  }
0x134: {  	[tilespmem:$0xC2A0] =	vst v0  }
0x135: {  	[tilespmem:$0xC2B0] =	vst v0  }
0x136: {  	[tilespmem:$0xC2C0] =	vst v0  }
0x137: {  	[tilespmem:$0xC2D0] =	vst v0  }
0x138: {  	[tilespmem:$0xC2E0] =	vst v0  }
0x139: {  	[tilespmem:$0xC2F0] =	vst v0  }
0x13a: {  	[tilespmem:$0xC300] =	vst v0  }
0x13b: {  	[tilespmem:$0xC310] =	vst v0  }
0x13c: {  	[tilespmem:$0xC320] =	vst v0  }
0x13d: {  	[tilespmem:$0xC330] =	vst v0  }
0x13e: {  	[tilespmem:$0xC340] =	vst v0  }
0x13f: {  	[tilespmem:$0xC350] =	vst v0  }
0x140: {  	[tilespmem:$0xC360] =	vst v0  }
0x141: {  	[tilespmem:$0xC370] =	vst v0  }
0x142: {  	[tilespmem:$0xC380] =	vst v0  }
0x143: {  	[tilespmem:$0xC390] =	vst v0  }
0x144: {  	[tilespmem:$0xC3A0] =	vst v0  }
0x145: {  	[tilespmem:$0xC3B0] =	vst v0  }
0x146: {  	[tilespmem:$0xC3C0] =	vst v0  }
0x147: {  	[tilespmem:$0xC3D0] =	vst v0  }
0x148: {  	[tilespmem:$0xC3E0] =	vst v0  }
0x149: {  	[tilespmem:$0xC3F0] =	vst v0  }
0x14a: {  	[tilespmem:$0xC400] =	vst v0  }
0x14b: {  	[tilespmem:$0xC410] =	vst v0  }
0x14c: {  	[tilespmem:$0xC420] =	vst v0  }
0x14d: {  	[tilespmem:$0xC430] =	vst v0;
	s10 =	simm.s32 $0x0;
	v4 =	vimm.s32 $0x0  }
.LBB2_9:
0x14e: {  	_ =	sdelay $0x2  }
0x14f: {  	s2 =	sor.u32 $0x400, s10  }
0x150: {  	v6 =	vld.idx.msk [tilespmem:v4+s26+$0x0], $0xffff;
	v5 =	vmov s2  }
0x151: {  	v3 =	vld.idx.msk [tilespmem:v4+s19+$0x0], $0xffff;
	v7 =	vmov s10  }
0x152: {  	v2 =	vld.idx.msk [tilespmem:v4+s20+$0x0], $0xffff  }
0x153: {  	v4 =	vld.idx.msk [tilespmem:v4+s21+$0x0], $0xffff;
	_ =	sdelay $0x1  }
0x154: {  	[tilespmem:v5+s26+$0x0] =	vst.idx.msk $0x1, v6  }
0x155: {  	[tilespmem:v7+s22+$0x0] =	vst.idx.msk $0x1, v3  }
0x156: {  	[tilespmem:v7+s28+$0x0] =	vst.idx.msk $0x1, v2  }
0x157: {  	s24 =	simm.s32 $0xE9C0;
	[tilespmem:v7+s29+$0x0] =	vst.idx.msk $0x1, v4  }
0x158: {  	v5 =	vld [tilespmem:s24+$0x40]  }
0x159: {  	s23 =	simm.s32 $0xE1C0;
	v6 =	vld [tilespmem:s24+$0x0]  }
0x15a: {  	s4 =	simm.s32 $0xE5C0;
	v7 =	vld [tilespmem:s23+$0x40]  }
0x15b: {  	v8 =	vld [tilespmem:s4+$0x40]  }
0x15c: {  	v9 =	vld [tilespmem:s24+$0xFFFFFFC0]  }
0x15d: {  	v10 =	vld [tilespmem:s23+$0x0]  }
0x15e: {  	v11 =	vld [tilespmem:s4+$0x0]  }
0x15f: {  	v12 =	vld [tilespmem:s24+$0xFFFFFF80]  }
0x160: {  	v13 =	vld [tilespmem:s23+$0xFFFFFFC0];
	v6 =	vsub.f32 v6, v4  }
0x161: {  	v14 =	vld [tilespmem:s4+$0xFFFFFFC0];
	v5 =	vsub.f32 v5, v4;
	v7 =	vsub.f32 v7, v3  }
0x162: {  	v15 =	vld [tilespmem:s23+$0xFFFFFF80];
	v8 =	vsub.f32 v8, v2;
	v9 =	vsub.f32 v9, v4  }
0x163: {  	s7 =	simm.s32 $0xC0C0;
	v16 =	vld [tilespmem:s4+$0xFFFFFF80];
	v10 =	vsub.f32 v10, v3;
	v11 =	vsub.f32 v11, v2  }
0x164: {  	v18 =	vld [tilespmem:s7+$0x40];
	v12 =	vsub.f32 v12, v4;
	v7 =	vmul.f32 v7, v7;
	v8 =	vmul.f32 v8, v8  }
0x165: {  	v19 =	vld [tilespmem:s7+$0x0];
	v13 =	vsub.f32 v13, v3;
	v10 =	vmul.f32 v10, v10;
	v11 =	vmul.f32 v11, v11  }
0x166: {  	v17 =	vld [tilespmem:s7+$0x60];
	v14 =	vsub.f32 v14, v2;
	v5 =	vmul.f32 v5, v5;
	v7 =	vadd.f32 v8, v7  }
0x167: {  	v22 =	vld [tilespmem:s7+$0x50];
	v6 =	vmul.f32 v6, v6;
	v8 =	vsub.f32 v15, v3;
	v10 =	vadd.f32 v11, v10  }
0x168: {  	v27 =	vld [tilespmem:s7+$0x10];
	v11 =	vmul.f32 v13, v13;
	v13 =	vmul.f32 v14, v14;
	v5 =	vadd.f32 v5, v7  }
0x169: {  	v23 =	vld [tilespmem:s7+$0xFFFFFFD0];
	v7 =	vsub.f32 v16, v2;
	v6 =	vadd.f32 v6, v10  }
0x16a: {  	v10 =	vld [tilespmem:s7+$0xFFFFFFC0];
	v11 =	vadd.f32 v13, v11;
	v13 =	vmul.f32 v9, v9;
	v9 =	vmin.f32 v18, v5  }
0x16b: {  	v5 =	vmul.f32 v8, v8;
	v7 =	vmul.f32 v7, v7;
	v8 =	vmin.f32 v19, v6;
	v6 =	vld [tilespmem:s7+$0xFFFFFF80];
	[tilespmem:s7+$0x40] =	vst v9  }
0x16c: {  	v11 =	vadd.f32 v13, v11;
	[tilespmem:s7+$0x0] =	vst v8;
	v13 =	vld [tilespmem:s24+$0x50]  }
0x16d: {  	v5 =	vadd.f32 v7, v5;
	v7 =	vmul.f32 v12, v12;
	v19 =	vld [tilespmem:s24+$0x10]  }
0x16e: {  	v20 =	vld [tilespmem:s23+$0x50]  }
0x16f: {  	v21 =	vld [tilespmem:s4+$0x50];
	v15 =	vmin.f32 v10, v11;
	v5 =	vadd.f32 v7, v5  }
0x170: {  	v24 =	vld [tilespmem:s23+$0x10];
	[tilespmem:s7+$0xFFFFFFC0] =	vst v15  }
0x171: {  	v25 =	vld [tilespmem:s24+$0xFFFFFFD0];
	v16 =	vmin.f32 v6, v5  }
0x172: {  	v14 =	vimm.f32 $-1.000000000e+00;
	v26 =	vld [tilespmem:s4+$0x10];
	v12 =	vimm.f32 $-1.000000000e+00;
	v10 =	vimm.s32 $0x0;
	[tilespmem:s7+$0xFFFFFF80] =	vst v16  }
0x173: {  	s25 =	simm.s32 $0x100;
	s11 =	simm.s32 $0xE9C0;
	s6 =	simm.s32 $0x0;
	v11 =	vimm.f32 $-1.000000000e+00;
	v7 =	vimm.s32 $0x0;
	v5 =	vimm.s32 $0x0;
	v28 =	vld [tilespmem:s24+$0xFFFFFF90]  }
0x174: {  	s16 =	simm.s32 $0xE1C0;
	s15 =	simm.s32 $0xE5C0;
	s5 =	simm.s32 $0xC0C0;
	v29 =	vld [tilespmem:s23+$0xFFFFFFD0];
	v6 =	vimm.s32 $0x0;
	v18 =	vsub.f32 v13, v4;
	v13 =	vimm.f32 $-1.000000000e+00  }
.LBB2_10:
0x175: {  	p1 =	slt.u32 s25, $0x300;
	v30 =	vld [tilespmem:s4+$0xFFFFFFD0];
	v19 =	vsub.f32 v19, v4;
	v20 =	vsub.f32 v20, v3  }
0x176: {  	v25 =	vsub.f32 v25, v4;
	v21 =	vsub.f32 v21, v2;
	v31 =	vld [tilespmem:s23+$0xFFFFFF90]  }
0x177: {  	v24 =	vsub.f32 v24, v3;
	v32 =	vld [tilespmem:s7+$0xFFFFFF90];
	v26 =	vsub.f32 v26, v2  }
0x178: {  	s24 =	sadd.s32 $0x100, s24;
	v20 =	vmul.f32 v20, v20;
	v21 =	vmul.f32 v21, v21;
	v33 =	vld [tilespmem:s4+$0xFFFFFF90];
	v28 =	vsub.f32 v28, v4  }
0x179: {  	v24 =	vmul.f32 v24, v24;
	v34 =	vld [tilespmem:s24+$0x40];
	v29 =	vsub.f32 v29, v3;
	v26 =	vmul.f32 v26, v26  }
0x17a: {  	v18 =	vmul.f32 v18, v18;
	s23 =	sadd.s32 $0x100, s23;
	v20 =	vadd.f32 v21, v20;
	v35 =	vld [tilespmem:s24+$0x0];
	v30 =	vsub.f32 v30, v2  }
0x17b: {  	v19 =	vmul.f32 v19, v19;
	s4 =	sadd.s32 $0x100, s4;
	v36 =	vld [tilespmem:s23+$0x40];
	v21 =	vsub.f32 v31, v3;
	v24 =	vadd.f32 v26, v24  }
0x17c: {  	v29 =	vmul.f32 v29, v29;
	v18 =	vadd.f32 v18, v20;
	v26 =	vld [tilespmem:s4+$0x40];
	v30 =	vmul.f32 v30, v30  }
0x17d: {  	v31 =	vld [tilespmem:s24+$0xFFFFFFC0];
	v20 =	vsub.f32 v33, v2;
	v19 =	vadd.f32 v19, v24  }
0x17e: {  	v25 =	vmul.f32 v25, v25;
	v18 =	vmin.f32 v22, v18;
	v24 =	vld [tilespmem:s23+$0x0];
	v29 =	vadd.f32 v30, v29  }
0x17f: {  	v21 =	vmul.f32 v21, v21;
	v33 =	vld [tilespmem:s4+$0x0];
	v20 =	vmul.f32 v20, v20;
	v22 =	vmin.f32 v27, v19;
	[tilespmem:s7+$0x50] =	vst v18  }
0x180: {  	v19 =	vadd.f32 v25, v29;
	[tilespmem:s7+$0x10] =	vst v22;
	v37 =	vld [tilespmem:s11+$0x60]  }
0x181: {  	v20 =	vadd.f32 v20, v21;
	v21 =	vmul.f32 v28, v28;
	v28 =	vld [tilespmem:s11+$0x20]  }
0x182: {  	s2 =	sadd.s32 $0xC0, s6;
	v23 =	vmin.f32 v23, v19;
	v38 =	vld [tilespmem:s16+$0x60]  }
0x183: {  	s3 =	sadd.s32 $0xE0, s6;
	s17 =	sadd.s32 $0xF0, s6;
	v30 =	vor.u32 s6, v1;
	v27 =	vor.u32 s2, v1;
	s2 =	sadd.s32 $0xD0, s6;
	v25 =	vadd.f32 v21, v20;
	[tilespmem:s7+$0xFFFFFFD0] =	vst v23;
	v40 =	vld [tilespmem:s15+$0x60]  }
0x184: {  	v19 =	vor.u32 s2, v1;
	v20 =	vor.u32 s3, v1;
	v21 =	vor.u32 s17, v1;
	v41 =	vld [tilespmem:s11+$0xFFFFFFE0]  }
0x185: {  	v43 =	vsub.f32 v34, v4;
	v42 =	vsub.f32 v35, v4;
	s2 =	sadd.s32 $0x80, s6;
	v29 =	vmin.f32 v32, v25;
	v34 =	vld [tilespmem:s16+$0x20]  }
0x186: {  	v44 =	vsub.f32 v36, v3;
	v45 =	vsub.f32 v26, v2;
	v32 =	vor.u32 s2, v1;
	s2 =	sadd.s32 $0x90, s6;
	[tilespmem:s7+$0xFFFFFF90] =	vst v29;
	v35 =	vld [tilespmem:s15+$0x20]  }
0x187: {  	v39 =	vsub.f32 v31, v4;
	v46 =	vsub.f32 v24, v3;
	v24 =	vor.u32 s2, v1;
	s2 =	sadd.s32 $0xA0, s6;
	v31 =	vld [tilespmem:s11+$0xFFFFFFA0]  }
0x188: {  	v47 =	vsub.f32 v33, v2;
	v37 =	vsub.f32 v37, v4;
	v25 =	vor.u32 s2, v1;
	s2 =	sadd.s32 $0xB0, s6;
	v33 =	vld [tilespmem:s16+$0xFFFFFFE0]  }
0x189: {  	s3 =	sadd.s32 $0x40, s6;
	v49 =	vsub.f32 v28, v4;
	v38 =	vsub.f32 v38, v3;
	v26 =	vor.u32 s2, v1;
	v48 =	vld [tilespmem:s15+$0xFFFFFFE0]  }
0x18a: {  	v36 =	vor.u32 s3, v1;
	s2 =	sadd.s32 $0x50, s6;
	v40 =	vsub.f32 v40, v2;
	v41 =	vsub.f32 v41, v4;
	v50 =	vld [tilespmem:s16+$0xFFFFFFA0]  }
0x18b: {  	v28 =	vor.u32 s2, v1;
	v34 =	vsub.f32 v34, v3;
	v35 =	vsub.f32 v35, v2;
	v51 =	vld [tilespmem:s7+$0x20]  }
0x18c: {  	v52 =	vld [tilespmem:s15+$0xFFFFFFA0];
	v53 =	vsub.f32 v31, v4;
	v31 =	vmul.f32 v38, v38;
	v38 =	vmul.f32 v40, v40  }
0x18d: {  	v34 =	vmul.f32 v34, v34;
	v33 =	vsub.f32 v33, v3;
	v40 =	vld [tilespmem:s7+$0xFFFFFFE0];
	v35 =	vmul.f32 v35, v35  }
0x18e: {  	v37 =	vmul.f32 v37, v37;
	v54 =	vld [tilespmem:s7+$0xFFFFFFA0];
	v48 =	vsub.f32 v48, v2;
	v31 =	vadd.f32 v38, v31  }
0x18f: {  	v38 =	vld [tilespmem:s24+$0xFFFFFF80];
	v50 =	vsub.f32 v50, v3;
	v34 =	vadd.f32 v35, v34;
	v35 =	vmul.f32 v49, v49  }
0x190: {  	s2 =	sadd.s32 $0x60, s6;
	v55 =	vmul.f32 v33, v33;
	v49 =	vld [tilespmem:s23+$0xFFFFFFC0];
	v48 =	vmul.f32 v48, v48;
	v31 =	vadd.f32 v37, v31  }
0x191: {  	v33 =	vor.u32 s2, v1;
	v37 =	vld [tilespmem:s4+$0xFFFFFFC0];
	v52 =	vsub.f32 v52, v2;
	v34 =	vadd.f32 v35, v34  }
0x192: {  	v41 =	vmul.f32 v41, v41;
	v56 =	vld [tilespmem:s23+$0xFFFFFF80];
	v48 =	vadd.f32 v48, v55;
	v35 =	vmin.f32 v17, v31  }
0x193: {  	s2 =	sadd.s32 $0x70, s6;
	v50 =	vmul.f32 v50, v50;
	v55 =	vld [tilespmem:s4+$0xFFFFFF80];
	v52 =	vmul.f32 v52, v52;
	v17 =	vmin.f32 v51, v34;
	[tilespmem:s7+$0x60] =	vst v35  }
0x194: {  	v34 =	vor.u32 s2, v1;
	v31 =	vsub.f32 v38, v4;
	v38 =	vadd.f32 v41, v48;
	[tilespmem:s7+$0x20] =	vst v17;
	v48 =	vld [tilespmem:s11+$0x70]  }
0x195: {  	v41 =	vsub.f32 v49, v3;
	v49 =	vadd.f32 v52, v50;
	v50 =	vmul.f32 v53, v53;
	v51 =	vld [tilespmem:s11+$0x30]  }
0x196: {  	v43 =	vmul.f32 v43, v43;
	v37 =	vsub.f32 v37, v2;
	v38 =	vmin.f32 v40, v38;
	v40 =	vld [tilespmem:s16+$0x70]  }
0x197: {  	v44 =	vmul.f32 v44, v44;
	v45 =	vmul.f32 v45, v45;
	v49 =	vadd.f32 v50, v49;
	[tilespmem:s7+$0xFFFFFFE0] =	vst v38;
	v50 =	vld [tilespmem:s15+$0x70]  }
0x198: {  	v46 =	vmul.f32 v46, v46;
	v47 =	vmul.f32 v47, v47;
	v52 =	vsub.f32 v56, v3;
	v53 =	vld [tilespmem:s11+$0xFFFFFFF0]  }
0x199: {  	v41 =	vmul.f32 v41, v41;
	v37 =	vmul.f32 v37, v37;
	v49 =	vmin.f32 v54, v49;
	v54 =	vld [tilespmem:s16+$0x30]  }
0x19a: {  	v42 =	vmul.f32 v42, v42;
	v44 =	vadd.f32 v45, v44;
	v46 =	vadd.f32 v47, v46;
	s2 =	sadd.s32 $0x10, s6;
	[tilespmem:s7+$0xFFFFFFA0] =	vst v49;
	v45 =	vld [tilespmem:s15+$0x30]  }
0x19b: {  	v47 =	vsub.f32 v55, v2;
	v37 =	vadd.f32 v37, v41;
	v41 =	vor.u32 s2, v1;
	s2 =	sadd.s32 $0x20, s6;
	v55 =	vld [tilespmem:s11+$0xFFFFFFB0];
	s11 =	smov.u32 s24  }
0x19c: {  	v44 =	vadd.f32 v43, v44;
	v46 =	vadd.f32 v42, v46;
	v43 =	vor.u32 s2, v1;
	s2 =	sadd.s32 $0x30, s6;
	s6 =	smov.u32 s25;
	v56 =	vld [tilespmem:s16+$0xFFFFFFF0]  }
0x19d: {  	v48 =	vsub.f32 v48, v4;
	v51 =	vsub.f32 v51, v4;
	v57 =	vor.u32 s2, v1;
	v58 =	vld [tilespmem:s15+$0xFFFFFFF0]  }
0x19e: {  	v39 =	vmul.f32 v39, v39;
	v60 =	vsub.f32 v40, v3;
	v50 =	vsub.f32 v50, v2;
	v59 =	vld [tilespmem:s16+$0xFFFFFFB0];
	s16 =	smov.u32 s23  }
0x19f: {  	s7 =	sadd.s32 $0x100, s7;
	v40 =	vmul.f32 v52, v52;
	v53 =	vsub.f32 v53, v4;
	v54 =	vsub.f32 v54, v3;
	v52 =	vld [tilespmem:s15+$0xFFFFFFB0];
	s15 =	smov.u32 s4  }
0x1a0: {  	v42 =	vmul.f32 v47, v47;
	v45 =	vsub.f32 v45, v2;
	v47 =	vld [tilespmem:s7+$0x40];
	v55 =	vsub.f32 v55, v4  }
0x1a1: {  	v48 =	vmul.f32 v48, v48;
	v51 =	vmul.f32 v51, v51;
	v61 =	vld [tilespmem:s7+$0x0];
	v56 =	vsub.f32 v56, v3  }
0x1a2: {  	v60 =	vmul.f32 v60, v60;
	v50 =	vmul.f32 v50, v50;
	v58 =	vsub.f32 v58, v2  }
0x1a3: {  	v53 =	vmul.f32 v53, v53;
	v54 =	vmul.f32 v54, v54;
	v59 =	vsub.f32 v59, v3  }
0x1a4: {  	v45 =	vmul.f32 v45, v45;
	v55 =	vmul.f32 v55, v55;
	v52 =	vsub.f32 v52, v2  }
0x1a5: {  	v44 =	vmin.f32 v47, v44;
	v47 =	vmul.f32 v56, v56;
	v56 =	vmul.f32 v58, v58  }
0x1a6: {  	v58 =	vmul.f32 v59, v59;
	v46 =	vmin.f32 v61, v46;
	v52 =	vmul.f32 v52, v52;
	v59 =	vld [tilespmem:s5+$0x70]  }
0x1a7: {  	vm0 =	vgt.f32 v16, v14;
	v50 =	vadd.f32 v50, v60;
	v45 =	vadd.f32 v45, v54;
	v54 =	vld [tilespmem:s5+$0x30]  }
0x1a8: {  	v14 =	vsel vm0, v16, v14;
	v10 =	vsel vm0, v30, v10;
	v16 =	vadd.f32 v56, v47;
	v30 =	vld [tilespmem:s5+$0xFFFFFFF0]  }
0x1a9: {  	vm0 =	vgt.f32 v15, v14;
	v48 =	vadd.f32 v48, v50;
	v47 =	vadd.f32 v52, v58;
	v52 =	vld [tilespmem:s5+$0xFFFFFFB0]  }
0x1aa: {  	v14 =	vsel vm0, v15, v14;
	v10 =	vsel vm0, v36, v10;
	v15 =	vadd.f32 v51, v45  }
0x1ab: {  	vm0 =	vgt.f32 v8, v14;
	v16 =	vadd.f32 v53, v16;
	v36 =	vadd.f32 v55, v47  }
0x1ac: {  	v14 =	vsel vm0, v8, v14;
	v10 =	vsel vm0, v32, v10;
	v8 =	vmovc v46;
	v32 =	vmin.f32 v59, v48  }
0x1ad: {  	vm0 =	vgt.f32 v9, v14;
	v15 =	vmin.f32 v54, v15;
	v16 =	vmin.f32 v30, v16;
	[tilespmem:s5+$0x70] =	vst v32  }
0x1ae: {  	v14 =	vsel vm0, v9, v14;
	v10 =	vsel vm0, v27, v10;
	v30 =	vmin.f32 v52, v36;
	[tilespmem:s5+$0xFFFFFFF0] =	vst v16  }
0x1af: {  	vm0 =	vgt.f32 v29, v13;
	vm1 =	vgt.f32 v49, v12;
	[tilespmem:s5+$0xFFFFFFB0] =	vst v30;
	vm2 =	vgt.f32 v30, v11  }
0x1b0: {  	v13 =	vsel vm0, v29, v13;
	v12 =	vsel vm1, v49, v12;
	v11 =	vsel vm2, v30, v11;
	[tilespmem:s5+$0x30] =	vst v15;
	s5 =	smov.u32 s7  }
0x1b1: {  	vm3 =	vgt.f32 v23, v13;
	vm4 =	vgt.f32 v38, v12;
	v9 =	vmovc v44;
	vm5 =	vgt.f32 v16, v11  }
0x1b2: {  	v13 =	vsel vm3, v23, v13;
	v12 =	vsel vm4, v38, v12;
	v11 =	vsel vm5, v16, v11  }
0x1b3: {  	vm6 =	vgt.f32 v22, v13;
	vm7 =	vgt.f32 v17, v12;
	vm8 =	vgt.f32 v15, v11  }
0x1b4: {  	v13 =	vsel vm6, v22, v13;
	v12 =	vsel vm7, v17, v12;
	v11 =	vsel vm8, v15, v11  }
0x1b5: {  	vm9 =	vgt.f32 v18, v13;
	vm10 =	vgt.f32 v35, v12;
	v17 =	vld [tilespmem:s7+$0x60];
	vm11 =	vgt.f32 v32, v11  }
0x1b6: {  	v13 =	vsel vm9, v18, v13;
	v12 =	vsel vm10, v35, v12;
	v22 =	vld [tilespmem:s7+$0x50];
	v11 =	vsel vm11, v32, v11  }
0x1b7: {  	v7 =	vsel vm0, v41, v7;
	v5 =	vsel vm1, v43, v5;
	v6 =	vsel vm2, v57, v6;
	v27 =	vld [tilespmem:s7+$0x10]  }
0x1b8: {  	v7 =	vsel vm3, v28, v7;
	v5 =	vsel vm4, v33, v5;
	v6 =	vsel vm5, v34, v6;
	v15 =	vld [tilespmem:s7+$0xFFFFFFC0]  }
0x1b9: {  	v7 =	vsel vm6, v24, v7;
	v5 =	vsel vm7, v25, v5;
	v6 =	vsel vm8, v26, v6;
	v23 =	vld [tilespmem:s7+$0xFFFFFFD0]  }
0x1ba: {  	v7 =	vsel vm9, v19, v7;
	v5 =	vsel vm10, v20, v5;
	v6 =	vsel vm11, v21, v6;
	v16 =	vld [tilespmem:s7+$0xFFFFFF80];
	[tilespmem:s7+$0x40] =	vst v9  }
0x1bb: {  	v18 =	vadd.f32 v39, v37;
	[tilespmem:s7+$0x0] =	vst v8;
	v30 =	vld [tilespmem:s24+$0x50]  }
0x1bc: {  	v24 =	vmul.f32 v31, v31;
	v21 =	vadd.f32 v42, v40;
	v19 =	vld [tilespmem:s24+$0x10]  }
0x1bd: {  	v15 =	vmin.f32 v15, v18;
	v20 =	vld [tilespmem:s23+$0x50]  }
0x1be: {  	v18 =	vadd.f32 v24, v21;
	[tilespmem:s7+$0xFFFFFFC0] =	vst v15;
	v21 =	vld [tilespmem:s4+$0x50]  }
.Ltmp6:
0x1bf: {  	v25 =	vld [tilespmem:s24+$0xFFFFFFD0];
	(pc) =	sbr.rel @p1 .LBB2_10-.Ltmp6, $4  }
0x1c0: {  	v16 =	vmin.f32 v16, v18;
	v24 =	vld [tilespmem:s23+$0x10]  }
0x1c1: {  	[tilespmem:s7+$0xFFFFFF80] =	vst v16;
	v26 =	vld [tilespmem:s4+$0x10]  }
0x1c2: {  	v28 =	vld [tilespmem:s24+$0xFFFFFF90]  }
0x1c3: {  	s25 =	sadd.s32 $0x100, s25;
	v18 =	vsub.f32 v30, v4;
	v29 =	vld [tilespmem:s23+$0xFFFFFFD0]  }
0x1c4: {  	v20 =	vsub.f32 v20, v3;
	v21 =	vsub.f32 v21, v2  }
0x1c5: {  	v30 =	vld [tilespmem:s4+$0xFFFFFFD0]  }
0x1c6: {  	v19 =	vsub.f32 v19, v4;
	v31 =	vld [tilespmem:s23+$0xFFFFFF90];
	v20 =	vmul.f32 v20, v20;
	v21 =	vmul.f32 v21, v21  }
0x1c7: {  	v24 =	vsub.f32 v24, v3;
	v26 =	vsub.f32 v26, v2  }
0x1c8: {  	v25 =	vsub.f32 v25, v4;
	v32 =	vld [tilespmem:s4+$0xFFFFFF90];
	v18 =	vmul.f32 v18, v18;
	v20 =	vadd.f32 v21, v20  }
0x1c9: {  	v24 =	vmul.f32 v24, v24;
	v29 =	vsub.f32 v29, v3;
	v26 =	vmul.f32 v26, v26  }
0x1ca: {  	v30 =	vsub.f32 v30, v2;
	v18 =	vadd.f32 v18, v20  }
0x1cb: {  	v19 =	vmul.f32 v19, v19;
	v52 =	vsub.f32 v31, v3;
	v24 =	vadd.f32 v26, v24  }
0x1cc: {  	v53 =	vmul.f32 v29, v29;
	v54 =	vmul.f32 v30, v30;
	v18 =	vmin.f32 v22, v18  }
0x1cd: {  	v57 =	vld [tilespmem:s7+$0xFFFFFF90];
	v55 =	vsub.f32 v32, v2;
	v19 =	vadd.f32 v19, v24;
	[tilespmem:s7+$0x50] =	vst v18  }
0x1ce: {  	v25 =	vmul.f32 v25, v25;
	v28 =	vsub.f32 v28, v4;
	v56 =	vadd.f32 v54, v53;
	v58 =	vld [tilespmem:s11+$0x60]  }
0x1cf: {  	v21 =	vmul.f32 v52, v52;
	v20 =	vmul.f32 v55, v55;
	v19 =	vmin.f32 v27, v19;
	v61 =	vld [tilespmem:s16+$0x60]  }
0x1d0: {  	v62 =	vld [tilespmem:s15+$0x60];
	v24 =	vadd.f32 v25, v56;
	[tilespmem:s7+$0x10] =	vst v19  }
0x1d1: {  	v59 =	vmul.f32 v28, v28;
	v20 =	vadd.f32 v20, v21;
	v60 =	vld [tilespmem:s11+$0x20]  }
0x1d2: {  	v36 =	vld [tilespmem:s16+$0x20];
	v23 =	vmin.f32 v23, v24  }
0x1d3: {  	v20 =	vadd.f32 v59, v20;
	v37 =	vld [tilespmem:s15+$0x20];
	[tilespmem:s7+$0xFFFFFFD0] =	vst v23  }
0x1d4: {  	v63 =	vld [tilespmem:s11+$0xFFFFFFE0]  }
0x1d5: {  	v20 =	vmin.f32 v57, v20;
	v39 =	vld [tilespmem:s16+$0xFFFFFFE0]  }
0x1d6: {  	[tilespmem:s7+$0xFFFFFF90] =	vst v20;
	v40 =	vld [tilespmem:s15+$0xFFFFFFE0];
	v24 =	vsub.f32 v61, v3;
	v21 =	vsub.f32 v62, v2  }
0x1d7: {  	v25 =	vsub.f32 v58, v4;
	v41 =	vld [tilespmem:s16+$0xFFFFFFA0]  }
0x1d8: {  	v33 =	vld [tilespmem:s15+$0xFFFFFFA0];
	v22 =	vsub.f32 v36, v3;
	v24 =	vmul.f32 v24, v24;
	v21 =	vmul.f32 v21, v21  }
0x1d9: {  	v26 =	vsub.f32 v60, v4;
	v28 =	vsub.f32 v37, v2;
	v42 =	vmul.f32 v25, v25  }
0x1da: {  	v38 =	vld [tilespmem:s11+$0xFFFFFFA0];
	v22 =	vmul.f32 v22, v22;
	v21 =	vadd.f32 v21, v24;
	v27 =	vsub.f32 v63, v4  }
0x1db: {  	v28 =	vmul.f32 v28, v28;
	v30 =	vsub.f32 v39, v3;
	v31 =	vsub.f32 v40, v2  }
0x1dc: {  	v34 =	vld [tilespmem:s7+$0x20];
	v43 =	vsub.f32 v41, v3;
	v21 =	vadd.f32 v42, v21  }
0x1dd: {  	v26 =	vmul.f32 v26, v26;
	v47 =	vsub.f32 v33, v2;
	v22 =	vadd.f32 v28, v22  }
0x1de: {  	v46 =	vld [tilespmem:s7+$0xFFFFFFE0];
	v44 =	vmul.f32 v30, v30;
	v45 =	vmul.f32 v31, v31;
	v17 =	vmin.f32 v17, v21  }
0x1df: {  	v49 =	vld [tilespmem:s7+$0xFFFFFFA0];
	v29 =	vsub.f32 v38, v4;
	v27 =	vmul.f32 v27, v27;
	v22 =	vadd.f32 v26, v22;
	[tilespmem:s7+$0x60] =	vst v17  }
0x1e0: {  	v25 =	vmul.f32 v43, v43;
	v50 =	vmul.f32 v47, v47;
	v48 =	vadd.f32 v45, v44;
	v51 =	vld [tilespmem:s11+$0x70]  }
0x1e1: {  	v22 =	vmin.f32 v34, v22;
	v54 =	vld [tilespmem:s16+$0x70]  }
0x1e2: {  	v52 =	vmul.f32 v29, v29;
	v25 =	vadd.f32 v50, v25;
	v55 =	vld [tilespmem:s15+$0x70];
	v26 =	vadd.f32 v27, v48;
	[tilespmem:s7+$0x20] =	vst v22  }
0x1e3: {  	v53 =	vld [tilespmem:s11+$0x30]  }
0x1e4: {  	v25 =	vadd.f32 v52, v25;
	v57 =	vld [tilespmem:s16+$0x30];
	v24 =	vmin.f32 v46, v26  }
0x1e5: {  	vm12 =	vgt.f32 v16, v14;
	v58 =	vld [tilespmem:s15+$0x30];
	[tilespmem:s7+$0xFFFFFFE0] =	vst v24  }
0x1e6: {  	v14 =	vsel vm12, v16, v14;
	v21 =	vmin.f32 v49, v25;
	v60 =	vld [tilespmem:s16+$0xFFFFFFF0]  }
0x1e7: {  	vm13 =	vgt.f32 v15, v14;
	vm3 =	vgt.f32 v20, v13;
	[tilespmem:s7+$0xFFFFFFA0] =	vst v21;
	v61 =	vld [tilespmem:s15+$0xFFFFFFF0]  }
0x1e8: {  	v14 =	vsel vm13, v15, v14;
	v45 =	vsel vm3, v20, v13;
	v35 =	vld [tilespmem:s16+$0xFFFFFFB0]  }
0x1e9: {  	vm14 =	vgt.f32 v8, v14;
	vm6 =	vgt.f32 v23, v45;
	v36 =	vld [tilespmem:s15+$0xFFFFFFB0]  }
0x1ea: {  	vm4 =	vgt.f32 v21, v12;
	v56 =	vld [tilespmem:s11+$0xFFFFFFF0];
	v27 =	vsub.f32 v51, v4;
	v26 =	vsub.f32 v54, v3  }
0x1eb: {  	v59 =	vld [tilespmem:s11+$0xFFFFFFB0];
	v28 =	vsub.f32 v55, v2;
	v12 =	vsel vm4, v21, v12;
	v29 =	vsub.f32 v53, v4  }
0x1ec: {  	vm7 =	vgt.f32 v24, v12;
	v25 =	vsub.f32 v57, v3;
	v31 =	vsub.f32 v58, v2  }
0x1ed: {  	v27 =	vmul.f32 v27, v27;
	v62 =	vsub.f32 v60, v3;
	v63 =	vsub.f32 v61, v2  }
0x1ee: {  	v26 =	vmul.f32 v26, v26;
	v3 =	vsub.f32 v35, v3;
	v2 =	vsub.f32 v36, v2  }
0x1ef: {  	v28 =	vmul.f32 v28, v28;
	v25 =	vmul.f32 v25, v25;
	v30 =	vsub.f32 v56, v4  }
0x1f0: {  	v4 =	vsub.f32 v59, v4;
	v3 =	vmul.f32 v3, v3;
	v2 =	vmul.f32 v2, v2  }
0x1f1: {  	v40 =	vld [tilespmem:s5+$0xFFFFFFB0];
	v12 =	vsel vm7, v24, v12;
	v32 =	vmul.f32 v62, v62;
	v33 =	vmul.f32 v63, v63  }
0x1f2: {  	v38 =	vld [tilespmem:s5+$0xFFFFFFF0];
	v31 =	vmul.f32 v31, v31;
	v4 =	vmul.f32 v4, v4;
	v2 =	vadd.f32 v2, v3  }
0x1f3: {  	vm8 =	vgt.f32 v22, v12;
	v30 =	vmul.f32 v30, v30;
	v39 =	vadd.f32 v33, v32  }
0x1f4: {  	v29 =	vmul.f32 v29, v29;
	v25 =	vadd.f32 v31, v25;
	v2 =	vadd.f32 v4, v2  }
0x1f5: {  	v37 =	vld [tilespmem:s5+$0x30];
	v26 =	vadd.f32 v28, v26;
	v12 =	vsel vm8, v22, v12;
	v42 =	vadd.f32 v30, v39  }
0x1f6: {  	v41 =	vadd.f32 v29, v25;
	v4 =	vsel vm14, v8, v14;
	v2 =	vmin.f32 v40, v2  }
0x1f7: {  	v36 =	vld [tilespmem:s5+$0x70];
	vm15 =	vgt.f32 v9, v4;
	v43 =	vmin.f32 v38, v42;
	vm5 =	vgt.f32 v2, v11  }
0x1f8: {  	v4 =	vsel vm15, v9, v4;
	v9 =	vsel vm6, v23, v45;
	v11 =	vsel vm5, v2, v11  }
0x1f9: {  	v3 =	vadd.f32 v27, v26;
	vm9 =	vgt.f32 v19, v9;
	vm0 =	vgt.f32 v43, v11  }
0x1fa: {  	v44 =	vmin.f32 v37, v41;
	v9 =	vsel vm9, v19, v9;
	v11 =	vsel vm0, v43, v11  }
0x1fb: {  	vm10 =	vgt.f32 v17, v12;
	vm11 =	vgt.f32 v18, v9;
	vm1 =	vgt.f32 v44, v11  }
0x1fc: {  	v3 =	vmin.f32 v36, v3;
	v9 =	vsel vm11, v18, v9;
	v11 =	vsel vm1, v44, v11  }
0x1fd: {  	v12 =	vsel vm10, v17, v12;
	v46 =	vmax.f32 v4, v9;
	vm2 =	vgt.f32 v3, v11  }
0x1fe: {  	v13 =	vmax.f32 v46, v12;
	v11 =	vsel vm2, v3, v11  }
0x1ff: {  	s2 =	sadd.s32 $0x40, s6;
	v47 =	vor.u32 s6, v1;
	v13 =	vmax.f32 v13, v11  }
0x200: {  	s3 =	sadd.s32 $0x80, s6;
	s17 =	sadd.s32 $0xC0, s6;
	v10 =	vsel vm12, v47, v10;
	v48 =	vor.u32 s2, v1;
	(xrf0) =	vmax.scan.msk.f32 $0xffff, v13  }
0x201: {  	s23 =	sadd.s32 $0xD0, s6;
	s24 =	sadd.s32 $0xE0, s6;
	v50 =	vor.u32 s17, v1;
	v10 =	vsel vm13, v48, v10;
	v49 =	vor.u32 s3, v1  }
0x202: {  	s25 =	sadd.s32 $0xF0, s6;
	s30 =	sadd.s32 $0x90, s6;
	v52 =	vor.u32 s24, v1;
	v10 =	vsel vm14, v49, v10;
	s7 =	sadd.s32 $0xA0, s6;
	v51 =	vor.u32 s23, v1  }
0x203: {  	v54 =	vor.u32 s30, v1;
	s11 =	sadd.s32 $0xB0, s6;
	s15 =	sadd.s32 $0x50, s6;
	v55 =	vor.u32 s7, v1;
	s16 =	sadd.s32 $0x60, s6;
	v53 =	vor.u32 s25, v1  }
0x204: {  	s17 =	sadd.s32 $0x70, s6;
	s24 =	sadd.s32 $0x20, s6;
	s23 =	sadd.s32 $0x10, s6;
	v57 =	vor.u32 s15, v1;
	v58 =	vor.u32 s16, v1;
	v56 =	vor.u32 s11, v1  }
0x205: {  	s25 =	sadd.s32 $0x30, s6;
	v59 =	vor.u32 s17, v1;
	v60 =	vor.u32 s23, v1;
	v61 =	vor.u32 s24, v1  }
0x206: {  	v7 =	vsel vm3, v60, v7;
	v5 =	vsel vm4, v61, v5;
	v62 =	vor.u32 s25, v1;
	v63, _, _ =	vpop (xrf0)  }
0x207: {  	v5 =	vsel vm7, v58, v5;
	v10 =	vsel vm15, v50, v10;
	v23 =	vbroadcast v63, $0xF  }
0x208: {  	v7 =	vsel vm6, v57, v7;
	v5 =	vsel vm8, v55, v5;
	vm15 =	vlt.s32 v10, $0x4000  }
0x209: {  	v7 =	vsel vm9, v54, v7;
	vm9 =	veq.f32 v4, v23;
	v4 =	vnsel vm15, $0x4000, v10  }
0x20a: {  	v6 =	vsel vm5, v62, v6;
	v7 =	vsel vm11, v51, v7;
	v4 =	vnsel vm9, $0x4000, v4  }
0x20b: {  	v5 =	vsel vm10, v52, v5;
	v6 =	vsel vm0, v59, v6;
	vm12 =	vlt.s32 v4, v7  }
0x20c: {  	vm13 =	veq.f32 v9, v23;
	vm14 =	veq.f32 v12, v23;
	v7 =	vsel vm12, v4, v7  }
0x20d: {  	v6 =	vsel vm1, v56, v6;
	v5 =	vnsel vm14, $0x4000, v5;
	v4 =	vsel vm13, v7, v4  }
0x20e: {  	v6 =	vsel vm2, v53, v6;
	vm15 =	veq.f32 v11, v23;
	vm0 =	vlt.s32 v4, v5  }
0x20f: {  	v4 =	vsel vm0, v4, v5;
	v5 =	vnsel vm15, $0x4000, v6  }
0x210: {  	vm0 =	vlt.s32 v4, v5  }
0x211: {  	v4 =	vsel vm0, v4, v5  }
0x212: {  	v4 =	vxor.u32 $0x80000000, v4  }
0x213: {  	(xrf0) =	vmin.scan.msk.u32 $0xffff, v4;
	_ =	sdelay $0x5  }
0x214: {  	v4, _, _ =	vpop (xrf0)  }
0x215: {  	(v2sf) =	vpush v4, $0xF;
	_ =	sdelay $0xa  }
0x216: {  	s10 =	sadd.s32 $0x1, s10  }
0x217: {  	p1 =	sne.s32 s10, $0x100  }
.Ltmp7:
0x218: {  	_ = 	snop;
	(pc) =	sbr.rel @p1 .LBB2_9-.Ltmp7, $4  }
0x219: {  	[tilespmem:s5+$0x30] =	vst v44  }
0x21a: {  	[tilespmem:s5+$0x70] =	vst v3;
	s30 =	spop (v2sf)  }
0x21b: {  	[tilespmem:s5+$0xFFFFFFF0] =	vst v43;
	s2 =	sxor.u32 $0x80000000, s30  }
0x21c: {  	[tilespmem:s5+$0xFFFFFFB0] =	vst v2;
	v4 =	vmov s2  }
0x21d: {  	[tilespmem:$0xC040] =	vst v0  }
0x21e: {  	[tilespmem:$0xC050] =	vst v0  }
0x21f: {  	[tilespmem:$0xC060] =	vst v0  }
0x220: {  	[tilespmem:$0xC070] =	vst v0  }
0x221: {  	[tilespmem:$0xC080] =	vst v0  }
0x222: {  	[tilespmem:$0xC090] =	vst v0  }
0x223: {  	[tilespmem:$0xC0A0] =	vst v0  }
0x224: {  	[tilespmem:$0xC0B0] =	vst v0  }
0x225: {  	[tilespmem:$0xC0C0] =	vst v0  }
0x226: {  	[tilespmem:$0xC0D0] =	vst v0  }
0x227: {  	[tilespmem:$0xC0E0] =	vst v0  }
0x228: {  	[tilespmem:$0xC0F0] =	vst v0  }
0x229: {  	[tilespmem:$0xC100] =	vst v0  }
0x22a: {  	[tilespmem:$0xC110] =	vst v0  }
0x22b: {  	[tilespmem:$0xC120] =	vst v0  }
0x22c: {  	[tilespmem:$0xC130] =	vst v0;
	s4 =	simm.s32 $0x0;
	v5 =	vimm.s32 $0x0  }
.LBB2_13:
0x22d: {  	v2 =	vadd.s32 $0x400, v5;
	_ =	sdelay $0x3  }
0x22e: {  	s2 =	sadd.s32 $0x500, s4  }
0x22f: {  	v6 =	vmov s2;
	v7 =	vld.idx.msk [tilespmem:v2+s26+$0x0], $0xffff  }
0x230: {  	v3 =	vld.idx.msk [tilespmem:v5+s22+$0x0], $0xffff;
	v8 =	vmov s4  }
0x231: {  	v4 =	vld.idx.msk [tilespmem:v5+s28+$0x0], $0xffff  }
0x232: {  	v2 =	vld.idx.msk [tilespmem:v5+s29+$0x0], $0xffff;
	_ =	sdelay $0x1  }
0x233: {  	[tilespmem:v6+s26+$0x0] =	vst.idx.msk $0x1, v7  }
0x234: {  	[tilespmem:v8+s31+$0x0] =	vst.idx.msk $0x1, v3  }
0x235: {  	[tilespmem:v8+s0+$0x0] =	vst.idx.msk $0x1, v4  }
0x236: {  	[tilespmem:v8+s1+$0x0] =	vst.idx.msk $0x1, v2  }
0x237: {  	v5 =	vld [tilespmem:$0xED40]  }
0x238: {  	v6 =	vld [tilespmem:$0xEE40]  }
0x239: {  	v7 =	vld [tilespmem:$0xEF40]  }
0x23a: {  	v8 =	vld [tilespmem:$0xC040]  }
0x23b: {  	v9 =	vld [tilespmem:$0xED50]  }
0x23c: {  	v10 =	vld [tilespmem:$0xEE50]  }
0x23d: {  	v11 =	vld [tilespmem:$0xEF50]  }
0x23e: {  	v12 =	vld [tilespmem:$0xC050]  }
0x23f: {  	v13 =	vld [tilespmem:$0xED60]  }
0x240: {  	v14 =	vld [tilespmem:$0xEE60]  }
0x241: {  	v15 =	vld [tilespmem:$0xEF60]  }
0x242: {  	v17 =	vld [tilespmem:$0xED70]  }
0x243: {  	v18 =	vld [tilespmem:$0xEF70]  }
0x244: {  	v35 =	vld [tilespmem:$0xED80]  }
0x245: {  	v38 =	vld [tilespmem:$0xEE80]  }
0x246: {  	v20 =	vld [tilespmem:$0xED90];
	v5 =	vsub.f32 v5, v3;
	v6 =	vsub.f32 v6, v4  }
0x247: {  	v44 =	vld [tilespmem:$0xEF90];
	v7 =	vsub.f32 v7, v2;
	v9 =	vsub.f32 v9, v3  }
0x248: {  	v24 =	vld [tilespmem:$0xEDA0];
	v10 =	vsub.f32 v10, v4;
	v11 =	vsub.f32 v11, v2  }
0x249: {  	v48 =	vld [tilespmem:$0xEEA0];
	v36 =	vsub.f32 v13, v3;
	v37 =	vsub.f32 v14, v4  }
0x24a: {  	v50 =	vld [tilespmem:$0xEFA0];
	v40 =	vsub.f32 v15, v2;
	v43 =	vsub.f32 v17, v3  }
0x24b: {  	v26 =	vld [tilespmem:$0xEDB0];
	v18 =	vsub.f32 v18, v2;
	v46 =	vsub.f32 v35, v3  }
0x24c: {  	v27 =	vld [tilespmem:$0xEFB0];
	v47 =	vsub.f32 v38, v4;
	v20 =	vsub.f32 v20, v3  }
0x24d: {  	v28 =	vld [tilespmem:$0xEFD0];
	v17 =	vsub.f32 v44, v2;
	v54 =	vsub.f32 v24, v3;
	v5 =	vmul.f32 v5, v5  }
0x24e: {  	v58 =	vld [tilespmem:$0xEEC0];
	v14 =	vsub.f32 v48, v4;
	v6 =	vmul.f32 v6, v6;
	v9 =	vmul.f32 v9, v9  }
0x24f: {  	v16 =	vld [tilespmem:$0xC060];
	v62 =	vsub.f32 v50, v2;
	v10 =	vmul.f32 v10, v10;
	v34 =	vmul.f32 v11, v11  }
0x250: {  	v33 =	vsub.f32 v26, v3;
	v35 =	vld [tilespmem:$0xEED0];
	v11 =	vmul.f32 v36, v36;
	v13 =	vmul.f32 v37, v37  }
0x251: {  	v39 =	vld [tilespmem:$0xEF80];
	v27 =	vsub.f32 v27, v2;
	v49 =	vmul.f32 v18, v18;
	v20 =	vmul.f32 v20, v20  }
0x252: {  	v32 =	vld [tilespmem:$0xEF20];
	v28 =	vsub.f32 v28, v2;
	v57 =	vmul.f32 v17, v17;
	v14 =	vmul.f32 v14, v14  }
0x253: {  	v42 =	vld [tilespmem:$0xEE90];
	v15 =	vmul.f32 v62, v62;
	v17 =	vsub.f32 v58, v4;
	v27 =	vmul.f32 v27, v27  }
0x254: {  	v5 =	vadd.f32 v6, v5;
	v6 =	vmul.f32 v7, v7;
	v7 =	vld [tilespmem:$0xEE70];
	v11 =	vadd.f32 v13, v11  }
0x255: {  	v53 =	vld [tilespmem:$0xEEB0];
	v13 =	vmul.f32 v43, v43;
	v17 =	vmul.f32 v17, v17;
	v26 =	vsub.f32 v35, v4  }
0x256: {  	v61 =	vld [tilespmem:$0xEFC0];
	v5 =	vadd.f32 v6, v5;
	v6 =	vadd.f32 v10, v9;
	v9 =	vmul.f32 v40, v40  }
0x257: {  	v29 =	vld [tilespmem:$0xEDE0];
	v35 =	vsub.f32 v32, v4;
	v10 =	vmul.f32 v47, v47;
	v26 =	vmul.f32 v26, v26  }
0x258: {  	v40 =	vld [tilespmem:$0xEDF0];
	v5 =	vmin.f32 v8, v5;
	v6 =	vadd.f32 v34, v6;
	v9 =	vadd.f32 v9, v11  }
0x259: {  	v8 =	vsub.f32 v39, v2;
	v34 =	vld [tilespmem:$0xEDD0];
	vm0 =	vgt.f32 v5, $-1.000000000e+00;
	v7 =	vsub.f32 v7, v4  }
0x25a: {  	v11 =	vmul.f32 v33, v33;
	v39 =	vld [tilespmem:$0xEFE0];
	v6 =	vmin.f32 v12, v6;
	v21 =	vnsel vm0, $0xBF800000, v5  }
0x25b: {  	v58 =	vld [tilespmem:$0xEE20];
	v12 =	vsub.f32 v42, v4;
	v52 =	vmul.f32 v8, v8;
	v23 =	vmul.f32 v7, v7  }
0x25c: {  	v43 =	vld [tilespmem:$0xEFF0];
	v42 =	vsub.f32 v29, v3;
	v7 =	vmin.f32 v16, v9;
	v9 =	vmul.f32 v46, v46  }
0x25d: {  	v19 =	vld [tilespmem:$0xC070];
	vm1 =	vgt.f32 v6, $-1.000000000e+00;
	v16 =	vsub.f32 v53, v4;
	v13 =	vadd.f32 v23, v13  }
0x25e: {  	v37 =	vld [tilespmem:$0xEEE0];
	v12 =	vmul.f32 v12, v12;
	v9 =	vadd.f32 v10, v9;
	v18 =	vsub.f32 v34, v3  }
0x25f: {  	v41 =	vld [tilespmem:$0xC080];
	v22 =	vnsel vm1, $0xBF800000, v6;
	v30 =	vsub.f32 v39, v2;
	v23 =	vsub.f32 v40, v3  }
0x260: {  	v31 =	vld [tilespmem:$0xEF00];
	vm2 =	vgt.f32 v7, $-1.000000000e+00;
	v34 =	vsub.f32 v58, v3;
	v56 =	vadd.f32 v12, v20  }
0x261: {  	v45 =	vld [tilespmem:$0xC090];
	v16 =	vmul.f32 v16, v16;
	v12 =	vsub.f32 v61, v2;
	v20 =	vsub.f32 v43, v2  }
0x262: {  	v55 =	vld [tilespmem:$0xEDC0];
	v25 =	vnsel vm2, $0xBF800000, v7;
	v13 =	vadd.f32 v49, v13;
	v9 =	vadd.f32 v52, v9  }
0x263: {  	v44 =	vld [tilespmem:$0xEE00];
	v36 =	vadd.f32 v16, v11;
	v16 =	vsub.f32 v37, v4;
	v18 =	vmul.f32 v18, v18  }
0x264: {  	v46 =	vld [tilespmem:$0xF000];
	v48 =	vmul.f32 v30, v30;
	v23 =	vmul.f32 v23, v23;
	v10 =	vadd.f32 v57, v56  }
0x265: {  	v12 =	vmul.f32 v12, v12;
	v56 =	vsub.f32 v31, v4;
	v20 =	vmul.f32 v20, v20  }
0x266: {  	v8 =	vmin.f32 v19, v13;
	v13 =	vmul.f32 v54, v54;
	v9 =	vmin.f32 v41, v9  }
0x267: {  	v51 =	vld [tilespmem:$0xC0A0];
	v19 =	vsub.f32 v55, v3;
	v16 =	vmul.f32 v16, v16;
	v18 =	vadd.f32 v26, v18  }
0x268: {  	v38 =	vld [tilespmem:$0xC0D0];
	v55 =	vsub.f32 v44, v3;
	vm3 =	vgt.f32 v8, $-1.000000000e+00;
	vm4 =	vgt.f32 v9, v21  }
0x269: {  	v57 =	vld [tilespmem:$0xF010];
	v10 =	vmin.f32 v45, v10;
	v45 =	vmul.f32 v28, v28;
	v28 =	vsub.f32 v46, v2  }
0x26a: {  	v41 =	vld [tilespmem:$0xEEF0];
	v29 =	vmul.f32 v56, v56;
	v60 =	vnsel vm3, $0xBF800000, v8;
	v13 =	vadd.f32 v14, v13  }
0x26b: {  	v59 =	vld [tilespmem:$0xC0B0];
	v19 =	vmul.f32 v19, v19;
	vm5 =	vgt.f32 v10, v22;
	v21 =	vsel vm4, v9, v21  }
0x26c: {  	v22 =	vsel vm5, v10, v22;
	v18 =	vadd.f32 v45, v18;
	v13 =	vadd.f32 v15, v13  }
0x26d: {  	v63 =	vld [tilespmem:$0xC0C0];
	v17 =	vadd.f32 v17, v19;
	v15 =	vadd.f32 v27, v36;
	v27 =	vmul.f32 v55, v55  }
0x26e: {  	v62 =	vld [tilespmem:$0xF020];
	v33 =	vsub.f32 v57, v2;
	v19 =	vmul.f32 v34, v34;
	v14 =	vmin.f32 v38, v18  }
0x26f: {  	v49 =	vld [tilespmem:$0xEE10];
	v53 =	vsub.f32 v41, v4;
	v11 =	vmin.f32 v51, v13;
	v17 =	vadd.f32 v12, v17  }
0x270: {  	v61 =	vld [tilespmem:$0xEF30];
	v12 =	vmin.f32 v59, v15;
	v15 =	vmul.f32 v42, v42;
	v59 =	vmul.f32 v28, v28  }
0x271: {  	v51 =	vld [tilespmem:$0xEF10];
	v27 =	vadd.f32 v29, v27;
	vm9 =	vgt.f32 v14, v22;
	v26 =	vmul.f32 v33, v33  }
0x272: {  	v52 =	vld [tilespmem:$0xC0E0];
	vm6 =	vgt.f32 v11, v25;
	vm7 =	vgt.f32 v12, v60;
	v18 =	vmul.f32 v53, v53  }
0x273: {  	v36 =	vld [tilespmem:$0xC100];
	v22 =	vsel vm9, v14, v22;
	v25 =	vsel vm6, v11, v25;
	v13 =	vmin.f32 v63, v17  }
0x274: {  	v47 =	vadd.f32 v16, v15;
	v50 =	vsel vm7, v12, v60;
	v16 =	vsub.f32 v49, v3;
	v60 =	vld [tilespmem:$0xEE30]  }
0x275: {  	v63 =	vld [tilespmem:$0xF030];
	vm8 =	vgt.f32 v13, v21;
	v18 =	vadd.f32 v18, v23;
	v23 =	vadd.f32 v59, v27  }
0x276: {  	v27 =	vmul.f32 v35, v35;
	v15 =	vadd.f32 v48, v47;
	v24 =	vsub.f32 v51, v4  }
0x277: {  	v54 =	vld [tilespmem:$0xC0F0];
	v21 =	vsel vm8, v13, v21;
	v18 =	vadd.f32 v20, v18;
	v4 =	vsub.f32 v61, v4  }
0x278: {  	v16 =	vmul.f32 v16, v16;
	v20 =	vsub.f32 v62, v2;
	v19 =	vadd.f32 v27, v19  }
0x279: {  	v40 =	vmin.f32 v36, v23;
	v24 =	vmul.f32 v24, v24;
	v3 =	vsub.f32 v60, v3  }
0x27a: {  	v37 =	vld [tilespmem:$0xC110];
	v15 =	vmin.f32 v52, v15;
	vm12 =	vgt.f32 v40, v21;
	v2 =	vsub.f32 v63, v2  }
0x27b: {  	v38 =	vld [tilespmem:$0xC120];
	v4 =	vmul.f32 v4, v4;
	v16 =	vadd.f32 v24, v16;
	v3 =	vmul.f32 v3, v3  }
0x27c: {  	v39 =	vld [tilespmem:$0xC130];
	vm10 =	vgt.f32 v15, v25;
	v18 =	vmin.f32 v54, v18;
	v20 =	vmul.f32 v20, v20  }
0x27d: {  	v2 =	vmul.f32 v2, v2;
	v16 =	vadd.f32 v26, v16;
	v3 =	vadd.f32 v4, v3  }
0x27e: {  	v41 =	vsel vm12, v40, v21;
	v25 =	vsel vm10, v15, v25;
	v19 =	vadd.f32 v20, v19  }
0x27f: {  	vm11 =	vgt.f32 v18, v50;
	v16 =	vmin.f32 v37, v16;
	v2 =	vadd.f32 v2, v3  }
0x280: {  	v4 =	vsel vm11, v18, v50;
	v19 =	vmin.f32 v38, v19;
	vm14 =	vgt.f32 v16, v22  }
0x281: {  	vm13 =	vgt.f32 v19, v25;
	v42 =	vsel vm14, v16, v22;
	v43 =	vmin.f32 v39, v2  }
0x282: {  	v44 =	vsel vm13, v19, v25;
	vm15 =	vgt.f32 v43, v4;
	v2 =	vmax.f32 v41, v42  }
0x283: {  	v24 =	vsel vm15, v43, v4;
	v2 =	vmax.f32 v2, v44  }
0x284: {  	v56 =	vor.u32 $0xA0, v1;
	v3 =	vmax.f32 v2, v24  }
0x285: {  	v45 =	vnsel vm0, $0x0, v1;
	v55 =	vor.u32 $0x90, v1;
	v57 =	vor.u32 $0xB0, v1;
	(xrf0) =	vmax.scan.msk.f32 $0xffff, v3  }
0x286: {  	v59 =	vor.u32 $0xC0, v1;
	v48 =	vor.u32 $0x40, v1;
	v51 =	vor.u32 $0x60, v1  }
0x287: {  	v61 =	vor.u32 $0xE0, v1;
	v62 =	vor.u32 $0xF0, v1;
	v52 =	vor.u32 $0x70, v1  }
0x288: {  	v54 =	vor.u32 $0x80, v1;
	v60 =	vor.u32 $0xD0, v1;
	v25 =	vsel vm4, v48, v45  }
0x289: {  	v50 =	vor.u32 $0x50, v1;
	v25 =	vsel vm8, v54, v25;
	v4 =	vor.u32 $0x10, v1  }
0x28a: {  	v25 =	vsel vm12, v59, v25;
	v46 =	vnsel vm1, $0x0, v4;
	v2 =	vor.u32 $0x20, v1  }
0x28b: {  	v47 =	vnsel vm2, $0x0, v2;
	v3 =	vor.u32 $0x30, v1;
	v26 =	vsel vm5, v50, v46;
	v58, _, _ =	vpop (xrf0)  }
0x28c: {  	v49 =	vnsel vm3, $0x0, v3;
	v27 =	vsel vm6, v51, v47;
	v30 =	vbroadcast v58, $0xF  }
0x28d: {  	v26 =	vsel vm9, v55, v26;
	v53 =	vsel vm7, v52, v49;
	v27 =	vsel vm10, v56, v27  }
0x28e: {  	v26 =	vsel vm14, v60, v26;
	v28 =	vsel vm11, v57, v53;
	vm12 =	veq.f32 v42, v30  }
0x28f: {  	v27 =	vsel vm13, v61, v27;
	v21 =	vsel vm15, v62, v28;
	v26 =	vnsel vm12, $0x4000, v26  }
0x290: {  	vm13 =	veq.f32 v41, v30;
	vm14 =	veq.f32 v44, v30;
	v63 =	vmin.u32 v25, v26  }
0x291: {  	vm15 =	veq.f32 v24, v30;
	v23 =	vnsel vm14, $0x4000, v27;
	v20 =	vsel vm13, v63, v26  }
0x292: {  	v21 =	vnsel vm15, $0x4000, v21;
	v20 =	vmin.u32 v20, v23  }
0x293: {  	v20 =	vmin.u32 v20, v21  }
0x294: {  	v20 =	vxor.u32 $0x80000000, v20  }
0x295: {  	(xrf0) =	vmin.scan.msk.u32 $0xffff, v20;
	_ =	sdelay $0x5  }
0x296: {  	v20, _, _ =	vpop (xrf0)  }
0x297: {  	(v2sf) =	vpush v20, $0xF;
	_ =	sdelay $0x1  }
0x298: {  	[tilespmem:$0xC040] =	vst v5  }
0x299: {  	[tilespmem:$0xC050] =	vst v6  }
0x29a: {  	[tilespmem:$0xC060] =	vst v7  }
0x29b: {  	[tilespmem:$0xC070] =	vst v8  }
0x29c: {  	[tilespmem:$0xC080] =	vst v9  }
0x29d: {  	[tilespmem:$0xC090] =	vst v10  }
0x29e: {  	[tilespmem:$0xC0D0] =	vst v14  }
0x29f: {  	[tilespmem:$0xC0A0] =	vst v11  }
0x2a0: {  	[tilespmem:$0xC0B0] =	vst v12  }
0x2a1: {  	[tilespmem:$0xC0C0] =	vst v13  }
0x2a2: {  	p1 =	sne.s32 s4, $0x3F;
	[tilespmem:$0xC100] =	vst v40  }
.Ltmp8:
0x2a3: {  	[tilespmem:$0xC0E0] =	vst v15;
	(pc) =	sbr.rel @p1 .LBB2_13-.Ltmp8, $4  }
0x2a4: {  	[tilespmem:$0xC0F0] =	vst v18  }
0x2a5: {  	[tilespmem:$0xC120] =	vst v19;
	s30 =	spop (v2sf)  }
0x2a6: {  	[tilespmem:$0xC110] =	vst v16;
	s2 =	sxor.u32 $0x80000000, s30  }
0x2a7: {  	s4 =	sadd.s32 $0x1, s4;
	[tilespmem:$0xC130] =	vst v43;
	v5 =	vmov s2  }
0x2a8: {  	v5 =	vimm.s32 $0x0  }
0x2a9: {  	v6 =	vadd.s32 $0x500, v5  }
0x2aa: {  	[tilespmem:$0xC040] =	vst v0  }
0x2ab: {  	[tilespmem:$0xC050] =	vst v0  }
0x2ac: {  	[tilespmem:$0xC060] =	vst v0  }
0x2ad: {  	[tilespmem:$0xC070] =	vst v0;
	s2 =	simm.s32 $0x540  }
0x2ae: {  	v7 =	vmov s2;
	v6 =	vld.idx.msk [tilespmem:v6+s26+$0x0], $0xffff;
	_ =	sdelay $0x2  }
0x2af: {  	v8 =	vld.idx.msk [tilespmem:v5+s1+$0x0], $0xffff  }
0x2b0: {  	v9 =	vld.idx.msk [tilespmem:v5+s0+$0x0], $0xffff  }
0x2b1: {  	v5 =	vld.idx.msk [tilespmem:v5+s31+$0x0], $0xffff;
	[tilespmem:v7+s26+$0x0] =	vst.idx.msk $0x1, v6  }
0x2b2: {  	v6 =	vld [tilespmem:$0xF160]  }
0x2b3: {  	v7 =	vld [tilespmem:$0xF0E0]  }
0x2b4: {  	v10 =	vld [tilespmem:$0xF060]  }
0x2b5: {  	v11 =	vld [tilespmem:$0xF150]  }
0x2b6: {  	v12 =	vld [tilespmem:$0xF0D0]  }
0x2b7: {  	v13 =	vld [tilespmem:$0xF040]  }
0x2b8: {  	v14 =	vld [tilespmem:$0xF050]  }
0x2b9: {  	v15 =	vld [tilespmem:$0xF0C0]  }
0x2ba: {  	v16 =	vld [tilespmem:$0xF140]  }
0x2bb: {  	v7 =	vsub.f32 v7, v9;
	v6 =	vsub.f32 v6, v8  }
0x2bc: {  	v17 =	vld [tilespmem:$0xF070];
	v10 =	vsub.f32 v10, v5;
	v11 =	vsub.f32 v11, v8  }
0x2bd: {  	v18 =	vld [tilespmem:$0xF0F0];
	v13 =	vsub.f32 v13, v5;
	v12 =	vsub.f32 v12, v9  }
0x2be: {  	v14 =	vsub.f32 v14, v5;
	v7 =	vmul.f32 v7, v7;
	v10 =	vmul.f32 v10, v10  }
0x2bf: {  	v15 =	vsub.f32 v15, v9;
	v16 =	vsub.f32 v16, v8  }
0x2c0: {  	v19 =	vld [tilespmem:$0xF170];
	v6 =	vmul.f32 v6, v6;
	v13 =	vmul.f32 v13, v13;
	v7 =	vadd.f32 v7, v10  }
0x2c1: {  	v20 =	vld [tilespmem:$0xC060];
	v5 =	vsub.f32 v17, v5;
	v12 =	vmul.f32 v12, v12;
	v10 =	vmul.f32 v15, v15  }
0x2c2: {  	v61 =	vld [tilespmem:$0xC050];
	v14 =	vmul.f32 v14, v14;
	v6 =	vadd.f32 v6, v7;
	v7 =	vsub.f32 v18, v9  }
0x2c3: {  	v62 =	vld [tilespmem:$0xC040];
	v11 =	vmul.f32 v11, v11;
	v9 =	vmul.f32 v16, v16;
	v10 =	vadd.f32 v10, v13  }
0x2c4: {  	v5 =	vmul.f32 v5, v5;
	v12 =	vadd.f32 v12, v14;
	v7 =	vmul.f32 v7, v7  }
0x2c5: {  	v8 =	vsub.f32 v19, v8;
	v9 =	vadd.f32 v9, v10  }
0x2c6: {  	v10 =	vadd.f32 v11, v12;
	v11 =	vadd.f32 v7, v5;
	v7 =	vld [tilespmem:$0xC070]  }
0x2c7: {  	v63 =	vmul.f32 v8, v8;
	v6 =	vmin.f32 v20, v6  }
0x2c8: {  	[tilespmem:$0xC060] =	vst v6;
	vm0 =	vgt.f32 v6, $-1.000000000e+00;
	v8 =	vmin.f32 v62, v9;
	v5 =	vmin.f32 v61, v10  }
0x2c9: {  	s2 =	simm.s32 $0x541;
	[tilespmem:$0xC040] =	vst v8;
	vm1 =	vgt.f32 v8, $-1.000000000e+00;
	vm2 =	vgt.f32 v5, $-1.000000000e+00;
	v9 =	vadd.f32 v63, v11  }
.LBB2_15:
0x2ca: {  	p1 =	sne.s32 s2, $0x54F;
	v8 =	vnsel vm1, $0xBF800000, v8;
	[tilespmem:$0xC050] =	vst v5;
	v5 =	vnsel vm2, $0xBF800000, v5;
	s4 =	smov.u32 s2;
	s2 =	sadd.s32 $0x1, s2  }
0x2cb: {  	v6 =	vnsel vm0, $0xBF800000, v6;
	v7 =	vmin.f32 v7, v9;
	v9 =	vmax.f32 v8, v5  }
0x2cc: {  	[tilespmem:$0xC070] =	vst v7;
	vm3 =	vgt.f32 v7, $-1.000000000e+00;
	v9 =	vmax.f32 v9, v6  }
0x2cd: {  	v7 =	vnsel vm3, $0xBF800000, v7  }
0x2ce: {  	v9 =	vmax.f32 v9, v7  }
0x2cf: {  	(xrf0) =	vmax.scan.msk.f32 $0xffff, v9;
	_ =	sdelay $0x5  }
0x2d0: {  	v9, _, _ =	vpop (xrf0)  }
0x2d1: {  	v9 =	vbroadcast v9, $0xF  }
0x2d2: {  	v10 =	vnsel vm2, $0x0, v4  }
0x2d3: {  	vm2 =	veq.f32 v8, v9;
	vm4 =	veq.f32 v5, v9;
	vm5 =	veq.f32 v6, v9  }
0x2d4: {  	v5 =	vnsel vm4, $0x4000, v10;
	vm4 =	veq.f32 v7, v9  }
0x2d5: {  	v6 =	vmin.u32 v5, v1  }
0x2d6: {  	v7 =	vnsel vm0, $0x0, v2;
	v6 =	vnsel vm1, $0x0, v6  }
0x2d7: {  	v8 =	vnsel vm3, $0x0, v3;
	v5 =	vsel vm2, v6, v5;
	v6 =	vnsel vm5, $0x4000, v7  }
0x2d8: {  	v5 =	vmin.u32 v5, v6;
	v6 =	vnsel vm4, $0x4000, v8  }
0x2d9: {  	v5 =	vmin.u32 v5, v6  }
0x2da: {  	v5 =	vor.u32 $0x80000000, v5  }
0x2db: {  	(xrf0) =	vmin.scan.msk.u32 $0xffff, v5;
	_ =	sdelay $0x5  }
0x2dc: {  	v5, _, _ =	vpop (xrf0)  }
0x2dd: {  	(v2sf) =	vpush v5, $0xF;
	_ =	sdelay $0xe  }
0x2de: {  	s3 =	spop (v2sf)  }
0x2df: {  	s3 =	sxor.u32 $0x80000000, s3  }
0x2e0: {  	v5 =	vmov s3  }
0x2e1: {  	v6 =	vadd.s32 $0x500, v5;
	_ =	sdelay $0x4  }
0x2e2: {  	v6 =	vld.idx.msk [tilespmem:v6+s26+$0x0], $0xffff  }
0x2e3: {  	v8 =	vmov s4;
	v7 =	vld.idx.msk [tilespmem:v5+s1+$0x0], $0xffff  }
0x2e4: {  	v9 =	vld.idx.msk [tilespmem:v5+s0+$0x0], $0xffff;
	_ =	sdelay $0x2  }
0x2e5: {  	v5 =	vld.idx.msk [tilespmem:v5+s31+$0x0], $0xffff  }
0x2e6: {  	[tilespmem:v8+s26+$0x0] =	vst.idx.msk $0x1, v6  }
0x2e7: {  	v6 =	vld [tilespmem:$0xF160]  }
0x2e8: {  	v8 =	vld [tilespmem:$0xF0E0]  }
0x2e9: {  	v10 =	vld [tilespmem:$0xF060]  }
0x2ea: {  	v11 =	vld [tilespmem:$0xF150]  }
0x2eb: {  	v12 =	vld [tilespmem:$0xF0D0]  }
0x2ec: {  	v13 =	vld [tilespmem:$0xF040];
	v6 =	vsub.f32 v6, v7  }
0x2ed: {  	v14 =	vld [tilespmem:$0xF050];
	v8 =	vsub.f32 v8, v9  }
0x2ee: {  	v15 =	vld [tilespmem:$0xF0C0];
	v10 =	vsub.f32 v10, v5  }
0x2ef: {  	v16 =	vld [tilespmem:$0xF140];
	v8 =	vmul.f32 v8, v8  }
0x2f0: {  	v11 =	vsub.f32 v11, v7;
	v10 =	vmul.f32 v10, v10;
	v17 =	vld [tilespmem:$0xF070]  }
0x2f1: {  	v6 =	vmul.f32 v6, v6;
	v13 =	vsub.f32 v13, v5;
	v18 =	vld [tilespmem:$0xF0F0]  }
0x2f2: {  	v12 =	vsub.f32 v12, v9;
	v14 =	vsub.f32 v14, v5;
	v19 =	vld [tilespmem:$0xF170]  }
0x2f3: {  	v11 =	vmul.f32 v11, v11;
	v15 =	vsub.f32 v15, v9;
	v13 =	vmul.f32 v13, v13;
	v20 =	vld [tilespmem:$0xC060]  }
0x2f4: {  	v12 =	vmul.f32 v12, v12;
	v8 =	vadd.f32 v8, v10;
	v16 =	vsub.f32 v16, v7  }
0x2f5: {  	v14 =	vmul.f32 v14, v14;
	v10 =	vmul.f32 v15, v15;
	v15 =	vld [tilespmem:$0xC050];
	v5 =	vsub.f32 v17, v5  }
0x2f6: {  	v6 =	vadd.f32 v6, v8;
	v16 =	vmul.f32 v16, v16;
	v17 =	vld [tilespmem:$0xC040];
	v8 =	vsub.f32 v18, v9  }
0x2f7: {  	v9 =	vadd.f32 v10, v13;
	v10 =	vadd.f32 v12, v14;
	v5 =	vmul.f32 v5, v5  }
.Ltmp9:
0x2f8: {  	v12 =	vsub.f32 v19, v7;
	v6 =	vmin.f32 v20, v6;
	v8 =	vmul.f32 v8, v8;
	(pc) =	sbr.rel @p1 .LBB2_15-.Ltmp9, $4  }
0x2f9: {  	v9 =	vadd.f32 v16, v9;
	v10 =	vadd.f32 v11, v10;
	[tilespmem:$0xC060] =	vst v6;
	vm0 =	vgt.f32 v6, $-1.000000000e+00;
	v7 =	vld [tilespmem:$0xC070]  }
0x2fa: {  	v12 =	vmul.f32 v12, v12;
	v11 =	vadd.f32 v8, v5  }
0x2fb: {  	v8 =	vmin.f32 v17, v9;
	v5 =	vmin.f32 v15, v10  }
0x2fc: {  	[tilespmem:$0xC040] =	vst v8;
	vm1 =	vgt.f32 v8, $-1.000000000e+00;
	vm2 =	vgt.f32 v5, $-1.000000000e+00;
	v9 =	vadd.f32 v12, v11  }
0x2fd: {  	_ = 	snop  }
0x2fe: {  	v8 =	vnsel vm1, $0xBF800000, v8;
	v10 =	vnsel vm2, $0xBF800000, v5;
	v7 =	vmin.f32 v7, v9  }
0x2ff: {  	v6 =	vnsel vm0, $0xBF800000, v6;
	v62 =	vmax.f32 v8, v10;
	vm3 =	vgt.f32 v7, $-1.000000000e+00  }
0x300: {  	v9 =	vmax.f32 v62, v6;
	v11 =	vnsel vm3, $0xBF800000, v7  }
0x301: {  	v9 =	vmax.f32 v9, v11  }
0x302: {  	(xrf0) =	vmax.scan.msk.f32 $0xffff, v9;
	_ =	sdelay $0x5  }
0x303: {  	v9, _, _ =	vpop (xrf0)  }
0x304: {  	v9 =	vbroadcast v9, $0xF;
	_ =	sdelay $0x1  }
0x305: {  	v4 =	vnsel vm2, $0x0, v4;
	vm4 =	veq.f32 v10, v9  }
0x306: {  	v4 =	vnsel vm4, $0x4000, v4  }
0x307: {  	v2 =	vnsel vm0, $0x0, v2;
	v3 =	vnsel vm3, $0x0, v3;
	v63 =	vmin.u32 v4, v1  }
0x308: {  	vm14 =	veq.f32 v8, v9;
	vm15 =	veq.f32 v6, v9;
	v6 =	vnsel vm1, $0x0, v63  }
0x309: {  	vm5 =	veq.f32 v11, v9;
	v2 =	vnsel vm15, $0x4000, v2;
	v4 =	vsel vm14, v6, v4  }
0x30a: {  	v3 =	vnsel vm5, $0x4000, v3;
	v2 =	vmin.u32 v4, v2  }
0x30b: {  	v2 =	vmin.u32 v2, v3  }
0x30c: {  	v2 =	vor.u32 $0x80000000, v2  }
0x30d: {  	(xrf0) =	vmin.scan.msk.u32 $0xffff, v2;
	_ =	sdelay $0x5  }
0x30e: {  	v2, _, _ =	vpop (xrf0)  }
0x30f: {  	(v2sf) =	vpush v2, $0xF;
	_ =	sdelay $0xe  }
0x310: {  	[tilespmem:$0xC050] =	vst v5;
	s3 =	simm.s32 $0x80;
	s2 =	spop (v2sf)  }
.Ltmp10:
0x311: {  	s4 =	simm.s32 $0x400;
	[tilespmem:$0xC070] =	vst v7;
	s2 =	rddreg [dreg:$0x9];
	(pc) =	sbr.rel .LBB2_17-.Ltmp10, $4  }
0x312: {  	[hbm4b:s2+s3] =	stream.strided.scatter [tilespmem:s26], [sflag:$0x1], $0x580, s4, s3, $0x38;
	[tilespmem:$0xF740] =	vst v63  }
0x313: {  	_ =	swait.ge [sflag:s18], $0x580  }
0x314: {  	[sflag:s18] =	ssyncset.done $0x0  }
0x315: {  	s10 =	rddreg [dreg:$0x4];
	[sflag:s18] =	ssyncadd.s32 $0xFFFFFA80  }
.LBB2_18:
0x316: {  	_ =	sfence.sel $0x180000  }
0x317: {  	[bflag:$0x0] =	sbarrier.arrive $0xFFFF  }
0x318: {  	_ =	strace $0x90000047  }
0x319: {  	s0 =	stileid.u32;
	[bflag:$0x2] =	sbarrier.arrive $0xFFFF  }
0x31a: {  	p0 =	sne.s32 s0, $0x0;
	s0 =	rddreg [dreg:$0x3]  }
0x31b: {  	s0 =	sadd.s32 @!p0 $0x100000, s0  }
0x31c: {  	[sflag:s0] =	ssyncadd.tile.s32 @!p0 $0x1;
	_ =	shalt  }
.Lfunc_end2:
_tile_overlayer_lowered:
.L_overlay_start_2:
0x31d: {  	(tag) =	ssettag $0x2  }
0x31e: {  	s0 =	rddreg [dreg:$0x0];
	s2 =	stileid.u32  }
0x31f: {  	s1 =	rddreg [dreg:$0x1];
	p0 =	sne.s32 s2, $0x0  }
0x320: {  	s3 =	rddreg [dreg:$0x2];
	[bflag:$0x3] =	sbarrier.arrive $0xFFFF;
	s2 =	simm.s32 @!p0 $0x1C01  }
0x321: {  	[timem:s3], [sflag:s2] =	dma.local @!p0 [hbm:s0], s1  }
0x322: {  	s0 =	simm.s32 @!p0 $0x1  }
0x323: {  	_ =	swait.ge @!p0 [sflag:s0], s1  }
0x324: {  	s1 =	ssub.s32 @!p0 $0x0, s1;
	[sflag:s0] =	ssyncset.done @!p0 $0x0  }
0x325: {  	[sflag:s0] =	ssyncadd.s32 @!p0 s1  }
0x326: {  	[bflag:$0x3] =	sbarrier.arrive $0xFFFF  }
0x327: {  	_ =	shalt  }

</sc_bundles>
